<compile_context>
chip_gen: v7x
topology: tpu7x:2x2x1
jax: 0.10.2.dev20260603
libtpu: 0.0.44.dev20260713+nightly
codegen_flags: <defaults>
</compile_context>

<pallas_src>
import functools

import jax
import jax.numpy as jnp
from jax import lax
from jax.experimental import pallas as pl
from jax.experimental.pallas import tpu as pltpu
from jax.experimental.pallas import tpu_sc as plsc

B, S, D, N = 8, 512, 768, 32
NSPANS = B * N
NW = 32
SPW = NSPANS // NW
CH = 16
NBLK = S // CH
BPC = B // 2
SEG = S // 4
DV = 16
NVD = D // DV
DB = 128
NDB = D // DB
VPB = DB // DV
NEG = -3.0e38


def _sc_maxpool(x1d, starts, ends):
    mesh = plsc.VectorSubcoreMesh(core_axis_name="c", subcore_axis_name="s")

    @functools.partial(
        pl.kernel,
        mesh=mesh,
        out_type=(
            jax.ShapeDtypeStruct((NSPANS * D,), jnp.float32),
            jax.ShapeDtypeStruct((B * NBLK * D,), jnp.float32),
        ),
        scratch_types=[
            pltpu.VMEM((3 * CH * D,), jnp.float32),
            pltpu.VMEM((D,), jnp.float32),
            pltpu.VMEM((24,), jnp.int32),
            pltpu.VMEM((24,), jnp.int32),
            pltpu.VMEM(((SEG // CH) * D,), jnp.float32),
            pltpu.VMEM((SPW * D,), jnp.float32),
            pltpu.SemaphoreType.DMA,
            pltpu.SemaphoreType.DMA,
            pltpu.SemaphoreType.DMA,
        ],
    )
    def kern(x_hbm, st_hbm, en_hbm, out_hbm, bm_hbm,
             buf, acc, stv, env, blkout, outstage, sem0, sem1, sem2):
        cid = lax.axis_index("c")
        sid = lax.axis_index("s")

        def issue_from(ref, off, c):
            src = ref.at[pl.ds(off, CH * D)]

            @pl.when(c % 3 == 0)
            def _():
                pltpu.async_copy(src, buf.at[pl.ds(0, CH * D)], sem0)

            @pl.when(c % 3 == 1)
            def _():
                pltpu.async_copy(src, buf.at[pl.ds(CH * D, CH * D)], sem1)

            @pl.when(c % 3 == 2)
            def _():
                pltpu.async_copy(src, buf.at[pl.ds(2 * CH * D, CH * D)], sem2)

        def wait(c):
            dummy = x_hbm.at[pl.ds(0, CH * D)]

            @pl.when(c % 3 == 0)
            def _():
                pltpu.make_async_copy(
                    dummy, buf.at[pl.ds(0, CH * D)], sem0).wait()

            @pl.when(c % 3 == 1)
            def _():
                pltpu.make_async_copy(
                    dummy, buf.at[pl.ds(CH * D, CH * D)], sem1).wait()

            @pl.when(c % 3 == 2)
            def _():
                pltpu.make_async_copy(
                    dummy, buf.at[pl.ds(2 * CH * D, CH * D)], sem2).wait()

        p1_batch = BPC * cid + sid // 4
        p1_q = sid % 4
        seg0 = p1_batch * S + p1_q * SEG
        g0 = p1_batch * NBLK + p1_q * (SEG // CH)

        NB = SEG // CH
        issue_from(x_hbm, (seg0 + 0 * CH) * D, 0)
        issue_from(x_hbm, (seg0 + 1 * CH) * D, 1)

        def blk_body(j, _):
            @pl.when(j + 2 < NB)
            def _():
                issue_from(x_hbm, (seg0 + (j + 2) * CH) * D, j + 2)

            wait(j)
            boff = (j % 3) * (CH * D)

            def db_body(db, _):
                col = boff + db * DB
                bmax = [buf[pl.ds(col + i * DV, DV)] for i in range(VPB)]
                for r in range(1, CH):
                    for i in range(VPB):
                        xv = buf[pl.ds(col + r * D + i * DV, DV)]
                        bmax[i] = jnp.maximum(bmax[i], xv)
                ocol = j * D + db * DB
                for i in range(VPB):
                    blkout[pl.ds(ocol + i * DV, DV)] = bmax[i]
                return 0

            lax.fori_loop(0, NDB, db_body, 0)
            return 0

        lax.fori_loop(0, NB, blk_body, 0)
        pltpu.sync_copy(blkout, bm_hbm.at[pl.ds(g0 * D, NB * D)])
        plsc.subcore_barrier()

        base = cid * (NSPANS // 2) + sid * SPW
        pltpu.sync_copy(st_hbm.at[pl.ds(base, SPW)], stv.at[pl.ds(0, SPW)])
        pltpu.sync_copy(en_hbm.at[pl.ds(base, SPW)], env.at[pl.ds(0, SPW)])

        def span_body(k, _):
            start = stv[pl.ds(k, 16)][0]
            end = env[pl.ds(k, 16)][0]
            s_id = base + k
            batch = s_id // N
            fb = (start + CH - 1) // CH
            lbp1 = (end + 1) // CH
            ni = jnp.maximum(lbp1 - fb, 0)
            nI = (ni + CH - 1) // CH
            total = 2 + nI
            ll = jnp.minimum(start, S - CH)
            lhi = jnp.minimum(fb * CH - 1, end)
            rlo = jnp.maximum(lbp1, fb) * CH
            rl = jnp.minimum(rlo, S - CH)
            xbase = batch * S
            gbase = batch * NBLK

            def job_params(c):
                is_l = c == 0
                is_r = c == 1
                is_e = jnp.logical_or(is_l, is_r)
                tt = c - 2
                bo = jnp.minimum(fb + tt * CH, NBLK - CH)
                return is_l, is_r, is_e, tt, bo

            def issue2(c):
                is_l, is_r, is_e, tt, bo = job_params(c)
                eoff = (xbase + jnp.where(is_l, ll, rl)) * D
                goff = (gbase + bo) * D

                @pl.when(is_e)
                def _():
                    issue_from(x_hbm, eoff, c)

                @pl.when(jnp.logical_not(is_e))
                def _():
                    issue_from(bm_hbm, goff, c)

            issue2(0)
            issue2(1)

            def init_body(j, _):
                acc[pl.ds(j * DV, DV)] = jnp.full((DV,), NEG, jnp.float32)
                return 0

            lax.fori_loop(0, NVD, init_body, 0)

            def job_body(c, _):
                @pl.when(c + 2 < total)
                def _():
                    issue2(c + 2)

                wait(c)
                is_l, is_r, is_e, tt, bo = job_params(c)
                boff = (c % 3) * (CH * D)
                vlo = jnp.where(is_l, start,
                                jnp.where(is_r, rlo, fb + tt * CH))
                vhi = jnp.where(is_l, lhi, jnp.where(is_r, end, lbp1 - 1))
                abase = jnp.where(is_l, ll, jnp.where(is_r, rl, bo))
                rlo_r = vlo - abase
                rhi_r = jnp.minimum(vhi - abase, CH - 1)

                def db_max(db, _):
                    col = db * DB
                    init = tuple(
                        acc[pl.ds(col + i * DV, DV)] for i in range(VPB))

                    def row_body(r, carry):
                        off = boff + r * D + col
                        return tuple(
                            jnp.maximum(carry[i],
                                        buf[pl.ds(off + i * DV, DV)])
                            for i in range(VPB))

                    res = lax.fori_loop(rlo_r, rhi_r + 1, row_body, init)
                    for i in range(VPB):
                        acc[pl.ds(col + i * DV, DV)] = res[i]
                    return 0

                lax.fori_loop(0, NDB, db_max, 0)
                return 0

            lax.fori_loop(0, total, job_body, 0)

            orow = k * D

            def fin_body(j, _):
                outstage[pl.ds(orow + j * DV, DV)] = acc[pl.ds(j * DV, DV)]
                return 0

            lax.fori_loop(0, NVD, fin_body, 0)
            return 0

        lax.fori_loop(0, SPW, span_body, 0)
        pltpu.sync_copy(outstage, out_hbm.at[pl.ds(base * D, SPW * D)])

    return kern(x1d, starts, ends)[0]


def _tc_meanproj(x, starts_bn, ends_bn, W, b2):

    def body(st_ref, en_ref, x_ref, w_ref, b_ref, o_ref):
        st = st_ref[0, 0]
        en = en_ref[0, 0]
        pos = lax.broadcasted_iota(jnp.int32, (N, S), 1)
        mask = jnp.logical_and(pos >= st[:, None], pos <= en[:, None])
        maskf = mask.astype(jnp.float32)
        sums = jax.lax.dot_general(
            maskf, x_ref[0],
            dimension_numbers=(((1,), (0,)), ((), ())),
            preferred_element_type=jnp.float32)
        widths = (en - st + 1).astype(jnp.float32)
        mean = sums / widths[:, None]
        o_ref[0] = jax.lax.dot_general(
            mean, w_ref[...],
            dimension_numbers=(((1,), (1,)), ((), ())),
            preferred_element_type=jnp.float32) + b_ref[...]

    return pl.pallas_call(
        body,
        grid=(B,),
        in_specs=[
            pl.BlockSpec((1, 1, N), lambda i: (i, 0, 0)),
            pl.BlockSpec((1, 1, N), lambda i: (i, 0, 0)),
            pl.BlockSpec((1, S, D), lambda i: (i, 0, 0)),
            pl.BlockSpec((D, D), lambda i: (0, 1)),
            pl.BlockSpec((1, D), lambda i: (0, 0)),
        ],
        out_specs=pl.BlockSpec((1, N, D), lambda i: (i, 0, 0)),
        out_shape=jax.ShapeDtypeStruct((B, N, D), jnp.float32),
    )(starts_bn.reshape(B, 1, N), ends_bn.reshape(B, 1, N), x, W, b2)


def _tc_maxproj(mx, W, partial):

    def body(m_ref, w_ref, p_ref, o_ref):
        o_ref[...] = jax.lax.dot_general(
            m_ref[...], w_ref[...],
            dimension_numbers=(((1,), (1,)), ((), ())),
            preferred_element_type=jnp.float32) + p_ref[...]

    return pl.pallas_call(
        body,
        grid=(1,),
        in_specs=[
            pl.BlockSpec((NSPANS, D), lambda i: (0, 0)),
            pl.BlockSpec((D, D), lambda i: (0, 0)),
            pl.BlockSpec((NSPANS, D), lambda i: (0, 0)),
        ],
        out_specs=pl.BlockSpec((NSPANS, D), lambda i: (0, 0)),
        out_shape=jax.ShapeDtypeStruct((NSPANS, D), jnp.float32),
    )(mx, W, partial)


def kernel(sentence_repr, entity_span_indices, W, b):
    x1d = sentence_repr.reshape(B * S * D)
    esi = entity_span_indices.astype(jnp.int32)
    starts_bn = esi[..., 0]
    ends_bn = esi[..., 1]
    mx = _sc_maxpool(x1d, starts_bn.reshape(NSPANS), ends_bn.reshape(NSPANS))
    partial = _tc_meanproj(sentence_repr, starts_bn, ends_bn, W,
                           b.reshape(1, D))
    out = _tc_maxproj(mx.reshape(NSPANS, D), W,
                      partial.reshape(NSPANS, D))
    return out.reshape(B, N, D)

# --- scband reference (transcript-rebuilt; emitter-appended) ---
"""Pipeline reference for scband-span-extractor-61615600828576 (READ-ONLY COPY).

The authoritative reference and input builder live on the scoring server;
editing this copy changes nothing except your own understanding.
"""

import jax, jax.numpy as jnp
import numpy as np

B, S, D, N = 8, 512, 768, 32

def setup_inputs(seed: int = 0) -> dict:
    key = jax.random.key(seed)
    k1, k2, k3, k4 = jax.random.split(key, 4)
    sentence_repr = jax.random.normal(k1, (B, S, D), dtype=jnp.float32)
    # sorted randint along last axis ensures start <= end (end inclusive)
    entity_span_indices = jnp.sort(jax.random.randint(k2, (B, N, 2), 0, S), axis=-1).astype(jnp.int64)
    # down-projection params for 'mean-max' pooling: Linear(2*D, D)
    W = jax.random.normal(k3, (D, 2 * D), dtype=jnp.float32) * (1.0 / np.sqrt(2 * D))
    b = jax.random.normal(k4, (D,), dtype=jnp.float32) * 0.01
    return {"sentence_repr": sentence_repr, "entity_span_indices": entity_span_indices, "W": W, "b": b}

def reference(sentence_repr, entity_span_indices, W, b):
    span_starts = entity_span_indices[..., 0:1]  # (B, N, 1)
    span_ends = entity_span_indices[..., 1:2]    # (B, N, 1)
    span_widths = span_ends - span_starts        # (B, N, 1)
    max_batch_span_width = sentence_repr.shape[1]
    max_span_range_indices = jnp.arange(max_batch_span_width).reshape(1, 1, -1)  # (1,1,W)
    span_mask = (max_span_range_indices <= span_widths).astype(jnp.float32)
    raw_span_indices = span_ends - max_span_range_indices                        # (B,N,W)
    span_mask = span_mask * (raw_span_indices >= 0).astype(jnp.float32)
    span_indices = jnp.maximum(raw_span_indices, 0).astype(jnp.int32)
    # batched index select (gather)
    flat_idx = span_indices.reshape(B, N * max_batch_span_width)                 # (B, N*W)
    gathered = jnp.take_along_axis(sentence_repr, flat_idx[..., None], axis=1)   # (B, N*W, D)
    span_embeddings = gathered.reshape(B, N, max_batch_span_width, D)
    widths_f = (span_ends - span_starts + 1).astype(jnp.float32)                 # (B,N,1)
    mask4 = span_mask[..., None]
    emb_max = jnp.max(span_embeddings - (1.0 - mask4) * 1e32, axis=2)            # (B,N,D)
    emb_mean = jnp.sum(span_embeddings * mask4, axis=2) / widths_f               # (B,N,D)
    cat = jnp.concatenate([emb_max, emb_mean], axis=2)                           # (B,N,2D)
    out = cat @ W.T + b                                                          # (B,N,D)
    return out

if __name__ == "__main__":
    import jax
    _d = setup_inputs()
    print(jax.jit(kernel)(*tuple(_d.values())))

</pallas_src>

<mosaic_0001>
#map = affine_map<(d0, d1) -> (0)>
module attributes {stable_mosaic.version = 14 : i64} {
  func.func @kern(%arg0: i32, %arg1: i32, %arg2: memref<3145728xf32, #tpu.memory_space<hbm>>, %arg3: memref<256xi32, #tpu.memory_space<hbm>>, %arg4: memref<256xi32, #tpu.memory_space<hbm>>, %arg5: memref<196608xf32, #tpu.memory_space<hbm>>, %arg6: memref<196608xf32, #tpu.memory_space<hbm>>, %arg7: memref<36864xf32, #tpu.memory_space<vmem>>, %arg8: memref<768xf32, #tpu.memory_space<vmem>>, %arg9: memref<24xi32, #tpu.memory_space<vmem>>, %arg10: memref<24xi32, #tpu.memory_space<vmem>>, %arg11: memref<6144xf32, #tpu.memory_space<vmem>>, %arg12: memref<6144xf32, #tpu.memory_space<vmem>>, %arg13: memref<!tpu.dma_semaphore, #tpu.memory_space<semaphore_mem>>, %arg14: memref<!tpu.dma_semaphore, #tpu.memory_space<semaphore_mem>>, %arg15: memref<!tpu.dma_semaphore, #tpu.memory_space<semaphore_mem>>) attributes {dimension_semantics = [#tpu.dimension_semantics<core_parallel>, #tpu.dimension_semantics<subcore_parallel>], iteration_bounds = array<i64: 2, 16>, scalar_prefetch = 0 : i64, scratch_operands = 9 : i64, tpu.core_type = #tpu.core_type<sc_vector_subcore>, window_params = [{transform_indices = #map}, {transform_indices = #map}, {transform_indices = #map}, {transform_indices = #map}, {transform_indices = #map}]} {
    %mul3A = arith.constant 4 : i32
    %mul3A_0 = arith.muli %mul3A, %arg0 : i32
    %jit3A = arith.constant 4 : i32
    %div3A = arith.divsi %arg1, %jit3A : i32
    %sign3A = arith.constant 0 : i32
    %sign3A_1 = arith.cmpi sgt, %arg1, %sign3A : i32
    %sign3A_2 = arith.extui %sign3A_1 : i1 to i32
    %sign3A_3 = arith.constant 0 : i32
    %sign3A_4 = arith.cmpi slt, %arg1, %sign3A_3 : i32
    %sign3A_5 = arith.extui %sign3A_4 : i1 to i32
    %sign3A_6 = arith.subi %sign3A_2, %sign3A_5 : i32
    %sign3A_7 = arith.constant 0 : i32
    %sign3A_8 = arith.cmpi sgt, %jit3A, %sign3A_7 : i32
    %sign3A_9 = arith.extui %sign3A_8 : i1 to i32
    %sign3A_10 = arith.constant 0 : i32
    %sign3A_11 = arith.cmpi slt, %jit3A, %sign3A_10 : i32
    %sign3A_12 = arith.extui %sign3A_11 : i1 to i32
    %sign3A_13 = arith.subi %sign3A_9, %sign3A_12 : i32
    %ne3A = arith.cmpi ne, %sign3A_6, %sign3A_13 : i32
    %rem3A = arith.remsi %arg1, %jit3A : i32
    %ne3A_14 = arith.constant 0 : i32
    %ne3A_15 = arith.cmpi ne, %rem3A, %ne3A_14 : i32
    %and3A = arith.andi %ne3A, %ne3A_15 : i1
    %sub3A = arith.constant 1 : i32
    %sub3A_16 = arith.subi %div3A, %sub3A : i32
    %select_n3A = arith.select %and3A, %sub3A_16, %div3A : i32
    %add3A = arith.addi %mul3A_0, %select_n3A : i32
    %jit3A_17 = arith.constant 4 : i32
    %eq3A = arith.constant 0 : i32
    %eq3A_18 = arith.cmpi eq, %jit3A_17, %eq3A : i32
    %jit3A_19 = arith.constant 1 : i32
    %select_n3A_20 = arith.select %eq3A_18, %jit3A_19, %jit3A_17 : i32
    %rem3A_21 = arith.remsi %arg1, %select_n3A_20 : i32
    %ne3A_22 = arith.constant 0 : i32
    %ne3A_23 = arith.cmpi ne, %rem3A_21, %ne3A_22 : i32
    %lt3A = arith.constant 0 : i32
    %lt3A_24 = arith.cmpi slt, %rem3A_21, %lt3A : i32
    %lt3A_25 = arith.constant 0 : i32
    %lt3A_26 = arith.cmpi slt, %select_n3A_20, %lt3A_25 : i32
    %ne3A_27 = arith.xori %lt3A_24, %lt3A_26 : i1
    %and3A_28 = arith.andi %ne3A_27, %ne3A_23 : i1
    %add3A_29 = arith.addi %rem3A_21, %select_n3A_20 : i32
    %select_n3A_30 = arith.select %and3A_28, %add3A_29, %rem3A_21 : i32
    %mul3A_31 = arith.constant 512 : i32
    %mul3A_32 = arith.muli %add3A, %mul3A_31 : i32
    %mul3A_33 = arith.constant 128 : i32
    %mul3A_34 = arith.muli %select_n3A_30, %mul3A_33 : i32
    %add3A_35 = arith.addi %mul3A_32, %mul3A_34 : i32
    %mul3A_36 = arith.constant 32 : i32
    %mul3A_37 = arith.muli %add3A, %mul3A_36 : i32
    %mul3A_38 = arith.constant 8 : i32
    %mul3A_39 = arith.muli %select_n3A_30, %mul3A_38 : i32
    %add3A_40 = arith.addi %mul3A_37, %mul3A_39 : i32
    %add3A_41 = arith.constant 0 : i32
    %add3A_42 = arith.addi %add3A_35, %add3A_41 : i32
    %mul3A_43 = arith.constant 768 : i32
    %mul3A_44 = arith.muli %add3A_42, %mul3A_43 : i32
    %dma_start3A = arith.constant 0 : i32
    %dma_start3A_45 = tpu.memref_slice %arg7[%dma_start3A] : memref<36864xf32, #tpu.memory_space<vmem>> -> memref<12288xf32, #tpu.memory_space<vmem>>
    %dma_start3A_46 = tpu.memref_slice %arg2[%mul3A_44] : memref<3145728xf32, #tpu.memory_space<hbm>> -> memref<12288xf32, #tpu.memory_space<hbm>>
    %dma_start3A_47 = arith.constant 0 : i32
    %dma_start3A_48 = tpu.memref_slice %arg7[%dma_start3A_47] : memref<36864xf32, #tpu.memory_space<vmem>> -> memref<12288xf32, #tpu.memory_space<vmem>>
    %dma_start3A_49 = tpu.memref_slice %arg2[%mul3A_44] : memref<3145728xf32, #tpu.memory_space<hbm>> -> memref<12288xf32, #tpu.memory_space<hbm>>
    tpu.enqueue_dma source(%dma_start3A_49 : memref<12288xf32, #tpu.memory_space<hbm>>) target(%dma_start3A_48 : memref<12288xf32, #tpu.memory_space<vmem>>) target_semaphore(%arg13 : memref<!tpu.dma_semaphore, #tpu.memory_space<semaphore_mem>>)
    %add3A_50 = arith.constant 16 : i32
    %add3A_51 = arith.addi %add3A_35, %add3A_50 : i32
    %mul3A_52 = arith.constant 768 : i32
    %mul3A_53 = arith.muli %add3A_51, %mul3A_52 : i32
    %dma_start3A_54 = arith.constant 12288 : i32
    %dma_start3A_55 = tpu.memref_slice %arg7[%dma_start3A_54] : memref<36864xf32, #tpu.memory_space<vmem>> -> memref<12288xf32, #tpu.memory_space<vmem>>
    %dma_start3A_56 = tpu.memref_slice %arg2[%mul3A_53] : memref<3145728xf32, #tpu.memory_space<hbm>> -> memref<12288xf32, #tpu.memory_space<hbm>>
    %dma_start3A_57 = arith.constant 12288 : i32
    %dma_start3A_58 = tpu.memref_slice %arg7[%dma_start3A_57] : memref<36864xf32, #tpu.memory_space<vmem>> -> memref<12288xf32, #tpu.memory_space<vmem>>
    %dma_start3A_59 = tpu.memref_slice %arg2[%mul3A_53] : memref<3145728xf32, #tpu.memory_space<hbm>> -> memref<12288xf32, #tpu.memory_space<hbm>>
    tpu.enqueue_dma source(%dma_start3A_59 : memref<12288xf32, #tpu.memory_space<hbm>>) target(%dma_start3A_58 : memref<12288xf32, #tpu.memory_space<vmem>>) target_semaphore(%arg14 : memref<!tpu.dma_semaphore, #tpu.memory_space<semaphore_mem>>)
    %scan3A = arith.constant 0 : i32
    %scan3A_60 = arith.constant 0 : i32
    %scan3A_61 = arith.constant 8 : i32
    %scan3A_62 = arith.addi %scan3A_60, %scan3A_61 : i32
    %scan3A_63 = arith.constant 1 : i32
    %scan3A_64 = scf.for %scan3A_82 = %scan3A_60 to %scan3A_62 step %scan3A_63 iter_args(%scan3A_83 = %scan3A) -> (i32)  : i32 {
      %add3A_84 = arith.constant 2 : i32
      %add3A_85 = arith.addi %scan3A_82, %add3A_84 : i32
      %lt3A_86 = arith.constant 8 : i32
      %lt3A_87 = arith.cmpi slt, %add3A_85, %lt3A_86 : i32
      %convert_element_type3A = arith.extui %lt3A_87 : i1 to i32
      %cond3A = arith.constant 0 : i32
      %cond3A_88 = arith.cmpi ne, %convert_element_type3A, %cond3A : i32
      scf.if %cond3A_88 {
        %add3A_178 = arith.constant 2 : i32
        %add3A_179 = arith.addi %scan3A_82, %add3A_178 : i32
        %mul3A_180 = arith.constant 16 : i32
        %mul3A_181 = arith.muli %add3A_179, %mul3A_180 : i32
        %add3A_182 = arith.addi %add3A_35, %mul3A_181 : i32
        %mul3A_183 = arith.constant 768 : i32
        %mul3A_184 = arith.muli %add3A_182, %mul3A_183 : i32
        %add3A_185 = arith.constant 2 : i32
        %add3A_186 = arith.addi %scan3A_82, %add3A_185 : i32
        %jit3A_187 = arith.constant 3 : i32
        %eq3A_188 = arith.constant 0 : i32
        %eq3A_189 = arith.cmpi eq, %jit3A_187, %eq3A_188 : i32
        %jit3A_190 = arith.constant 1 : i32
        %select_n3A_191 = arith.select %eq3A_189, %jit3A_190, %jit3A_187 : i32
        %rem3A_192 = arith.remsi %add3A_186, %select_n3A_191 : i32
        %ne3A_193 = arith.constant 0 : i32
        %ne3A_194 = arith.cmpi ne, %rem3A_192, %ne3A_193 : i32
        %lt3A_195 = arith.constant 0 : i32
        %lt3A_196 = arith.cmpi slt, %rem3A_192, %lt3A_195 : i32
        %lt3A_197 = arith.constant 0 : i32
        %lt3A_198 = arith.cmpi slt, %select_n3A_191, %lt3A_197 : i32
        %ne3A_199 = arith.xori %lt3A_196, %lt3A_198 : i1
        %and3A_200 = arith.andi %ne3A_199, %ne3A_194 : i1
        %add3A_201 = arith.addi %rem3A_192, %select_n3A_191 : i32
        %select_n3A_202 = arith.select %and3A_200, %add3A_201, %rem3A_192 : i32
        %eq3A_203 = arith.constant 0 : i32
        %eq3A_204 = arith.cmpi eq, %select_n3A_202, %eq3A_203 : i32
        %convert_element_type3A_205 = arith.extui %eq3A_204 : i1 to i32
        %cond3A_206 = arith.constant 0 : i32
        %cond3A_207 = arith.cmpi ne, %convert_element_type3A_205, %cond3A_206 : i32
        scf.if %cond3A_207 {
          %dma_start3A_250 = arith.constant 0 : i32
          %dma_start3A_251 = tpu.memref_slice %arg7[%dma_start3A_250] : memref<36864xf32, #tpu.memory_space<vmem>> -> memref<12288xf32, #tpu.memory_space<vmem>>
          %dma_start3A_252 = tpu.memref_slice %arg2[%mul3A_184] : memref<3145728xf32, #tpu.memory_space<hbm>> -> memref<12288xf32, #tpu.memory_space<hbm>>
          %dma_start3A_253 = arith.constant 0 : i32
          %dma_start3A_254 = tpu.memref_slice %arg7[%dma_start3A_253] : memref<36864xf32, #tpu.memory_space<vmem>> -> memref<12288xf32, #tpu.memory_space<vmem>>
          %dma_start3A_255 = tpu.memref_slice %arg2[%mul3A_184] : memref<3145728xf32, #tpu.memory_space<hbm>> -> memref<12288xf32, #tpu.memory_space<hbm>>
          tpu.enqueue_dma source(%dma_start3A_255 : memref<12288xf32, #tpu.memory_space<hbm>>) target(%dma_start3A_254 : memref<12288xf32, #tpu.memory_space<vmem>>) target_semaphore(%arg13 : memref<!tpu.dma_semaphore, #tpu.memory_space<semaphore_mem>>)
        } else {
        }
        %jit3A_208 = arith.constant 3 : i32
        %eq3A_209 = arith.constant 0 : i32
        %eq3A_210 = arith.cmpi eq, %jit3A_208, %eq3A_209 : i32
        %jit3A_211 = arith.constant 1 : i32
        %select_n3A_212 = arith.select %eq3A_210, %jit3A_211, %jit3A_208 : i32
        %rem3A_213 = arith.remsi %add3A_186, %select_n3A_212 : i32
        %ne3A_214 = arith.constant 0 : i32
        %ne3A_215 = arith.cmpi ne, %rem3A_213, %ne3A_214 : i32
        %lt3A_216 = arith.constant 0 : i32
        %lt3A_217 = arith.cmpi slt, %rem3A_213, %lt3A_216 : i32
        %lt3A_218 = arith.constant 0 : i32
        %lt3A_219 = arith.cmpi slt, %select_n3A_212, %lt3A_218 : i32
        %ne3A_220 = arith.xori %lt3A_217, %lt3A_219 : i1
        %and3A_221 = arith.andi %ne3A_220, %ne3A_215 : i1
        %add3A_222 = arith.addi %rem3A_213, %select_n3A_212 : i32
        %select_n3A_223 = arith.select %and3A_221, %add3A_222, %rem3A_213 : i32
        %eq3A_224 = arith.constant 1 : i32
        %eq3A_225 = arith.cmpi eq, %select_n3A_223, %eq3A_224 : i32
        %convert_element_type3A_226 = arith.extui %eq3A_225 : i1 to i32
        %cond3A_227 = arith.constant 0 : i32
        %cond3A_228 = arith.cmpi ne, %convert_element_type3A_226, %cond3A_227 : i32
        scf.if %cond3A_228 {
          %dma_start3A_250 = arith.constant 12288 : i32
          %dma_start3A_251 = tpu.memref_slice %arg7[%dma_start3A_250] : memref<36864xf32, #tpu.memory_space<vmem>> -> memref<12288xf32, #tpu.memory_space<vmem>>
          %dma_start3A_252 = tpu.memref_slice %arg2[%mul3A_184] : memref<3145728xf32, #tpu.memory_space<hbm>> -> memref<12288xf32, #tpu.memory_space<hbm>>
          %dma_start3A_253 = arith.constant 12288 : i32
          %dma_start3A_254 = tpu.memref_slice %arg7[%dma_start3A_253] : memref<36864xf32, #tpu.memory_space<vmem>> -> memref<12288xf32, #tpu.memory_space<vmem>>
          %dma_start3A_255 = tpu.memref_slice %arg2[%mul3A_184] : memref<3145728xf32, #tpu.memory_space<hbm>> -> memref<12288xf32, #tpu.memory_space<hbm>>
          tpu.enqueue_dma source(%dma_start3A_255 : memref<12288xf32, #tpu.memory_space<hbm>>) target(%dma_start3A_254 : memref<12288xf32, #tpu.memory_space<vmem>>) target_semaphore(%arg14 : memref<!tpu.dma_semaphore, #tpu.memory_space<semaphore_mem>>)
        } else {
        }
        %jit3A_229 = arith.constant 3 : i32
        %eq3A_230 = arith.constant 0 : i32
        %eq3A_231 = arith.cmpi eq, %jit3A_229, %eq3A_230 : i32
        %jit3A_232 = arith.constant 1 : i32
        %select_n3A_233 = arith.select %eq3A_231, %jit3A_232, %jit3A_229 : i32
        %rem3A_234 = arith.remsi %add3A_186, %select_n3A_233 : i32
        %ne3A_235 = arith.constant 0 : i32
        %ne3A_236 = arith.cmpi ne, %rem3A_234, %ne3A_235 : i32
        %lt3A_237 = arith.constant 0 : i32
        %lt3A_238 = arith.cmpi slt, %rem3A_234, %lt3A_237 : i32
        %lt3A_239 = arith.constant 0 : i32
        %lt3A_240 = arith.cmpi slt, %select_n3A_233, %lt3A_239 : i32
        %ne3A_241 = arith.xori %lt3A_238, %lt3A_240 : i1
        %and3A_242 = arith.andi %ne3A_241, %ne3A_236 : i1
        %add3A_243 = arith.addi %rem3A_234, %select_n3A_233 : i32
        %select_n3A_244 = arith.select %and3A_242, %add3A_243, %rem3A_234 : i32
        %eq3A_245 = arith.constant 2 : i32
        %eq3A_246 = arith.cmpi eq, %select_n3A_244, %eq3A_245 : i32
        %convert_element_type3A_247 = arith.extui %eq3A_246 : i1 to i32
        %cond3A_248 = arith.constant 0 : i32
        %cond3A_249 = arith.cmpi ne, %convert_element_type3A_247, %cond3A_248 : i32
        scf.if %cond3A_249 {
          %dma_start3A_250 = arith.constant 24576 : i32
          %dma_start3A_251 = tpu.memref_slice %arg7[%dma_start3A_250] : memref<36864xf32, #tpu.memory_space<vmem>> -> memref<12288xf32, #tpu.memory_space<vmem>>
          %dma_start3A_252 = tpu.memref_slice %arg2[%mul3A_184] : memref<3145728xf32, #tpu.memory_space<hbm>> -> memref<12288xf32, #tpu.memory_space<hbm>>
          %dma_start3A_253 = arith.constant 24576 : i32
          %dma_start3A_254 = tpu.memref_slice %arg7[%dma_start3A_253] : memref<36864xf32, #tpu.memory_space<vmem>> -> memref<12288xf32, #tpu.memory_space<vmem>>
          %dma_start3A_255 = tpu.memref_slice %arg2[%mul3A_184] : memref<3145728xf32, #tpu.memory_space<hbm>> -> memref<12288xf32, #tpu.memory_space<hbm>>
          tpu.enqueue_dma source(%dma_start3A_255 : memref<12288xf32, #tpu.memory_space<hbm>>) target(%dma_start3A_254 : memref<12288xf32, #tpu.memory_space<vmem>>) target_semaphore(%arg15 : memref<!tpu.dma_semaphore, #tpu.memory_space<semaphore_mem>>)
        } else {
        }
      } else {
      }
      %jit3A_89 = arith.constant 3 : i32
      %eq3A_90 = arith.constant 0 : i32
      %eq3A_91 = arith.cmpi eq, %jit3A_89, %eq3A_90 : i32
      %jit3A_92 = arith.constant 1 : i32
      %select_n3A_93 = arith.select %eq3A_91, %jit3A_92, %jit3A_89 : i32
      %rem3A_94 = arith.remsi %scan3A_82, %select_n3A_93 : i32
      %ne3A_95 = arith.constant 0 : i32
      %ne3A_96 = arith.cmpi ne, %rem3A_94, %ne3A_95 : i32
      %lt3A_97 = arith.constant 0 : i32
      %lt3A_98 = arith.cmpi slt, %rem3A_94, %lt3A_97 : i32
      %lt3A_99 = arith.constant 0 : i32
      %lt3A_100 = arith.cmpi slt, %select_n3A_93, %lt3A_99 : i32
      %ne3A_101 = arith.xori %lt3A_98, %lt3A_100 : i1
      %and3A_102 = arith.andi %ne3A_101, %ne3A_96 : i1
      %add3A_103 = arith.addi %rem3A_94, %select_n3A_93 : i32
      %select_n3A_104 = arith.select %and3A_102, %add3A_103, %rem3A_94 : i32
      %eq3A_105 = arith.constant 0 : i32
      %eq3A_106 = arith.cmpi eq, %select_n3A_104, %eq3A_105 : i32
      %convert_element_type3A_107 = arith.extui %eq3A_106 : i1 to i32
      %cond3A_108 = arith.constant 0 : i32
      %cond3A_109 = arith.cmpi ne, %convert_element_type3A_107, %cond3A_108 : i32
      scf.if %cond3A_109 {
        %dma_wait3A = arith.constant 0 : i32
        %dma_wait3A_178 = tpu.memref_slice %arg7[%dma_wait3A] : memref<36864xf32, #tpu.memory_space<vmem>> -> memref<12288xf32, #tpu.memory_space<vmem>>
        %dma_wait3A_179 = arith.constant 0 : i32
        %dma_wait3A_180 = tpu.memref_slice %arg2[%dma_wait3A_179] : memref<3145728xf32, #tpu.memory_space<hbm>> -> memref<12288xf32, #tpu.memory_space<hbm>>
        %dma_wait3A_181 = arith.constant 0 : i32
        %dma_wait3A_182 = tpu.memref_slice %arg7[%dma_wait3A_181] : memref<36864xf32, #tpu.memory_space<vmem>> -> memref<12288xf32, #tpu.memory_space<vmem>>
        %dma_wait3A_183 = arith.constant 0 : i32
        %dma_wait3A_184 = tpu.memref_slice %arg2[%dma_wait3A_183] : memref<3145728xf32, #tpu.memory_space<hbm>> -> memref<12288xf32, #tpu.memory_space<hbm>>
        tpu.wait_dma2 semaphore(%arg13 : memref<!tpu.dma_semaphore, #tpu.memory_space<semaphore_mem>>) src(%dma_wait3A_184 : memref<12288xf32, #tpu.memory_space<hbm>>) dst(%dma_wait3A_182 : memref<12288xf32, #tpu.memory_space<vmem>>)
      } else {
      }
      %jit3A_110 = arith.constant 3 : i32
      %eq3A_111 = arith.constant 0 : i32
      %eq3A_112 = arith.cmpi eq, %jit3A_110, %eq3A_111 : i32
      %jit3A_113 = arith.constant 1 : i32
      %select_n3A_114 = arith.select %eq3A_112, %jit3A_113, %jit3A_110 : i32
      %rem3A_115 = arith.remsi %scan3A_82, %select_n3A_114 : i32
      %ne3A_116 = arith.constant 0 : i32
      %ne3A_117 = arith.cmpi ne, %rem3A_115, %ne3A_116 : i32
      %lt3A_118 = arith.constant 0 : i32
      %lt3A_119 = arith.cmpi slt, %rem3A_115, %lt3A_118 : i32
      %lt3A_120 = arith.constant 0 : i32
      %lt3A_121 = arith.cmpi slt, %select_n3A_114, %lt3A_120 : i32
      %ne3A_122 = arith.xori %lt3A_119, %lt3A_121 : i1
      %and3A_123 = arith.andi %ne3A_122, %ne3A_117 : i1
      %add3A_124 = arith.addi %rem3A_115, %select_n3A_114 : i32
      %select_n3A_125 = arith.select %and3A_123, %add3A_124, %rem3A_115 : i32
      %eq3A_126 = arith.constant 1 : i32
      %eq3A_127 = arith.cmpi eq, %select_n3A_125, %eq3A_126 : i32
      %convert_element_type3A_128 = arith.extui %eq3A_127 : i1 to i32
      %cond3A_129 = arith.constant 0 : i32
      %cond3A_130 = arith.cmpi ne, %convert_element_type3A_128, %cond3A_129 : i32
      scf.if %cond3A_130 {
        %dma_wait3A = arith.constant 12288 : i32
        %dma_wait3A_178 = tpu.memref_slice %arg7[%dma_wait3A] : memref<36864xf32, #tpu.memory_space<vmem>> -> memref<12288xf32, #tpu.memory_space<vmem>>
        %dma_wait3A_179 = arith.constant 0 : i32
        %dma_wait3A_180 = tpu.memref_slice %arg2[%dma_wait3A_179] : memref<3145728xf32, #tpu.memory_space<hbm>> -> memref<12288xf32, #tpu.memory_space<hbm>>
        %dma_wait3A_181 = arith.constant 12288 : i32
        %dma_wait3A_182 = tpu.memref_slice %arg7[%dma_wait3A_181] : memref<36864xf32, #tpu.memory_space<vmem>> -> memref<12288xf32, #tpu.memory_space<vmem>>
        %dma_wait3A_183 = arith.constant 0 : i32
        %dma_wait3A_184 = tpu.memref_slice %arg2[%dma_wait3A_183] : memref<3145728xf32, #tpu.memory_space<hbm>> -> memref<12288xf32, #tpu.memory_space<hbm>>
        tpu.wait_dma2 semaphore(%arg14 : memref<!tpu.dma_semaphore, #tpu.memory_space<semaphore_mem>>) src(%dma_wait3A_184 : memref<12288xf32, #tpu.memory_space<hbm>>) dst(%dma_wait3A_182 : memref<12288xf32, #tpu.memory_space<vmem>>)
      } else {
      }
      %jit3A_131 = arith.constant 3 : i32
      %eq3A_132 = arith.constant 0 : i32
      %eq3A_133 = arith.cmpi eq, %jit3A_131, %eq3A_132 : i32
      %jit3A_134 = arith.constant 1 : i32
      %select_n3A_135 = arith.select %eq3A_133, %jit3A_134, %jit3A_131 : i32
      %rem3A_136 = arith.remsi %scan3A_82, %select_n3A_135 : i32
      %ne3A_137 = arith.constant 0 : i32
      %ne3A_138 = arith.cmpi ne, %rem3A_136, %ne3A_137 : i32
      %lt3A_139 = arith.constant 0 : i32
      %lt3A_140 = arith.cmpi slt, %rem3A_136, %lt3A_139 : i32
      %lt3A_141 = arith.constant 0 : i32
      %lt3A_142 = arith.cmpi slt, %select_n3A_135, %lt3A_141 : i32
      %ne3A_143 = arith.xori %lt3A_140, %lt3A_142 : i1
      %and3A_144 = arith.andi %ne3A_143, %ne3A_138 : i1
      %add3A_145 = arith.addi %rem3A_136, %select_n3A_135 : i32
      %select_n3A_146 = arith.select %and3A_144, %add3A_145, %rem3A_136 : i32
      %eq3A_147 = arith.constant 2 : i32
      %eq3A_148 = arith.cmpi eq, %select_n3A_146, %eq3A_147 : i32
      %convert_element_type3A_149 = arith.extui %eq3A_148 : i1 to i32
      %cond3A_150 = arith.constant 0 : i32
      %cond3A_151 = arith.cmpi ne, %convert_element_type3A_149, %cond3A_150 : i32
      scf.if %cond3A_151 {
        %dma_wait3A = arith.constant 24576 : i32
        %dma_wait3A_178 = tpu.memref_slice %arg7[%dma_wait3A] : memref<36864xf32, #tpu.memory_space<vmem>> -> memref<12288xf32, #tpu.memory_space<vmem>>
        %dma_wait3A_179 = arith.constant 0 : i32
        %dma_wait3A_180 = tpu.memref_slice %arg2[%dma_wait3A_179] : memref<3145728xf32, #tpu.memory_space<hbm>> -> memref<12288xf32, #tpu.memory_space<hbm>>
        %dma_wait3A_181 = arith.constant 24576 : i32
        %dma_wait3A_182 = tpu.memref_slice %arg7[%dma_wait3A_181] : memref<36864xf32, #tpu.memory_space<vmem>> -> memref<12288xf32, #tpu.memory_space<vmem>>
        %dma_wait3A_183 = arith.constant 0 : i32
        %dma_wait3A_184 = tpu.memref_slice %arg2[%dma_wait3A_183] : memref<3145728xf32, #tpu.memory_space<hbm>> -> memref<12288xf32, #tpu.memory_space<hbm>>
        tpu.wait_dma2 semaphore(%arg15 : memref<!tpu.dma_semaphore, #tpu.memory_space<semaphore_mem>>) src(%dma_wait3A_184 : memref<12288xf32, #tpu.memory_space<hbm>>) dst(%dma_wait3A_182 : memref<12288xf32, #tpu.memory_space<vmem>>)
      } else {
      }
      %jit3A_152 = arith.constant 3 : i32
      %eq3A_153 = arith.constant 0 : i32
      %eq3A_154 = arith.cmpi eq, %jit3A_152, %eq3A_153 : i32
      %jit3A_155 = arith.constant 1 : i32
      %select_n3A_156 = arith.select %eq3A_154, %jit3A_155, %jit3A_152 : i32
      %rem3A_157 = arith.remsi %scan3A_82, %select_n3A_156 : i32
      %ne3A_158 = arith.constant 0 : i32
      %ne3A_159 = arith.cmpi ne, %rem3A_157, %ne3A_158 : i32
      %lt3A_160 = arith.constant 0 : i32
      %lt3A_161 = arith.cmpi slt, %rem3A_157, %lt3A_160 : i32
      %lt3A_162 = arith.constant 0 : i32
      %lt3A_163 = arith.cmpi slt, %select_n3A_156, %lt3A_162 : i32
      %ne3A_164 = arith.xori %lt3A_161, %lt3A_163 : i1
      %and3A_165 = arith.andi %ne3A_164, %ne3A_159 : i1
      %add3A_166 = arith.addi %rem3A_157, %select_n3A_156 : i32
      %select_n3A_167 = arith.select %and3A_165, %add3A_166, %rem3A_157 : i32
      %mul3A_168 = arith.constant 12288 : i32
      %mul3A_169 = arith.muli %select_n3A_167, %mul3A_168 : i32
      %scan3A_170 = arith.constant 0 : i32
      %scan3A_171 = arith.constant 0 : i32
      %scan3A_172 = arith.constant 6 : i32
      %scan3A_173 = arith.addi %scan3A_171, %scan3A_172 : i32
      %scan3A_174 = arith.constant 1 : i32
      %scan3A_175 = scf.for %scan3A_178 = %scan3A_171 to %scan3A_173 step %scan3A_174 iter_args(%scan3A_179 = %scan3A_170) -> (i32)  : i32 {
        %mul3A_180 = arith.constant 128 : i32
        %mul3A_181 = arith.muli %scan3A_178, %mul3A_180 : i32
        %add3A_182 = arith.addi %mul3A_169, %mul3A_181 : i32
        %add3A_183 = arith.constant 0 : i32
        %add3A_184 = arith.addi %add3A_182, %add3A_183 : i32
        %get3A = arith.index_cast %add3A_184 : i32 to index
        %get3A_185 = tpu.vector_load %arg7[%get3A] {strides = array<i32>} : memref<36864xf32, #tpu.memory_space<vmem>>, vector<16xf32>,
        %get3A_186 = vector.shape_cast %get3A_185 : vector<16xf32> to vector<16xf32>
        %add3A_187 = arith.constant 16 : i32
        %add3A_188 = arith.addi %add3A_182, %add3A_187 : i32
        %get3A_189 = arith.index_cast %add3A_188 : i32 to index
        %get3A_190 = tpu.vector_load %arg7[%get3A_189] {strides = array<i32>} : memref<36864xf32, #tpu.memory_space<vmem>>, vector<16xf32>,
        %get3A_191 = vector.shape_cast %get3A_190 : vector<16xf32> to vector<16xf32>
        %add3A_192 = arith.constant 32 : i32
        %add3A_193 = arith.addi %add3A_182, %add3A_192 : i32
        %get3A_194 = arith.index_cast %add3A_193 : i32 to index
        %get3A_195 = tpu.vector_load %arg7[%get3A_194] {strides = array<i32>} : memref<36864xf32, #tpu.memory_space<vmem>>, vector<16xf32>,
        %get3A_196 = vector.shape_cast %get3A_195 : vector<16xf32> to vector<16xf32>
        %add3A_197 = arith.constant 48 : i32
        %add3A_198 = arith.addi %add3A_182, %add3A_197 : i32
        %get3A_199 = arith.index_cast %add3A_198 : i32 to index
        %get3A_200 = tpu.vector_load %arg7[%get3A_199] {strides = array<i32>} : memref<36864xf32, #tpu.memory_space<vmem>>, vector<16xf32>,
        %get3A_201 = vector.shape_cast %get3A_200 : vector<16xf32> to vector<16xf32>
        %add3A_202 = arith.constant 64 : i32
        %add3A_203 = arith.addi %add3A_182, %add3A_202 : i32
        %get3A_204 = arith.index_cast %add3A_203 : i32 to index
        %get3A_205 = tpu.vector_load %arg7[%get3A_204] {strides = array<i32>} : memref<36864xf32, #tpu.memory_space<vmem>>, vector<16xf32>,
        %get3A_206 = vector.shape_cast %get3A_205 : vector<16xf32> to vector<16xf32>
        %add3A_207 = arith.constant 80 : i32
        %add3A_208 = arith.addi %add3A_182, %add3A_207 : i32
        %get3A_209 = arith.index_cast %add3A_208 : i32 to index
        %get3A_210 = tpu.vector_load %arg7[%get3A_209] {strides = array<i32>} : memref<36864xf32, #tpu.memory_space<vmem>>, vector<16xf32>,
        %get3A_211 = vector.shape_cast %get3A_210 : vector<16xf32> to vector<16xf32>
        %add3A_212 = arith.constant 96 : i32
        %add3A_213 = arith.addi %add3A_182, %add3A_212 : i32
        %get3A_214 = arith.index_cast %add3A_213 : i32 to index
        %get3A_215 = tpu.vector_load %arg7[%get3A_214] {strides = array<i32>} : memref<36864xf32, #tpu.memory_space<vmem>>, vector<16xf32>,
        %get3A_216 = vector.shape_cast %get3A_215 : vector<16xf32> to vector<16xf32>
        %add3A_217 = arith.constant 112 : i32
        %add3A_218 = arith.addi %add3A_182, %add3A_217 : i32
        %get3A_219 = arith.index_cast %add3A_218 : i32 to index
        %get3A_220 = tpu.vector_load %arg7[%get3A_219] {strides = array<i32>} : memref<36864xf32, #tpu.memory_space<vmem>>, vector<16xf32>,
        %get3A_221 = vector.shape_cast %get3A_220 : vector<16xf32> to vector<16xf32>
        %add3A_222 = arith.constant 768 : i32
        %add3A_223 = arith.addi %add3A_182, %add3A_222 : i32
        %add3A_224 = arith.constant 0 : i32
        %add3A_225 = arith.addi %add3A_223, %add3A_224 : i32
        %get3A_226 = arith.index_cast %add3A_225 : i32 to index
        %get3A_227 = tpu.vector_load %arg7[%get3A_226] {strides = array<i32>} : memref<36864xf32, #tpu.memory_space<vmem>>, vector<16xf32>,
        %get3A_228 = vector.shape_cast %get3A_227 : vector<16xf32> to vector<16xf32>
        %max3A = arith.maximumf %get3A_186, %get3A_228 : vector<16xf32>
        %add3A_229 = arith.constant 768 : i32
        %add3A_230 = arith.addi %add3A_182, %add3A_229 : i32
        %add3A_231 = arith.constant 16 : i32
        %add3A_232 = arith.addi %add3A_230, %add3A_231 : i32
        %get3A_233 = arith.index_cast %add3A_232 : i32 to index
        %get3A_234 = tpu.vector_load %arg7[%get3A_233] {strides = array<i32>} : memref<36864xf32, #tpu.memory_space<vmem>>, vector<16xf32>,
        %get3A_235 = vector.shape_cast %get3A_234 : vector<16xf32> to vector<16xf32>
        %max3A_236 = arith.maximumf %get3A_191, %get3A_235 : vector<16xf32>
        %add3A_237 = arith.constant 768 : i32
        %add3A_238 = arith.addi %add3A_182, %add3A_237 : i32
        %add3A_239 = arith.constant 32 : i32
        %add3A_240 = arith.addi %add3A_238, %add3A_239 : i32
        %get3A_241 = arith.index_cast %add3A_240 : i32 to index
        %get3A_242 = tpu.vector_load %arg7[%get3A_241] {strides = array<i32>} : memref<36864xf32, #tpu.memory_space<vmem>>, vector<16xf32>,
        %get3A_243 = vector.shape_cast %get3A_242 : vector<16xf32> to vector<16xf32>
        %max3A_244 = arith.maximumf %get3A_196, %get3A_243 : vector<16xf32>
        %add3A_245 = arith.constant 768 : i32
        %add3A_246 = arith.addi %add3A_182, %add3A_245 : i32
        %add3A_247 = arith.constant 48 : i32
        %add3A_248 = arith.addi %add3A_246, %add3A_247 : i32
        %get3A_249 = arith.index_cast %add3A_248 : i32 to index
        %get3A_250 = tpu.vector_load %arg7[%get3A_249] {strides = array<i32>} : memref<36864xf32, #tpu.memory_space<vmem>>, vector<16xf32>,
        %get3A_251 = vector.shape_cast %get3A_250 : vector<16xf32> to vector<16xf32>
        %max3A_252 = arith.maximumf %get3A_201, %get3A_251 : vector<16xf32>
        %add3A_253 = arith.constant 768 : i32
        %add3A_254 = arith.addi %add3A_182, %add3A_253 : i32
        %add3A_255 = arith.constant 64 : i32
        %add3A_256 = arith.addi %add3A_254, %add3A_255 : i32
        %get3A_257 = arith.index_cast %add3A_256 : i32 to index
        %get3A_258 = tpu.vector_load %arg7[%get3A_257] {strides = array<i32>} : memref<36864xf32, #tpu.memory_space<vmem>>, vector<16xf32>,
        %get3A_259 = vector.shape_cast %get3A_258 : vector<16xf32> to vector<16xf32>
        %max3A_260 = arith.maximumf %get3A_206, %get3A_259 : vector<16xf32>
        %add3A_261 = arith.constant 768 : i32
        %add3A_262 = arith.addi %add3A_182, %add3A_261 : i32
        %add3A_263 = arith.constant 80 : i32
        %add3A_264 = arith.addi %add3A_262, %add3A_263 : i32
        %get3A_265 = arith.index_cast %add3A_264 : i32 to index
        %get3A_266 = tpu.vector_load %arg7[%get3A_265] {strides = array<i32>} : memref<36864xf32, #tpu.memory_space<vmem>>, vector<16xf32>,
        %get3A_267 = vector.shape_cast %get3A_266 : vector<16xf32> to vector<16xf32>
        %max3A_268 = arith.maximumf %get3A_211, %get3A_267 : vector<16xf32>
        %add3A_269 = arith.constant 768 : i32
        %add3A_270 = arith.addi %add3A_182, %add3A_269 : i32
        %add3A_271 = arith.constant 96 : i32
        %add3A_272 = arith.addi %add3A_270, %add3A_271 : i32
        %get3A_273 = arith.index_cast %add3A_272 : i32 to index
        %get3A_274 = tpu.vector_load %arg7[%get3A_273] {strides = array<i32>} : memref<36864xf32, #tpu.memory_space<vmem>>, vector<16xf32>,
        %get3A_275 = vector.shape_cast %get3A_274 : vector<16xf32> to vector<16xf32>
        %max3A_276 = arith.maximumf %get3A_216, %get3A_275 : vector<16xf32>
        %add3A_277 = arith.constant 768 : i32
        %add3A_278 = arith.addi %add3A_182, %add3A_277 : i32
        %add3A_279 = arith.constant 112 : i32
        %add3A_280 = arith.addi %add3A_278, %add3A_279 : i32
        %get3A_281 = arith.index_cast %add3A_280 : i32 to index
        %get3A_282 = tpu.vector_load %arg7[%get3A_281] {strides = array<i32>} : memref<36864xf32, #tpu.memory_space<vmem>>, vector<16xf32>,
        %get3A_283 = vector.shape_cast %get3A_282 : vector<16xf32> to vector<16xf32>
        %max3A_284 = arith.maximumf %get3A_221, %get3A_283 : vector<16xf32>
        %add3A_285 = arith.constant 1536 : i32
        %add3A_286 = arith.addi %add3A_182, %add3A_285 : i32
        %add3A_287 = arith.constant 0 : i32
        %add3A_288 = arith.addi %add3A_286, %add3A_287 : i32
        %get3A_289 = arith.index_cast %add3A_288 : i32 to index
        %get3A_290 = tpu.vector_load %arg7[%get3A_289] {strides = array<i32>} : memref<36864xf32, #tpu.memory_space<vmem>>, vector<16xf32>,
        %get3A_291 = vector.shape_cast %get3A_290 : vector<16xf32> to vector<16xf32>
        %max3A_292 = arith.maximumf %max3A, %get3A_291 : vector<16xf32>
        %add3A_293 = arith.constant 1536 : i32
        %add3A_294 = arith.addi %add3A_182, %add3A_293 : i32
        %add3A_295 = arith.constant 16 : i32
        %add3A_296 = arith.addi %add3A_294, %add3A_295 : i32
        %get3A_297 = arith.index_cast %add3A_296 : i32 to index
        %get3A_298 = tpu.vector_load %arg7[%get3A_297] {strides = array<i32>} : memref<36864xf32, #tpu.memory_space<vmem>>, vector<16xf32>,
        %get3A_299 = vector.shape_cast %get3A_298 : vector<16xf32> to vector<16xf32>
        %max3A_300 = arith.maximumf %max3A_236, %get3A_299 : vector<16xf32>
        %add3A_301 = arith.constant 1536 : i32
        %add3A_302 = arith.addi %add3A_182, %add3A_301 : i32
        %add3A_303 = arith.constant 32 : i32
        %add3A_304 = arith.addi %add3A_302, %add3A_303 : i32
        %get3A_305 = arith.index_cast %add3A_304 : i32 to index
        %get3A_306 = tpu.vector_load %arg7[%get3A_305] {strides = array<i32>} : memref<36864xf32, #tpu.memory_space<vmem>>, vector<16xf32>,
        %get3A_307 = vector.shape_cast %get3A_306 : vector<16xf32> to vector<16xf32>
        %max3A_308 = arith.maximumf %max3A_244, %get3A_307 : vector<16xf32>
        %add3A_309 = arith.constant 1536 : i32
        %add3A_310 = arith.addi %add3A_182, %add3A_309 : i32
        %add3A_311 = arith.constant 48 : i32
        %add3A_312 = arith.addi %add3A_310, %add3A_311 : i32
        %get3A_313 = arith.index_cast %add3A_312 : i32 to index
        %get3A_314 = tpu.vector_load %arg7[%get3A_313] {strides = array<i32>} : memref<36864xf32, #tpu.memory_space<vmem>>, vector<16xf32>,
        %get3A_315 = vector.shape_cast %get3A_314 : vector<16xf32> to vector<16xf32>
        %max3A_316 = arith.maximumf %max3A_252, %get3A_315 : vector<16xf32>
        %add3A_317 = arith.constant 1536 : i32
        %add3A_318 = arith.addi %add3A_182, %add3A_317 : i32
        %add3A_319 = arith.constant 64 : i32
        %add3A_320 = arith.addi %add3A_318, %add3A_319 : i32
        %get3A_321 = arith.index_cast %add3A_320 : i32 to index
        %get3A_322 = tpu.vector_load %arg7[%get3A_321] {strides = array<i32>} : memref<36864xf32, #tpu.memory_space<vmem>>, vector<16xf32>,
        %get3A_323 = vector.shape_cast %get3A_322 : vector<16xf32> to vector<16xf32>
        %max3A_324 = arith.maximumf %max3A_260, %get3A_323 : vector<16xf32>
        %add3A_325 = arith.constant 1536 : i32
        %add3A_326 = arith.addi %add3A_182, %add3A_325 : i32
        %add3A_327 = arith.constant 80 : i32
        %add3A_328 = arith.addi %add3A_326, %add3A_327 : i32
        %get3A_329 = arith.index_cast %add3A_328 : i32 to index
        %get3A_330 = tpu.vector_load %arg7[%get3A_329] {strides = array<i32>} : memref<36864xf32, #tpu.memory_space<vmem>>, vector<16xf32>,
        %get3A_331 = vector.shape_cast %get3A_330 : vector<16xf32> to vector<16xf32>
        %max3A_332 = arith.maximumf %max3A_268, %get3A_331 : vector<16xf32>
        %add3A_333 = arith.constant 1536 : i32
        %add3A_334 = arith.addi %add3A_182, %add3A_333 : i32
        %add3A_335 = arith.constant 96 : i32
        %add3A_336 = arith.addi %add3A_334, %add3A_335 : i32
        %get3A_337 = arith.index_cast %add3A_336 : i32 to index
        %get3A_338 = tpu.vector_load %arg7[%get3A_337] {strides = array<i32>} : memref<36864xf32, #tpu.memory_space<vmem>>, vector<16xf32>,
        %get3A_339 = vector.shape_cast %get3A_338 : vector<16xf32> to vector<16xf32>
        %max3A_340 = arith.maximumf %max3A_276, %get3A_339 : vector<16xf32>
        %add3A_341 = arith.constant 1536 : i32
        %add3A_342 = arith.addi %add3A_182, %add3A_341 : i32
        %add3A_343 = arith.constant 112 : i32
        %add3A_344 = arith.addi %add3A_342, %add3A_343 : i32
        %get3A_345 = arith.index_cast %add3A_344 : i32 to index
        %get3A_346 = tpu.vector_load %arg7[%get3A_345] {strides = array<i32>} : memref<36864xf32, #tpu.memory_space<vmem>>, vector<16xf32>,
        %get3A_347 = vector.shape_cast %get3A_346 : vector<16xf32> to vector<16xf32>
        %max3A_348 = arith.maximumf %max3A_284, %get3A_347 : vector<16xf32>
        %add3A_349 = arith.constant 2304 : i32
        %add3A_350 = arith.addi %add3A_182, %add3A_349 : i32
        %add3A_351 = arith.constant 0 : i32
        %add3A_352 = arith.addi %add3A_350, %add3A_351 : i32
        %get3A_353 = arith.index_cast %add3A_352 : i32 to index
        %get3A_354 = tpu.vector_load %arg7[%get3A_353] {strides = array<i32>} : memref<36864xf32, #tpu.memory_space<vmem>>, vector<16xf32>,
        %get3A_355 = vector.shape_cast %get3A_354 : vector<16xf32> to vector<16xf32>
        %max3A_356 = arith.maximumf %max3A_292, %get3A_355 : vector<16xf32>
        %add3A_357 = arith.constant 2304 : i32
        %add3A_358 = arith.addi %add3A_182, %add3A_357 : i32
        %add3A_359 = arith.constant 16 : i32
        %add3A_360 = arith.addi %add3A_358, %add3A_359 : i32
        %get3A_361 = arith.index_cast %add3A_360 : i32 to index
        %get3A_362 = tpu.vector_load %arg7[%get3A_361] {strides = array<i32>} : memref<36864xf32, #tpu.memory_space<vmem>>, vector<16xf32>,
        %get3A_363 = vector.shape_cast %get3A_362 : vector<16xf32> to vector<16xf32>
        %max3A_364 = arith.maximumf %max3A_300, %get3A_363 : vector<16xf32>
        %add3A_365 = arith.constant 2304 : i32
        %add3A_366 = arith.addi %add3A_182, %add3A_365 : i32
        %add3A_367 = arith.constant 32 : i32
        %add3A_368 = arith.addi %add3A_366, %add3A_367 : i32
        %get3A_369 = arith.index_cast %add3A_368 : i32 to index
        %get3A_370 = tpu.vector_load %arg7[%get3A_369] {strides = array<i32>} : memref<36864xf32, #tpu.memory_space<vmem>>, vector<16xf32>,
        %get3A_371 = vector.shape_cast %get3A_370 : vector<16xf32> to vector<16xf32>
        %max3A_372 = arith.maximumf %max3A_308, %get3A_371 : vector<16xf32>
        %add3A_373 = arith.constant 2304 : i32
        %add3A_374 = arith.addi %add3A_182, %add3A_373 : i32
        %add3A_375 = arith.constant 48 : i32
        %add3A_376 = arith.addi %add3A_374, %add3A_375 : i32
        %get3A_377 = arith.index_cast %add3A_376 : i32 to index
        %get3A_378 = tpu.vector_load %arg7[%get3A_377] {strides = array<i32>} : memref<36864xf32, #tpu.memory_space<vmem>>, vector<16xf32>,
        %get3A_379 = vector.shape_cast %get3A_378 : vector<16xf32> to vector<16xf32>
        %max3A_380 = arith.maximumf %max3A_316, %get3A_379 : vector<16xf32>
        %add3A_381 = arith.constant 2304 : i32
        %add3A_382 = arith.addi %add3A_182, %add3A_381 : i32
        %add3A_383 = arith.constant 64 : i32
        %add3A_384 = arith.addi %add3A_382, %add3A_383 : i32
        %get3A_385 = arith.index_cast %add3A_384 : i32 to index
        %get3A_386 = tpu.vector_load %arg7[%get3A_385] {strides = array<i32>} : memref<36864xf32, #tpu.memory_space<vmem>>, vector<16xf32>,
        %get3A_387 = vector.shape_cast %get3A_386 : vector<16xf32> to vector<16xf32>
        %max3A_388 = arith.maximumf %max3A_324, %get3A_387 : vector<16xf32>
        %add3A_389 = arith.constant 2304 : i32
        %add3A_390 = arith.addi %add3A_182, %add3A_389 : i32
        %add3A_391 = arith.constant 80 : i32
        %add3A_392 = arith.addi %add3A_390, %add3A_391 : i32
        %get3A_393 = arith.index_cast %add3A_392 : i32 to index
        %get3A_394 = tpu.vector_load %arg7[%get3A_393] {strides = array<i32>} : memref<36864xf32, #tpu.memory_space<vmem>>, vector<16xf32>,
        %get3A_395 = vector.shape_cast %get3A_394 : vector<16xf32> to vector<16xf32>
        %max3A_396 = arith.maximumf %max3A_332, %get3A_395 : vector<16xf32>
        %add3A_397 = arith.constant 2304 : i32
        %add3A_398 = arith.addi %add3A_182, %add3A_397 : i32
        %add3A_399 = arith.constant 96 : i32
        %add3A_400 = arith.addi %add3A_398, %add3A_399 : i32
        %get3A_401 = arith.index_cast %add3A_400 : i32 to index
        %get3A_402 = tpu.vector_load %arg7[%get3A_401] {strides = array<i32>} : memref<36864xf32, #tpu.memory_space<vmem>>, vector<16xf32>,
        %get3A_403 = vector.shape_cast %get3A_402 : vector<16xf32> to vector<16xf32>
        %max3A_404 = arith.maximumf %max3A_340, %get3A_403 : vector<16xf32>
        %add3A_405 = arith.constant 2304 : i32
        %add3A_406 = arith.addi %add3A_182, %add3A_405 : i32
        %add3A_407 = arith.constant 112 : i32
        %add3A_408 = arith.addi %add3A_406, %add3A_407 : i32
        %get3A_409 = arith.index_cast %add3A_408 : i32 to index
        %get3A_410 = tpu.vector_load %arg7[%get3A_409] {strides = array<i32>} : memref<36864xf32, #tpu.memory_space<vmem>>, vector<16xf32>,
        %get3A_411 = vector.shape_cast %get3A_410 : vector<16xf32> to vector<16xf32>
        %max3A_412 = arith.maximumf %max3A_348, %get3A_411 : vector<16xf32>
        %add3A_413 = arith.constant 3072 : i32
        %add3A_414 = arith.addi %add3A_182, %add3A_413 : i32
        %add3A_415 = arith.constant 0 : i32
        %add3A_416 = arith.addi %add3A_414, %add3A_415 : i32
        %get3A_417 = arith.index_cast %add3A_416 : i32 to index
        %get3A_418 = tpu.vector_load %arg7[%get3A_417] {strides = array<i32>} : memref<36864xf32, #tpu.memory_space<vmem>>, vector<16xf32>,
        %get3A_419 = vector.shape_cast %get3A_418 : vector<16xf32> to vector<16xf32>
        %max3A_420 = arith.maximumf %max3A_356, %get3A_419 : vector<16xf32>
        %add3A_421 = arith.constant 3072 : i32
        %add3A_422 = arith.addi %add3A_182, %add3A_421 : i32
        %add3A_423 = arith.constant 16 : i32
        %add3A_424 = arith.addi %add3A_422, %add3A_423 : i32
        %get3A_425 = arith.index_cast %add3A_424 : i32 to index
        %get3A_426 = tpu.vector_load %arg7[%get3A_425] {strides = array<i32>} : memref<36864xf32, #tpu.memory_space<vmem>>, vector<16xf32>,
        %get3A_427 = vector.shape_cast %get3A_426 : vector<16xf32> to vector<16xf32>
        %max3A_428 = arith.maximumf %max3A_364, %get3A_427 : vector<16xf32>
        %add3A_429 = arith.constant 3072 : i32
        %add3A_430 = arith.addi %add3A_182, %add3A_429 : i32
        %add3A_431 = arith.constant 32 : i32
        %add3A_432 = arith.addi %add3A_430, %add3A_431 : i32
        %get3A_433 = arith.index_cast %add3A_432 : i32 to index
        %get3A_434 = tpu.vector_load %arg7[%get3A_433] {strides = array<i32>} : memref<36864xf32, #tpu.memory_space<vmem>>, vector<16xf32>,
        %get3A_435 = vector.shape_cast %get3A_434 : vector<16xf32> to vector<16xf32>
        %max3A_436 = arith.maximumf %max3A_372, %get3A_435 : vector<16xf32>
        %add3A_437 = arith.constant 3072 : i32
        %add3A_438 = arith.addi %add3A_182, %add3A_437 : i32
        %add3A_439 = arith.constant 48 : i32
        %add3A_440 = arith.addi %add3A_438, %add3A_439 : i32
        %get3A_441 = arith.index_cast %add3A_440 : i32 to index
        %get3A_442 = tpu.vector_load %arg7[%get3A_441] {strides = array<i32>} : memref<36864xf32, #tpu.memory_space<vmem>>, vector<16xf32>,
        %get3A_443 = vector.shape_cast %get3A_442 : vector<16xf32> to vector<16xf32>
        %max3A_444 = arith.maximumf %max3A_380, %get3A_443 : vector<16xf32>
        %add3A_445 = arith.constant 3072 : i32
        %add3A_446 = arith.addi %add3A_182, %add3A_445 : i32
        %add3A_447 = arith.constant 64 : i32
        %add3A_448 = arith.addi %add3A_446, %add3A_447 : i32
        %get3A_449 = arith.index_cast %add3A_448 : i32 to index
        %get3A_450 = tpu.vector_load %arg7[%get3A_449] {strides = array<i32>} : memref<36864xf32, #tpu.memory_space<vmem>>, vector<16xf32>,
        %get3A_451 = vector.shape_cast %get3A_450 : vector<16xf32> to vector<16xf32>
        %max3A_452 = arith.maximumf %max3A_388, %get3A_451 : vector<16xf32>
        %add3A_453 = arith.constant 3072 : i32
        %add3A_454 = arith.addi %add3A_182, %add3A_453 : i32
        %add3A_455 = arith.constant 80 : i32
        %add3A_456 = arith.addi %add3A_454, %add3A_455 : i32
        %get3A_457 = arith.index_cast %add3A_456 : i32 to index
        %get3A_458 = tpu.vector_load %arg7[%get3A_457] {strides = array<i32>} : memref<36864xf32, #tpu.memory_space<vmem>>, vector<16xf32>,
        %get3A_459 = vector.shape_cast %get3A_458 : vector<16xf32> to vector<16xf32>
        %max3A_460 = arith.maximumf %max3A_396, %get3A_459 : vector<16xf32>
        %add3A_461 = arith.constant 3072 : i32
        %add3A_462 = arith.addi %add3A_182, %add3A_461 : i32
        %add3A_463 = arith.constant 96 : i32
        %add3A_464 = arith.addi %add3A_462, %add3A_463 : i32
        %get3A_465 = arith.index_cast %add3A_464 : i32 to index
        %get3A_466 = tpu.vector_load %arg7[%get3A_465] {strides = array<i32>} : memref<36864xf32, #tpu.memory_space<vmem>>, vector<16xf32>,
        %get3A_467 = vector.shape_cast %get3A_466 : vector<16xf32> to vector<16xf32>
        %max3A_468 = arith.maximumf %max3A_404, %get3A_467 : vector<16xf32>
        %add3A_469 = arith.constant 3072 : i32
        %add3A_470 = arith.addi %add3A_182, %add3A_469 : i32
        %add3A_471 = arith.constant 112 : i32
        %add3A_472 = arith.addi %add3A_470, %add3A_471 : i32
        %get3A_473 = arith.index_cast %add3A_472 : i32 to index
        %get3A_474 = tpu.vector_load %arg7[%get3A_473] {strides = array<i32>} : memref<36864xf32, #tpu.memory_space<vmem>>, vector<16xf32>,
        %get3A_475 = vector.shape_cast %get3A_474 : vector<16xf32> to vector<16xf32>
        %max3A_476 = arith.maximumf %max3A_412, %get3A_475 : vector<16xf32>
        %add3A_477 = arith.constant 3840 : i32
        %add3A_478 = arith.addi %add3A_182, %add3A_477 : i32
        %add3A_479 = arith.constant 0 : i32
        %add3A_480 = arith.addi %add3A_478, %add3A_479 : i32
        %get3A_481 = arith.index_cast %add3A_480 : i32 to index
        %get3A_482 = tpu.vector_load %arg7[%get3A_481] {strides = array<i32>} : memref<36864xf32, #tpu.memory_space<vmem>>, vector<16xf32>,
        %get3A_483 = vector.shape_cast %get3A_482 : vector<16xf32> to vector<16xf32>
        %max3A_484 = arith.maximumf %max3A_420, %get3A_483 : vector<16xf32>
        %add3A_485 = arith.constant 3840 : i32
        %add3A_486 = arith.addi %add3A_182, %add3A_485 : i32
        %add3A_487 = arith.constant 16 : i32
        %add3A_488 = arith.addi %add3A_486, %add3A_487 : i32
        %get3A_489 = arith.index_cast %add3A_488 : i32 to index
        %get3A_490 = tpu.vector_load %arg7[%get3A_489] {strides = array<i32>} : memref<36864xf32, #tpu.memory_space<vmem>>, vector<16xf32>,
        %get3A_491 = vector.shape_cast %get3A_490 : vector<16xf32> to vector<16xf32>
        %max3A_492 = arith.maximumf %max3A_428, %get3A_491 : vector<16xf32>
        %add3A_493 = arith.constant 3840 : i32
        %add3A_494 = arith.addi %add3A_182, %add3A_493 : i32
        %add3A_495 = arith.constant 32 : i32
        %add3A_496 = arith.addi %add3A_494, %add3A_495 : i32
        %get3A_497 = arith.index_cast %add3A_496 : i32 to index
        %get3A_498 = tpu.vector_load %arg7[%get3A_497] {strides = array<i32>} : memref<36864xf32, #tpu.memory_space<vmem>>, vector<16xf32>,
        %get3A_499 = vector.shape_cast %get3A_498 : vector<16xf32> to vector<16xf32>
        %max3A_500 = arith.maximumf %max3A_436, %get3A_499 : vector<16xf32>
        %add3A_501 = arith.constant 3840 : i32
        %add3A_502 = arith.addi %add3A_182, %add3A_501 : i32
        %add3A_503 = arith.constant 48 : i32
        %add3A_504 = arith.addi %add3A_502, %add3A_503 : i32
        %get3A_505 = arith.index_cast %add3A_504 : i32 to index
        %get3A_506 = tpu.vector_load %arg7[%get3A_505] {strides = array<i32>} : memref<36864xf32, #tpu.memory_space<vmem>>, vector<16xf32>,
        %get3A_507 = vector.shape_cast %get3A_506 : vector<16xf32> to vector<16xf32>
        %max3A_508 = arith.maximumf %max3A_444, %get3A_507 : vector<16xf32>
        %add3A_509 = arith.constant 3840 : i32
        %add3A_510 = arith.addi %add3A_182, %add3A_509 : i32
        %add3A_511 = arith.constant 64 : i32
        %add3A_512 = arith.addi %add3A_510, %add3A_511 : i32
        %get3A_513 = arith.index_cast %add3A_512 : i32 to index
        %get3A_514 = tpu.vector_load %arg7[%get3A_513] {strides = array<i32>} : memref<36864xf32, #tpu.memory_space<vmem>>, vector<16xf32>,
        %get3A_515 = vector.shape_cast %get3A_514 : vector<16xf32> to vector<16xf32>
        %max3A_516 = arith.maximumf %max3A_452, %get3A_515 : vector<16xf32>
        %add3A_517 = arith.constant 3840 : i32
        %add3A_518 = arith.addi %add3A_182, %add3A_517 : i32
        %add3A_519 = arith.constant 80 : i32
        %add3A_520 = arith.addi %add3A_518, %add3A_519 : i32
        %get3A_521 = arith.index_cast %add3A_520 : i32 to index
        %get3A_522 = tpu.vector_load %arg7[%get3A_521] {strides = array<i32>} : memref<36864xf32, #tpu.memory_space<vmem>>, vector<16xf32>,
        %get3A_523 = vector.shape_cast %get3A_522 : vector<16xf32> to vector<16xf32>
        %max3A_524 = arith.maximumf %max3A_460, %get3A_523 : vector<16xf32>
        %add3A_525 = arith.constant 3840 : i32
        %add3A_526 = arith.addi %add3A_182, %add3A_525 : i32
        %add3A_527 = arith.constant 96 : i32
        %add3A_528 = arith.addi %add3A_526, %add3A_527 : i32
        %get3A_529 = arith.index_cast %add3A_528 : i32 to index
        %get3A_530 = tpu.vector_load %arg7[%get3A_529] {strides = array<i32>} : memref<36864xf32, #tpu.memory_space<vmem>>, vector<16xf32>,
        %get3A_531 = vector.shape_cast %get3A_530 : vector<16xf32> to vector<16xf32>
        %max3A_532 = arith.maximumf %max3A_468, %get3A_531 : vector<16xf32>
        %add3A_533 = arith.constant 3840 : i32
        %add3A_534 = arith.addi %add3A_182, %add3A_533 : i32
        %add3A_535 = arith.constant 112 : i32
        %add3A_536 = arith.addi %add3A_534, %add3A_535 : i32
        %get3A_537 = arith.index_cast %add3A_536 : i32 to index
        %get3A_538 = tpu.vector_load %arg7[%get3A_537] {strides = array<i32>} : memref<36864xf32, #tpu.memory_space<vmem>>, vector<16xf32>,
        %get3A_539 = vector.shape_cast %get3A_538 : vector<16xf32> to vector<16xf32>
        %max3A_540 = arith.maximumf %max3A_476, %get3A_539 : vector<16xf32>
        %add3A_541 = arith.constant 4608 : i32
        %add3A_542 = arith.addi %add3A_182, %add3A_541 : i32
        %add3A_543 = arith.constant 0 : i32
        %add3A_544 = arith.addi %add3A_542, %add3A_543 : i32
        %get3A_545 = arith.index_cast %add3A_544 : i32 to index
        %get3A_546 = tpu.vector_load %arg7[%get3A_545] {strides = array<i32>} : memref<36864xf32, #tpu.memory_space<vmem>>, vector<16xf32>,
        %get3A_547 = vector.shape_cast %get3A_546 : vector<16xf32> to vector<16xf32>
        %max3A_548 = arith.maximumf %max3A_484, %get3A_547 : vector<16xf32>
        %add3A_549 = arith.constant 4608 : i32
        %add3A_550 = arith.addi %add3A_182, %add3A_549 : i32
        %add3A_551 = arith.constant 16 : i32
        %add3A_552 = arith.addi %add3A_550, %add3A_551 : i32
        %get3A_553 = arith.index_cast %add3A_552 : i32 to index
        %get3A_554 = tpu.vector_load %arg7[%get3A_553] {strides = array<i32>} : memref<36864xf32, #tpu.memory_space<vmem>>, vector<16xf32>,
        %get3A_555 = vector.shape_cast %get3A_554 : vector<16xf32> to vector<16xf32>
        %max3A_556 = arith.maximumf %max3A_492, %get3A_555 : vector<16xf32>
        %add3A_557 = arith.constant 4608 : i32
        %add3A_558 = arith.addi %add3A_182, %add3A_557 : i32
        %add3A_559 = arith.constant 32 : i32
        %add3A_560 = arith.addi %add3A_558, %add3A_559 : i32
        %get3A_561 = arith.index_cast %add3A_560 : i32 to index
        %get3A_562 = tpu.vector_load %arg7[%get3A_561] {strides = array<i32>} : memref<36864xf32, #tpu.memory_space<vmem>>, vector<16xf32>,
        %get3A_563 = vector.shape_cast %get3A_562 : vector<16xf32> to vector<16xf32>
        %max3A_564 = arith.maximumf %max3A_500, %get3A_563 : vector<16xf32>
        %add3A_565 = arith.constant 4608 : i32
        %add3A_566 = arith.addi %add3A_182, %add3A_565 : i32
        %add3A_567 = arith.constant 48 : i32
        %add3A_568 = arith.addi %add3A_566, %add3A_567 : i32
        %get3A_569 = arith.index_cast %add3A_568 : i32 to index
        %get3A_570 = tpu.vector_load %arg7[%get3A_569] {strides = array<i32>} : memref<36864xf32, #tpu.memory_space<vmem>>, vector<16xf32>,
        %get3A_571 = vector.shape_cast %get3A_570 : vector<16xf32> to vector<16xf32>
        %max3A_572 = arith.maximumf %max3A_508, %get3A_571 : vector<16xf32>
        %add3A_573 = arith.constant 4608 : i32
        %add3A_574 = arith.addi %add3A_182, %add3A_573 : i32
        %add3A_575 = arith.constant 64 : i32
        %add3A_576 = arith.addi %add3A_574, %add3A_575 : i32
        %get3A_577 = arith.index_cast %add3A_576 : i32 to index
        %get3A_578 = tpu.vector_load %arg7[%get3A_577] {strides = array<i32>} : memref<36864xf32, #tpu.memory_space<vmem>>, vector<16xf32>,
        %get3A_579 = vector.shape_cast %get3A_578 : vector<16xf32> to vector<16xf32>
        %max3A_580 = arith.maximumf %max3A_516, %get3A_579 : vector<16xf32>
        %add3A_581 = arith.constant 4608 : i32
        %add3A_582 = arith.addi %add3A_182, %add3A_581 : i32
        %add3A_583 = arith.constant 80 : i32
        %add3A_584 = arith.addi %add3A_582, %add3A_583 : i32
        %get3A_585 = arith.index_cast %add3A_584 : i32 to index
        %get3A_586 = tpu.vector_load %arg7[%get3A_585] {strides = array<i32>} : memref<36864xf32, #tpu.memory_space<vmem>>, vector<16xf32>,
        %get3A_587 = vector.shape_cast %get3A_586 : vector<16xf32> to vector<16xf32>
        %max3A_588 = arith.maximumf %max3A_524, %get3A_587 : vector<16xf32>
        %add3A_589 = arith.constant 4608 : i32
        %add3A_590 = arith.addi %add3A_182, %add3A_589 : i32
        %add3A_591 = arith.constant 96 : i32
        %add3A_592 = arith.addi %add3A_590, %add3A_591 : i32
        %get3A_593 = arith.index_cast %add3A_592 : i32 to index
        %get3A_594 = tpu.vector_load %arg7[%get3A_593] {strides = array<i32>} : memref<36864xf32, #tpu.memory_space<vmem>>, vector<16xf32>,
        %get3A_595 = vector.shape_cast %get3A_594 : vector<16xf32> to vector<16xf32>
        %max3A_596 = arith.maximumf %max3A_532, %get3A_595 : vector<16xf32>
        %add3A_597 = arith.constant 4608 : i32
        %add3A_598 = arith.addi %add3A_182, %add3A_597 : i32
        %add3A_599 = arith.constant 112 : i32
        %add3A_600 = arith.addi %add3A_598, %add3A_599 : i32
        %get3A_601 = arith.index_cast %add3A_600 : i32 to index
        %get3A_602 = tpu.vector_load %arg7[%get3A_601] {strides = array<i32>} : memref<36864xf32, #tpu.memory_space<vmem>>, vector<16xf32>,
        %get3A_603 = vector.shape_cast %get3A_602 : vector<16xf32> to vector<16xf32>
        %max3A_604 = arith.maximumf %max3A_540, %get3A_603 : vector<16xf32>
        %add3A_605 = arith.constant 5376 : i32
        %add3A_606 = arith.addi %add3A_182, %add3A_605 : i32
        %add3A_607 = arith.constant 0 : i32
        %add3A_608 = arith.addi %add3A_606, %add3A_607 : i32
        %get3A_609 = arith.index_cast %add3A_608 : i32 to index
        %get3A_610 = tpu.vector_load %arg7[%get3A_609] {strides = array<i32>} : memref<36864xf32, #tpu.memory_space<vmem>>, vector<16xf32>,
        %get3A_611 = vector.shape_cast %get3A_610 : vector<16xf32> to vector<16xf32>
        %max3A_612 = arith.maximumf %max3A_548, %get3A_611 : vector<16xf32>
        %add3A_613 = arith.constant 5376 : i32
        %add3A_614 = arith.addi %add3A_182, %add3A_613 : i32
        %add3A_615 = arith.constant 16 : i32
        %add3A_616 = arith.addi %add3A_614, %add3A_615 : i32
        %get3A_617 = arith.index_cast %add3A_616 : i32 to index
        %get3A_618 = tpu.vector_load %arg7[%get3A_617] {strides = array<i32>} : memref<36864xf32, #tpu.memory_space<vmem>>, vector<16xf32>,
        %get3A_619 = vector.shape_cast %get3A_618 : vector<16xf32> to vector<16xf32>
        %max3A_620 = arith.maximumf %max3A_556, %get3A_619 : vector<16xf32>
        %add3A_621 = arith.constant 5376 : i32
        %add3A_622 = arith.addi %add3A_182, %add3A_621 : i32
        %add3A_623 = arith.constant 32 : i32
        %add3A_624 = arith.addi %add3A_622, %add3A_623 : i32
        %get3A_625 = arith.index_cast %add3A_624 : i32 to index
        %get3A_626 = tpu.vector_load %arg7[%get3A_625] {strides = array<i32>} : memref<36864xf32, #tpu.memory_space<vmem>>, vector<16xf32>,
        %get3A_627 = vector.shape_cast %get3A_626 : vector<16xf32> to vector<16xf32>
        %max3A_628 = arith.maximumf %max3A_564, %get3A_627 : vector<16xf32>
        %add3A_629 = arith.constant 5376 : i32
        %add3A_630 = arith.addi %add3A_182, %add3A_629 : i32
        %add3A_631 = arith.constant 48 : i32
        %add3A_632 = arith.addi %add3A_630, %add3A_631 : i32
        %get3A_633 = arith.index_cast %add3A_632 : i32 to index
        %get3A_634 = tpu.vector_load %arg7[%get3A_633] {strides = array<i32>} : memref<36864xf32, #tpu.memory_space<vmem>>, vector<16xf32>,
        %get3A_635 = vector.shape_cast %get3A_634 : vector<16xf32> to vector<16xf32>
        %max3A_636 = arith.maximumf %max3A_572, %get3A_635 : vector<16xf32>
        %add3A_637 = arith.constant 5376 : i32
        %add3A_638 = arith.addi %add3A_182, %add3A_637 : i32
        %add3A_639 = arith.constant 64 : i32
        %add3A_640 = arith.addi %add3A_638, %add3A_639 : i32
        %get3A_641 = arith.index_cast %add3A_640 : i32 to index
        %get3A_642 = tpu.vector_load %arg7[%get3A_641] {strides = array<i32>} : memref<36864xf32, #tpu.memory_space<vmem>>, vector<16xf32>,
        %get3A_643 = vector.shape_cast %get3A_642 : vector<16xf32> to vector<16xf32>
        %max3A_644 = arith.maximumf %max3A_580, %get3A_643 : vector<16xf32>
        %add3A_645 = arith.constant 5376 : i32
        %add3A_646 = arith.addi %add3A_182, %add3A_645 : i32
        %add3A_647 = arith.constant 80 : i32
        %add3A_648 = arith.addi %add3A_646, %add3A_647 : i32
        %get3A_649 = arith.index_cast %add3A_648 : i32 to index
        %get3A_650 = tpu.vector_load %arg7[%get3A_649] {strides = array<i32>} : memref<36864xf32, #tpu.memory_space<vmem>>, vector<16xf32>,
        %get3A_651 = vector.shape_cast %get3A_650 : vector<16xf32> to vector<16xf32>
        %max3A_652 = arith.maximumf %max3A_588, %get3A_651 : vector<16xf32>
        %add3A_653 = arith.constant 5376 : i32
        %add3A_654 = arith.addi %add3A_182, %add3A_653 : i32
        %add3A_655 = arith.constant 96 : i32
        %add3A_656 = arith.addi %add3A_654, %add3A_655 : i32
        %get3A_657 = arith.index_cast %add3A_656 : i32 to index
        %get3A_658 = tpu.vector_load %arg7[%get3A_657] {strides = array<i32>} : memref<36864xf32, #tpu.memory_space<vmem>>, vector<16xf32>,
        %get3A_659 = vector.shape_cast %get3A_658 : vector<16xf32> to vector<16xf32>
        %max3A_660 = arith.maximumf %max3A_596, %get3A_659 : vector<16xf32>
        %add3A_661 = arith.constant 5376 : i32
        %add3A_662 = arith.addi %add3A_182, %add3A_661 : i32
        %add3A_663 = arith.constant 112 : i32
        %add3A_664 = arith.addi %add3A_662, %add3A_663 : i32
        %get3A_665 = arith.index_cast %add3A_664 : i32 to index
        %get3A_666 = tpu.vector_load %arg7[%get3A_665] {strides = array<i32>} : memref<36864xf32, #tpu.memory_space<vmem>>, vector<16xf32>,
        %get3A_667 = vector.shape_cast %get3A_666 : vector<16xf32> to vector<16xf32>
        %max3A_668 = arith.maximumf %max3A_604, %get3A_667 : vector<16xf32>
        %add3A_669 = arith.constant 6144 : i32
        %add3A_670 = arith.addi %add3A_182, %add3A_669 : i32
        %add3A_671 = arith.constant 0 : i32
        %add3A_672 = arith.addi %add3A_670, %add3A_671 : i32
        %get3A_673 = arith.index_cast %add3A_672 : i32 to index
        %get3A_674 = tpu.vector_load %arg7[%get3A_673] {strides = array<i32>} : memref<36864xf32, #tpu.memory_space<vmem>>, vector<16xf32>,
        %get3A_675 = vector.shape_cast %get3A_674 : vector<16xf32> to vector<16xf32>
        %max3A_676 = arith.maximumf %max3A_612, %get3A_675 : vector<16xf32>
        %add3A_677 = arith.constant 6144 : i32
        %add3A_678 = arith.addi %add3A_182, %add3A_677 : i32
        %add3A_679 = arith.constant 16 : i32
        %add3A_680 = arith.addi %add3A_678, %add3A_679 : i32
        %get3A_681 = arith.index_cast %add3A_680 : i32 to index
        %get3A_682 = tpu.vector_load %arg7[%get3A_681] {strides = array<i32>} : memref<36864xf32, #tpu.memory_space<vmem>>, vector<16xf32>,
        %get3A_683 = vector.shape_cast %get3A_682 : vector<16xf32> to vector<16xf32>
        %max3A_684 = arith.maximumf %max3A_620, %get3A_683 : vector<16xf32>
        %add3A_685 = arith.constant 6144 : i32
        %add3A_686 = arith.addi %add3A_182, %add3A_685 : i32
        %add3A_687 = arith.constant 32 : i32
        %add3A_688 = arith.addi %add3A_686, %add3A_687 : i32
        %get3A_689 = arith.index_cast %add3A_688 : i32 to index
        %get3A_690 = tpu.vector_load %arg7[%get3A_689] {strides = array<i32>} : memref<36864xf32, #tpu.memory_space<vmem>>, vector<16xf32>,
        %get3A_691 = vector.shape_cast %get3A_690 : vector<16xf32> to vector<16xf32>
        %max3A_692 = arith.maximumf %max3A_628, %get3A_691 : vector<16xf32>
        %add3A_693 = arith.constant 6144 : i32
        %add3A_694 = arith.addi %add3A_182, %add3A_693 : i32
        %add3A_695 = arith.constant 48 : i32
        %add3A_696 = arith.addi %add3A_694, %add3A_695 : i32
        %get3A_697 = arith.index_cast %add3A_696 : i32 to index
        %get3A_698 = tpu.vector_load %arg7[%get3A_697] {strides = array<i32>} : memref<36864xf32, #tpu.memory_space<vmem>>, vector<16xf32>,
        %get3A_699 = vector.shape_cast %get3A_698 : vector<16xf32> to vector<16xf32>
        %max3A_700 = arith.maximumf %max3A_636, %get3A_699 : vector<16xf32>
        %add3A_701 = arith.constant 6144 : i32
        %add3A_702 = arith.addi %add3A_182, %add3A_701 : i32
        %add3A_703 = arith.constant 64 : i32
        %add3A_704 = arith.addi %add3A_702, %add3A_703 : i32
        %get3A_705 = arith.index_cast %add3A_704 : i32 to index
        %get3A_706 = tpu.vector_load %arg7[%get3A_705] {strides = array<i32>} : memref<36864xf32, #tpu.memory_space<vmem>>, vector<16xf32>,
        %get3A_707 = vector.shape_cast %get3A_706 : vector<16xf32> to vector<16xf32>
        %max3A_708 = arith.maximumf %max3A_644, %get3A_707 : vector<16xf32>
        %add3A_709 = arith.constant 6144 : i32
        %add3A_710 = arith.addi %add3A_182, %add3A_709 : i32
        %add3A_711 = arith.constant 80 : i32
        %add3A_712 = arith.addi %add3A_710, %add3A_711 : i32
        %get3A_713 = arith.index_cast %add3A_712 : i32 to index
        %get3A_714 = tpu.vector_load %arg7[%get3A_713] {strides = array<i32>} : memref<36864xf32, #tpu.memory_space<vmem>>, vector<16xf32>,
        %get3A_715 = vector.shape_cast %get3A_714 : vector<16xf32> to vector<16xf32>
        %max3A_716 = arith.maximumf %max3A_652, %get3A_715 : vector<16xf32>
        %add3A_717 = arith.constant 6144 : i32
        %add3A_718 = arith.addi %add3A_182, %add3A_717 : i32
        %add3A_719 = arith.constant 96 : i32
        %add3A_720 = arith.addi %add3A_718, %add3A_719 : i32
        %get3A_721 = arith.index_cast %add3A_720 : i32 to index
        %get3A_722 = tpu.vector_load %arg7[%get3A_721] {strides = array<i32>} : memref<36864xf32, #tpu.memory_space<vmem>>, vector<16xf32>,
        %get3A_723 = vector.shape_cast %get3A_722 : vector<16xf32> to vector<16xf32>
        %max3A_724 = arith.maximumf %max3A_660, %get3A_723 : vector<16xf32>
        %add3A_725 = arith.constant 6144 : i32
        %add3A_726 = arith.addi %add3A_182, %add3A_725 : i32
        %add3A_727 = arith.constant 112 : i32
        %add3A_728 = arith.addi %add3A_726, %add3A_727 : i32
        %get3A_729 = arith.index_cast %add3A_728 : i32 to index
        %get3A_730 = tpu.vector_load %arg7[%get3A_729] {strides = array<i32>} : memref<36864xf32, #tpu.memory_space<vmem>>, vector<16xf32>,
        %get3A_731 = vector.shape_cast %get3A_730 : vector<16xf32> to vector<16xf32>
        %max3A_732 = arith.maximumf %max3A_668, %get3A_731 : vector<16xf32>
        %add3A_733 = arith.constant 6912 : i32
        %add3A_734 = arith.addi %add3A_182, %add3A_733 : i32
        %add3A_735 = arith.constant 0 : i32
        %add3A_736 = arith.addi %add3A_734, %add3A_735 : i32
        %get3A_737 = arith.index_cast %add3A_736 : i32 to index
        %get3A_738 = tpu.vector_load %arg7[%get3A_737] {strides = array<i32>} : memref<36864xf32, #tpu.memory_space<vmem>>, vector<16xf32>,
        %get3A_739 = vector.shape_cast %get3A_738 : vector<16xf32> to vector<16xf32>
        %max3A_740 = arith.maximumf %max3A_676, %get3A_739 : vector<16xf32>
        %add3A_741 = arith.constant 6912 : i32
        %add3A_742 = arith.addi %add3A_182, %add3A_741 : i32
        %add3A_743 = arith.constant 16 : i32
        %add3A_744 = arith.addi %add3A_742, %add3A_743 : i32
        %get3A_745 = arith.index_cast %add3A_744 : i32 to index
        %get3A_746 = tpu.vector_load %arg7[%get3A_745] {strides = array<i32>} : memref<36864xf32, #tpu.memory_space<vmem>>, vector<16xf32>,
        %get3A_747 = vector.shape_cast %get3A_746 : vector<16xf32> to vector<16xf32>
        %max3A_748 = arith.maximumf %max3A_684, %get3A_747 : vector<16xf32>
        %add3A_749 = arith.constant 6912 : i32
        %add3A_750 = arith.addi %add3A_182, %add3A_749 : i32
        %add3A_751 = arith.constant 32 : i32
        %add3A_752 = arith.addi %add3A_750, %add3A_751 : i32
        %get3A_753 = arith.index_cast %add3A_752 : i32 to index
        %get3A_754 = tpu.vector_load %arg7[%get3A_753] {strides = array<i32>} : memref<36864xf32, #tpu.memory_space<vmem>>, vector<16xf32>,
        %get3A_755 = vector.shape_cast %get3A_754 : vector<16xf32> to vector<16xf32>
        %max3A_756 = arith.maximumf %max3A_692, %get3A_755 : vector<16xf32>
        %add3A_757 = arith.constant 6912 : i32
        %add3A_758 = arith.addi %add3A_182, %add3A_757 : i32
        %add3A_759 = arith.constant 48 : i32
        %add3A_760 = arith.addi %add3A_758, %add3A_759 : i32
        %get3A_761 = arith.index_cast %add3A_760 : i32 to index
        %get3A_762 = tpu.vector_load %arg7[%get3A_761] {strides = array<i32>} : memref<36864xf32, #tpu.memory_space<vmem>>, vector<16xf32>,
        %get3A_763 = vector.shape_cast %get3A_762 : vector<16xf32> to vector<16xf32>
        %max3A_764 = arith.maximumf %max3A_700, %get3A_763 : vector<16xf32>
        %add3A_765 = arith.constant 6912 : i32
        %add3A_766 = arith.addi %add3A_182, %add3A_765 : i32
        %add3A_767 = arith.constant 64 : i32
        %add3A_768 = arith.addi %add3A_766, %add3A_767 : i32
        %get3A_769 = arith.index_cast %add3A_768 : i32 to index
        %get3A_770 = tpu.vector_load %arg7[%get3A_769] {strides = array<i32>} : memref<36864xf32, #tpu.memory_space<vmem>>, vector<16xf32>,
        %get3A_771 = vector.shape_cast %get3A_770 : vector<16xf32> to vector<16xf32>
        %max3A_772 = arith.maximumf %max3A_708, %get3A_771 : vector<16xf32>
        %add3A_773 = arith.constant 6912 : i32
        %add3A_774 = arith.addi %add3A_182, %add3A_773 : i32
        %add3A_775 = arith.constant 80 : i32
        %add3A_776 = arith.addi %add3A_774, %add3A_775 : i32
        %get3A_777 = arith.index_cast %add3A_776 : i32 to index
        %get3A_778 = tpu.vector_load %arg7[%get3A_777] {strides = array<i32>} : memref<36864xf32, #tpu.memory_space<vmem>>, vector<16xf32>,
        %get3A_779 = vector.shape_cast %get3A_778 : vector<16xf32> to vector<16xf32>
        %max3A_780 = arith.maximumf %max3A_716, %get3A_779 : vector<16xf32>
        %add3A_781 = arith.constant 6912 : i32
        %add3A_782 = arith.addi %add3A_182, %add3A_781 : i32
        %add3A_783 = arith.constant 96 : i32
        %add3A_784 = arith.addi %add3A_782, %add3A_783 : i32
        %get3A_785 = arith.index_cast %add3A_784 : i32 to index
        %get3A_786 = tpu.vector_load %arg7[%get3A_785] {strides = array<i32>} : memref<36864xf32, #tpu.memory_space<vmem>>, vector<16xf32>,
        %get3A_787 = vector.shape_cast %get3A_786 : vector<16xf32> to vector<16xf32>
        %max3A_788 = arith.maximumf %max3A_724, %get3A_787 : vector<16xf32>
        %add3A_789 = arith.constant 6912 : i32
        %add3A_790 = arith.addi %add3A_182, %add3A_789 : i32
        %add3A_791 = arith.constant 112 : i32
        %add3A_792 = arith.addi %add3A_790, %add3A_791 : i32
        %get3A_793 = arith.index_cast %add3A_792 : i32 to index
        %get3A_794 = tpu.vector_load %arg7[%get3A_793] {strides = array<i32>} : memref<36864xf32, #tpu.memory_space<vmem>>, vector<16xf32>,
        %get3A_795 = vector.shape_cast %get3A_794 : vector<16xf32> to vector<16xf32>
        %max3A_796 = arith.maximumf %max3A_732, %get3A_795 : vector<16xf32>
        %add3A_797 = arith.constant 7680 : i32
        %add3A_798 = arith.addi %add3A_182, %add3A_797 : i32
        %add3A_799 = arith.constant 0 : i32
        %add3A_800 = arith.addi %add3A_798, %add3A_799 : i32
        %get3A_801 = arith.index_cast %add3A_800 : i32 to index
        %get3A_802 = tpu.vector_load %arg7[%get3A_801] {strides = array<i32>} : memref<36864xf32, #tpu.memory_space<vmem>>, vector<16xf32>,
        %get3A_803 = vector.shape_cast %get3A_802 : vector<16xf32> to vector<16xf32>
        %max3A_804 = arith.maximumf %max3A_740, %get3A_803 : vector<16xf32>
        %add3A_805 = arith.constant 7680 : i32
        %add3A_806 = arith.addi %add3A_182, %add3A_805 : i32
        %add3A_807 = arith.constant 16 : i32
        %add3A_808 = arith.addi %add3A_806, %add3A_807 : i32
        %get3A_809 = arith.index_cast %add3A_808 : i32 to index
        %get3A_810 = tpu.vector_load %arg7[%get3A_809] {strides = array<i32>} : memref<36864xf32, #tpu.memory_space<vmem>>, vector<16xf32>,
        %get3A_811 = vector.shape_cast %get3A_810 : vector<16xf32> to vector<16xf32>
        %max3A_812 = arith.maximumf %max3A_748, %get3A_811 : vector<16xf32>
        %add3A_813 = arith.constant 7680 : i32
        %add3A_814 = arith.addi %add3A_182, %add3A_813 : i32
        %add3A_815 = arith.constant 32 : i32
        %add3A_816 = arith.addi %add3A_814, %add3A_815 : i32
        %get3A_817 = arith.index_cast %add3A_816 : i32 to index
        %get3A_818 = tpu.vector_load %arg7[%get3A_817] {strides = array<i32>} : memref<36864xf32, #tpu.memory_space<vmem>>, vector<16xf32>,
        %get3A_819 = vector.shape_cast %get3A_818 : vector<16xf32> to vector<16xf32>
        %max3A_820 = arith.maximumf %max3A_756, %get3A_819 : vector<16xf32>
        %add3A_821 = arith.constant 7680 : i32
        %add3A_822 = arith.addi %add3A_182, %add3A_821 : i32
        %add3A_823 = arith.constant 48 : i32
        %add3A_824 = arith.addi %add3A_822, %add3A_823 : i32
        %get3A_825 = arith.index_cast %add3A_824 : i32 to index
        %get3A_826 = tpu.vector_load %arg7[%get3A_825] {strides = array<i32>} : memref<36864xf32, #tpu.memory_space<vmem>>, vector<16xf32>,
        %get3A_827 = vector.shape_cast %get3A_826 : vector<16xf32> to vector<16xf32>
        %max3A_828 = arith.maximumf %max3A_764, %get3A_827 : vector<16xf32>
        %add3A_829 = arith.constant 7680 : i32
        %add3A_830 = arith.addi %add3A_182, %add3A_829 : i32
        %add3A_831 = arith.constant 64 : i32
        %add3A_832 = arith.addi %add3A_830, %add3A_831 : i32
        %get3A_833 = arith.index_cast %add3A_832 : i32 to index
        %get3A_834 = tpu.vector_load %arg7[%get3A_833] {strides = array<i32>} : memref<36864xf32, #tpu.memory_space<vmem>>, vector<16xf32>,
        %get3A_835 = vector.shape_cast %get3A_834 : vector<16xf32> to vector<16xf32>
        %max3A_836 = arith.maximumf %max3A_772, %get3A_835 : vector<16xf32>
        %add3A_837 = arith.constant 7680 : i32
        %add3A_838 = arith.addi %add3A_182, %add3A_837 : i32
        %add3A_839 = arith.constant 80 : i32
        %add3A_840 = arith.addi %add3A_838, %add3A_839 : i32
        %get3A_841 = arith.index_cast %add3A_840 : i32 to index
        %get3A_842 = tpu.vector_load %arg7[%get3A_841] {strides = array<i32>} : memref<36864xf32, #tpu.memory_space<vmem>>, vector<16xf32>,
        %get3A_843 = vector.shape_cast %get3A_842 : vector<16xf32> to vector<16xf32>
        %max3A_844 = arith.maximumf %max3A_780, %get3A_843 : vector<16xf32>
        %add3A_845 = arith.constant 7680 : i32
        %add3A_846 = arith.addi %add3A_182, %add3A_845 : i32
        %add3A_847 = arith.constant 96 : i32
        %add3A_848 = arith.addi %add3A_846, %add3A_847 : i32
        %get3A_849 = arith.index_cast %add3A_848 : i32 to index
        %get3A_850 = tpu.vector_load %arg7[%get3A_849] {strides = array<i32>} : memref<36864xf32, #tpu.memory_space<vmem>>, vector<16xf32>,
        %get3A_851 = vector.shape_cast %get3A_850 : vector<16xf32> to vector<16xf32>
        %max3A_852 = arith.maximumf %max3A_788, %get3A_851 : vector<16xf32>
        %add3A_853 = arith.constant 7680 : i32
        %add3A_854 = arith.addi %add3A_182, %add3A_853 : i32
        %add3A_855 = arith.constant 112 : i32
        %add3A_856 = arith.addi %add3A_854, %add3A_855 : i32
        %get3A_857 = arith.index_cast %add3A_856 : i32 to index
        %get3A_858 = tpu.vector_load %arg7[%get3A_857] {strides = array<i32>} : memref<36864xf32, #tpu.memory_space<vmem>>, vector<16xf32>,
        %get3A_859 = vector.shape_cast %get3A_858 : vector<16xf32> to vector<16xf32>
        %max3A_860 = arith.maximumf %max3A_796, %get3A_859 : vector<16xf32>
        %add3A_861 = arith.constant 8448 : i32
        %add3A_862 = arith.addi %add3A_182, %add3A_861 : i32
        %add3A_863 = arith.constant 0 : i32
        %add3A_864 = arith.addi %add3A_862, %add3A_863 : i32
        %get3A_865 = arith.index_cast %add3A_864 : i32 to index
        %get3A_866 = tpu.vector_load %arg7[%get3A_865] {strides = array<i32>} : memref<36864xf32, #tpu.memory_space<vmem>>, vector<16xf32>,
        %get3A_867 = vector.shape_cast %get3A_866 : vector<16xf32> to vector<16xf32>
        %max3A_868 = arith.maximumf %max3A_804, %get3A_867 : vector<16xf32>
        %add3A_869 = arith.constant 8448 : i32
        %add3A_870 = arith.addi %add3A_182, %add3A_869 : i32
        %add3A_871 = arith.constant 16 : i32
        %add3A_872 = arith.addi %add3A_870, %add3A_871 : i32
        %get3A_873 = arith.index_cast %add3A_872 : i32 to index
        %get3A_874 = tpu.vector_load %arg7[%get3A_873] {strides = array<i32>} : memref<36864xf32, #tpu.memory_space<vmem>>, vector<16xf32>,
        %get3A_875 = vector.shape_cast %get3A_874 : vector<16xf32> to vector<16xf32>
        %max3A_876 = arith.maximumf %max3A_812, %get3A_875 : vector<16xf32>
        %add3A_877 = arith.constant 8448 : i32
        %add3A_878 = arith.addi %add3A_182, %add3A_877 : i32
        %add3A_879 = arith.constant 32 : i32
        %add3A_880 = arith.addi %add3A_878, %add3A_879 : i32
        %get3A_881 = arith.index_cast %add3A_880 : i32 to index
        %get3A_882 = tpu.vector_load %arg7[%get3A_881] {strides = array<i32>} : memref<36864xf32, #tpu.memory_space<vmem>>, vector<16xf32>,
        %get3A_883 = vector.shape_cast %get3A_882 : vector<16xf32> to vector<16xf32>
        %max3A_884 = arith.maximumf %max3A_820, %get3A_883 : vector<16xf32>
        %add3A_885 = arith.constant 8448 : i32
        %add3A_886 = arith.addi %add3A_182, %add3A_885 : i32
        %add3A_887 = arith.constant 48 : i32
        %add3A_888 = arith.addi %add3A_886, %add3A_887 : i32
        %get3A_889 = arith.index_cast %add3A_888 : i32 to index
        %get3A_890 = tpu.vector_load %arg7[%get3A_889] {strides = array<i32>} : memref<36864xf32, #tpu.memory_space<vmem>>, vector<16xf32>,
        %get3A_891 = vector.shape_cast %get3A_890 : vector<16xf32> to vector<16xf32>
        %max3A_892 = arith.maximumf %max3A_828, %get3A_891 : vector<16xf32>
        %add3A_893 = arith.constant 8448 : i32
        %add3A_894 = arith.addi %add3A_182, %add3A_893 : i32
        %add3A_895 = arith.constant 64 : i32
        %add3A_896 = arith.addi %add3A_894, %add3A_895 : i32
        %get3A_897 = arith.index_cast %add3A_896 : i32 to index
        %get3A_898 = tpu.vector_load %arg7[%get3A_897] {strides = array<i32>} : memref<36864xf32, #tpu.memory_space<vmem>>, vector<16xf32>,
        %get3A_899 = vector.shape_cast %get3A_898 : vector<16xf32> to vector<16xf32>
        %max3A_900 = arith.maximumf %max3A_836, %get3A_899 : vector<16xf32>
        %add3A_901 = arith.constant 8448 : i32
        %add3A_902 = arith.addi %add3A_182, %add3A_901 : i32
        %add3A_903 = arith.constant 80 : i32
        %add3A_904 = arith.addi %add3A_902, %add3A_903 : i32
        %get3A_905 = arith.index_cast %add3A_904 : i32 to index
        %get3A_906 = tpu.vector_load %arg7[%get3A_905] {strides = array<i32>} : memref<36864xf32, #tpu.memory_space<vmem>>, vector<16xf32>,
        %get3A_907 = vector.shape_cast %get3A_906 : vector<16xf32> to vector<16xf32>
        %max3A_908 = arith.maximumf %max3A_844, %get3A_907 : vector<16xf32>
        %add3A_909 = arith.constant 8448 : i32
        %add3A_910 = arith.addi %add3A_182, %add3A_909 : i32
        %add3A_911 = arith.constant 96 : i32
        %add3A_912 = arith.addi %add3A_910, %add3A_911 : i32
        %get3A_913 = arith.index_cast %add3A_912 : i32 to index
        %get3A_914 = tpu.vector_load %arg7[%get3A_913] {strides = array<i32>} : memref<36864xf32, #tpu.memory_space<vmem>>, vector<16xf32>,
        %get3A_915 = vector.shape_cast %get3A_914 : vector<16xf32> to vector<16xf32>
        %max3A_916 = arith.maximumf %max3A_852, %get3A_915 : vector<16xf32>
        %add3A_917 = arith.constant 8448 : i32
        %add3A_918 = arith.addi %add3A_182, %add3A_917 : i32
        %add3A_919 = arith.constant 112 : i32
        %add3A_920 = arith.addi %add3A_918, %add3A_919 : i32
        %get3A_921 = arith.index_cast %add3A_920 : i32 to index
        %get3A_922 = tpu.vector_load %arg7[%get3A_921] {strides = array<i32>} : memref<36864xf32, #tpu.memory_space<vmem>>, vector<16xf32>,
        %get3A_923 = vector.shape_cast %get3A_922 : vector<16xf32> to vector<16xf32>
        %max3A_924 = arith.maximumf %max3A_860, %get3A_923 : vector<16xf32>
        %add3A_925 = arith.constant 9216 : i32
        %add3A_926 = arith.addi %add3A_182, %add3A_925 : i32
        %add3A_927 = arith.constant 0 : i32
        %add3A_928 = arith.addi %add3A_926, %add3A_927 : i32
        %get3A_929 = arith.index_cast %add3A_928 : i32 to index
        %get3A_930 = tpu.vector_load %arg7[%get3A_929] {strides = array<i32>} : memref<36864xf32, #tpu.memory_space<vmem>>, vector<16xf32>,
        %get3A_931 = vector.shape_cast %get3A_930 : vector<16xf32> to vector<16xf32>
        %max3A_932 = arith.maximumf %max3A_868, %get3A_931 : vector<16xf32>
        %add3A_933 = arith.constant 9216 : i32
        %add3A_934 = arith.addi %add3A_182, %add3A_933 : i32
        %add3A_935 = arith.constant 16 : i32
        %add3A_936 = arith.addi %add3A_934, %add3A_935 : i32
        %get3A_937 = arith.index_cast %add3A_936 : i32 to index
        %get3A_938 = tpu.vector_load %arg7[%get3A_937] {strides = array<i32>} : memref<36864xf32, #tpu.memory_space<vmem>>, vector<16xf32>,
        %get3A_939 = vector.shape_cast %get3A_938 : vector<16xf32> to vector<16xf32>
        %max3A_940 = arith.maximumf %max3A_876, %get3A_939 : vector<16xf32>
        %add3A_941 = arith.constant 9216 : i32
        %add3A_942 = arith.addi %add3A_182, %add3A_941 : i32
        %add3A_943 = arith.constant 32 : i32
        %add3A_944 = arith.addi %add3A_942, %add3A_943 : i32
        %get3A_945 = arith.index_cast %add3A_944 : i32 to index
        %get3A_946 = tpu.vector_load %arg7[%get3A_945] {strides = array<i32>} : memref<36864xf32, #tpu.memory_space<vmem>>, vector<16xf32>,
        %get3A_947 = vector.shape_cast %get3A_946 : vector<16xf32> to vector<16xf32>
        %max3A_948 = arith.maximumf %max3A_884, %get3A_947 : vector<16xf32>
        %add3A_949 = arith.constant 9216 : i32
        %add3A_950 = arith.addi %add3A_182, %add3A_949 : i32
        %add3A_951 = arith.constant 48 : i32
        %add3A_952 = arith.addi %add3A_950, %add3A_951 : i32
        %get3A_953 = arith.index_cast %add3A_952 : i32 to index
        %get3A_954 = tpu.vector_load %arg7[%get3A_953] {strides = array<i32>} : memref<36864xf32, #tpu.memory_space<vmem>>, vector<16xf32>,
        %get3A_955 = vector.shape_cast %get3A_954 : vector<16xf32> to vector<16xf32>
        %max3A_956 = arith.maximumf %max3A_892, %get3A_955 : vector<16xf32>
        %add3A_957 = arith.constant 9216 : i32
        %add3A_958 = arith.addi %add3A_182, %add3A_957 : i32
        %add3A_959 = arith.constant 64 : i32
        %add3A_960 = arith.addi %add3A_958, %add3A_959 : i32
        %get3A_961 = arith.index_cast %add3A_960 : i32 to index
        %get3A_962 = tpu.vector_load %arg7[%get3A_961] {strides = array<i32>} : memref<36864xf32, #tpu.memory_space<vmem>>, vector<16xf32>,
        %get3A_963 = vector.shape_cast %get3A_962 : vector<16xf32> to vector<16xf32>
        %max3A_964 = arith.maximumf %max3A_900, %get3A_963 : vector<16xf32>
        %add3A_965 = arith.constant 9216 : i32
        %add3A_966 = arith.addi %add3A_182, %add3A_965 : i32
        %add3A_967 = arith.constant 80 : i32
        %add3A_968 = arith.addi %add3A_966, %add3A_967 : i32
        %get3A_969 = arith.index_cast %add3A_968 : i32 to index
        %get3A_970 = tpu.vector_load %arg7[%get3A_969] {strides = array<i32>} : memref<36864xf32, #tpu.memory_space<vmem>>, vector<16xf32>,
        %get3A_971 = vector.shape_cast %get3A_970 : vector<16xf32> to vector<16xf32>
        %max3A_972 = arith.maximumf %max3A_908, %get3A_971 : vector<16xf32>
        %add3A_973 = arith.constant 9216 : i32
        %add3A_974 = arith.addi %add3A_182, %add3A_973 : i32
        %add3A_975 = arith.constant 96 : i32
        %add3A_976 = arith.addi %add3A_974, %add3A_975 : i32
        %get3A_977 = arith.index_cast %add3A_976 : i32 to index
        %get3A_978 = tpu.vector_load %arg7[%get3A_977] {strides = array<i32>} : memref<36864xf32, #tpu.memory_space<vmem>>, vector<16xf32>,
        %get3A_979 = vector.shape_cast %get3A_978 : vector<16xf32> to vector<16xf32>
        %max3A_980 = arith.maximumf %max3A_916, %get3A_979 : vector<16xf32>
        %add3A_981 = arith.constant 9216 : i32
        %add3A_982 = arith.addi %add3A_182, %add3A_981 : i32
        %add3A_983 = arith.constant 112 : i32
        %add3A_984 = arith.addi %add3A_982, %add3A_983 : i32
        %get3A_985 = arith.index_cast %add3A_984 : i32 to index
        %get3A_986 = tpu.vector_load %arg7[%get3A_985] {strides = array<i32>} : memref<36864xf32, #tpu.memory_space<vmem>>, vector<16xf32>,
        %get3A_987 = vector.shape_cast %get3A_986 : vector<16xf32> to vector<16xf32>
        %max3A_988 = arith.maximumf %max3A_924, %get3A_987 : vector<16xf32>
        %add3A_989 = arith.constant 9984 : i32
        %add3A_990 = arith.addi %add3A_182, %add3A_989 : i32
        %add3A_991 = arith.constant 0 : i32
        %add3A_992 = arith.addi %add3A_990, %add3A_991 : i32
        %get3A_993 = arith.index_cast %add3A_992 : i32 to index
        %get3A_994 = tpu.vector_load %arg7[%get3A_993] {strides = array<i32>} : memref<36864xf32, #tpu.memory_space<vmem>>, vector<16xf32>,
        %get3A_995 = vector.shape_cast %get3A_994 : vector<16xf32> to vector<16xf32>
        %max3A_996 = arith.maximumf %max3A_932, %get3A_995 : vector<16xf32>
        %add3A_997 = arith.constant 9984 : i32
        %add3A_998 = arith.addi %add3A_182, %add3A_997 : i32
        %add3A_999 = arith.constant 16 : i32
        %add3A_1000 = arith.addi %add3A_998, %add3A_999 : i32
        %get3A_1001 = arith.index_cast %add3A_1000 : i32 to index
        %get3A_1002 = tpu.vector_load %arg7[%get3A_1001] {strides = array<i32>} : memref<36864xf32, #tpu.memory_space<vmem>>, vector<16xf32>,
        %get3A_1003 = vector.shape_cast %get3A_1002 : vector<16xf32> to vector<16xf32>
        %max3A_1004 = arith.maximumf %max3A_940, %get3A_1003 : vector<16xf32>
        %add3A_1005 = arith.constant 9984 : i32
        %add3A_1006 = arith.addi %add3A_182, %add3A_1005 : i32
        %add3A_1007 = arith.constant 32 : i32
        %add3A_1008 = arith.addi %add3A_1006, %add3A_1007 : i32
        %get3A_1009 = arith.index_cast %add3A_1008 : i32 to index
        %get3A_1010 = tpu.vector_load %arg7[%get3A_1009] {strides = array<i32>} : memref<36864xf32, #tpu.memory_space<vmem>>, vector<16xf32>,
        %get3A_1011 = vector.shape_cast %get3A_1010 : vector<16xf32> to vector<16xf32>
        %max3A_1012 = arith.maximumf %max3A_948, %get3A_1011 : vector<16xf32>
        %add3A_1013 = arith.constant 9984 : i32
        %add3A_1014 = arith.addi %add3A_182, %add3A_1013 : i32
        %add3A_1015 = arith.constant 48 : i32
        %add3A_1016 = arith.addi %add3A_1014, %add3A_1015 : i32
        %get3A_1017 = arith.index_cast %add3A_1016 : i32 to index
        %get3A_1018 = tpu.vector_load %arg7[%get3A_1017] {strides = array<i32>} : memref<36864xf32, #tpu.memory_space<vmem>>, vector<16xf32>,
        %get3A_1019 = vector.shape_cast %get3A_1018 : vector<16xf32> to vector<16xf32>
        %max3A_1020 = arith.maximumf %max3A_956, %get3A_1019 : vector<16xf32>
        %add3A_1021 = arith.constant 9984 : i32
        %add3A_1022 = arith.addi %add3A_182, %add3A_1021 : i32
        %add3A_1023 = arith.constant 64 : i32
        %add3A_1024 = arith.addi %add3A_1022, %add3A_1023 : i32
        %get3A_1025 = arith.index_cast %add3A_1024 : i32 to index
        %get3A_1026 = tpu.vector_load %arg7[%get3A_1025] {strides = array<i32>} : memref<36864xf32, #tpu.memory_space<vmem>>, vector<16xf32>,
        %get3A_1027 = vector.shape_cast %get3A_1026 : vector<16xf32> to vector<16xf32>
        %max3A_1028 = arith.maximumf %max3A_964, %get3A_1027 : vector<16xf32>
        %add3A_1029 = arith.constant 9984 : i32
        %add3A_1030 = arith.addi %add3A_182, %add3A_1029 : i32
        %add3A_1031 = arith.constant 80 : i32
        %add3A_1032 = arith.addi %add3A_1030, %add3A_1031 : i32
        %get3A_1033 = arith.index_cast %add3A_1032 : i32 to index
        %get3A_1034 = tpu.vector_load %arg7[%get3A_1033] {strides = array<i32>} : memref<36864xf32, #tpu.memory_space<vmem>>, vector<16xf32>,
        %get3A_1035 = vector.shape_cast %get3A_1034 : vector<16xf32> to vector<16xf32>
        %max3A_1036 = arith.maximumf %max3A_972, %get3A_1035 : vector<16xf32>
        %add3A_1037 = arith.constant 9984 : i32
        %add3A_1038 = arith.addi %add3A_182, %add3A_1037 : i32
        %add3A_1039 = arith.constant 96 : i32
        %add3A_1040 = arith.addi %add3A_1038, %add3A_1039 : i32
        %get3A_1041 = arith.index_cast %add3A_1040 : i32 to index
        %get3A_1042 = tpu.vector_load %arg7[%get3A_1041] {strides = array<i32>} : memref<36864xf32, #tpu.memory_space<vmem>>, vector<16xf32>,
        %get3A_1043 = vector.shape_cast %get3A_1042 : vector<16xf32> to vector<16xf32>
        %max3A_1044 = arith.maximumf %max3A_980, %get3A_1043 : vector<16xf32>
        %add3A_1045 = arith.constant 9984 : i32
        %add3A_1046 = arith.addi %add3A_182, %add3A_1045 : i32
        %add3A_1047 = arith.constant 112 : i32
        %add3A_1048 = arith.addi %add3A_1046, %add3A_1047 : i32
        %get3A_1049 = arith.index_cast %add3A_1048 : i32 to index
        %get3A_1050 = tpu.vector_load %arg7[%get3A_1049] {strides = array<i32>} : memref<36864xf32, #tpu.memory_space<vmem>>, vector<16xf32>,
        %get3A_1051 = vector.shape_cast %get3A_1050 : vector<16xf32> to vector<16xf32>
        %max3A_1052 = arith.maximumf %max3A_988, %get3A_1051 : vector<16xf32>
        %add3A_1053 = arith.constant 10752 : i32
        %add3A_1054 = arith.addi %add3A_182, %add3A_1053 : i32
        %add3A_1055 = arith.constant 0 : i32
        %add3A_1056 = arith.addi %add3A_1054, %add3A_1055 : i32
        %get3A_1057 = arith.index_cast %add3A_1056 : i32 to index
        %get3A_1058 = tpu.vector_load %arg7[%get3A_1057] {strides = array<i32>} : memref<36864xf32, #tpu.memory_space<vmem>>, vector<16xf32>,
        %get3A_1059 = vector.shape_cast %get3A_1058 : vector<16xf32> to vector<16xf32>
        %max3A_1060 = arith.maximumf %max3A_996, %get3A_1059 : vector<16xf32>
        %add3A_1061 = arith.constant 10752 : i32
        %add3A_1062 = arith.addi %add3A_182, %add3A_1061 : i32
        %add3A_1063 = arith.constant 16 : i32
        %add3A_1064 = arith.addi %add3A_1062, %add3A_1063 : i32
        %get3A_1065 = arith.index_cast %add3A_1064 : i32 to index
        %get3A_1066 = tpu.vector_load %arg7[%get3A_1065] {strides = array<i32>} : memref<36864xf32, #tpu.memory_space<vmem>>, vector<16xf32>,
        %get3A_1067 = vector.shape_cast %get3A_1066 : vector<16xf32> to vector<16xf32>
        %max3A_1068 = arith.maximumf %max3A_1004, %get3A_1067 : vector<16xf32>
        %add3A_1069 = arith.constant 10752 : i32
        %add3A_1070 = arith.addi %add3A_182, %add3A_1069 : i32
        %add3A_1071 = arith.constant 32 : i32
        %add3A_1072 = arith.addi %add3A_1070, %add3A_1071 : i32
        %get3A_1073 = arith.index_cast %add3A_1072 : i32 to index
        %get3A_1074 = tpu.vector_load %arg7[%get3A_1073] {strides = array<i32>} : memref<36864xf32, #tpu.memory_space<vmem>>, vector<16xf32>,
        %get3A_1075 = vector.shape_cast %get3A_1074 : vector<16xf32> to vector<16xf32>
        %max3A_1076 = arith.maximumf %max3A_1012, %get3A_1075 : vector<16xf32>
        %add3A_1077 = arith.constant 10752 : i32
        %add3A_1078 = arith.addi %add3A_182, %add3A_1077 : i32
        %add3A_1079 = arith.constant 48 : i32
        %add3A_1080 = arith.addi %add3A_1078, %add3A_1079 : i32
        %get3A_1081 = arith.index_cast %add3A_1080 : i32 to index
        %get3A_1082 = tpu.vector_load %arg7[%get3A_1081] {strides = array<i32>} : memref<36864xf32, #tpu.memory_space<vmem>>, vector<16xf32>,
        %get3A_1083 = vector.shape_cast %get3A_1082 : vector<16xf32> to vector<16xf32>
        %max3A_1084 = arith.maximumf %max3A_1020, %get3A_1083 : vector<16xf32>
        %add3A_1085 = arith.constant 10752 : i32
        %add3A_1086 = arith.addi %add3A_182, %add3A_1085 : i32
        %add3A_1087 = arith.constant 64 : i32
        %add3A_1088 = arith.addi %add3A_1086, %add3A_1087 : i32
        %get3A_1089 = arith.index_cast %add3A_1088 : i32 to index
        %get3A_1090 = tpu.vector_load %arg7[%get3A_1089] {strides = array<i32>} : memref<36864xf32, #tpu.memory_space<vmem>>, vector<16xf32>,
        %get3A_1091 = vector.shape_cast %get3A_1090 : vector<16xf32> to vector<16xf32>
        %max3A_1092 = arith.maximumf %max3A_1028, %get3A_1091 : vector<16xf32>
        %add3A_1093 = arith.constant 10752 : i32
        %add3A_1094 = arith.addi %add3A_182, %add3A_1093 : i32
        %add3A_1095 = arith.constant 80 : i32
        %add3A_1096 = arith.addi %add3A_1094, %add3A_1095 : i32
        %get3A_1097 = arith.index_cast %add3A_1096 : i32 to index
        %get3A_1098 = tpu.vector_load %arg7[%get3A_1097] {strides = array<i32>} : memref<36864xf32, #tpu.memory_space<vmem>>, vector<16xf32>,
        %get3A_1099 = vector.shape_cast %get3A_1098 : vector<16xf32> to vector<16xf32>
        %max3A_1100 = arith.maximumf %max3A_1036, %get3A_1099 : vector<16xf32>
        %add3A_1101 = arith.constant 10752 : i32
        %add3A_1102 = arith.addi %add3A_182, %add3A_1101 : i32
        %add3A_1103 = arith.constant 96 : i32
        %add3A_1104 = arith.addi %add3A_1102, %add3A_1103 : i32
        %get3A_1105 = arith.index_cast %add3A_1104 : i32 to index
        %get3A_1106 = tpu.vector_load %arg7[%get3A_1105] {strides = array<i32>} : memref<36864xf32, #tpu.memory_space<vmem>>, vector<16xf32>,
        %get3A_1107 = vector.shape_cast %get3A_1106 : vector<16xf32> to vector<16xf32>
        %max3A_1108 = arith.maximumf %max3A_1044, %get3A_1107 : vector<16xf32>
        %add3A_1109 = arith.constant 10752 : i32
        %add3A_1110 = arith.addi %add3A_182, %add3A_1109 : i32
        %add3A_1111 = arith.constant 112 : i32
        %add3A_1112 = arith.addi %add3A_1110, %add3A_1111 : i32
        %get3A_1113 = arith.index_cast %add3A_1112 : i32 to index
        %get3A_1114 = tpu.vector_load %arg7[%get3A_1113] {strides = array<i32>} : memref<36864xf32, #tpu.memory_space<vmem>>, vector<16xf32>,
        %get3A_1115 = vector.shape_cast %get3A_1114 : vector<16xf32> to vector<16xf32>
        %max3A_1116 = arith.maximumf %max3A_1052, %get3A_1115 : vector<16xf32>
        %add3A_1117 = arith.constant 11520 : i32
        %add3A_1118 = arith.addi %add3A_182, %add3A_1117 : i32
        %add3A_1119 = arith.constant 0 : i32
        %add3A_1120 = arith.addi %add3A_1118, %add3A_1119 : i32
        %get3A_1121 = arith.index_cast %add3A_1120 : i32 to index
        %get3A_1122 = tpu.vector_load %arg7[%get3A_1121] {strides = array<i32>} : memref<36864xf32, #tpu.memory_space<vmem>>, vector<16xf32>,
        %get3A_1123 = vector.shape_cast %get3A_1122 : vector<16xf32> to vector<16xf32>
        %max3A_1124 = arith.maximumf %max3A_1060, %get3A_1123 : vector<16xf32>
        %add3A_1125 = arith.constant 11520 : i32
        %add3A_1126 = arith.addi %add3A_182, %add3A_1125 : i32
        %add3A_1127 = arith.constant 16 : i32
        %add3A_1128 = arith.addi %add3A_1126, %add3A_1127 : i32
        %get3A_1129 = arith.index_cast %add3A_1128 : i32 to index
        %get3A_1130 = tpu.vector_load %arg7[%get3A_1129] {strides = array<i32>} : memref<36864xf32, #tpu.memory_space<vmem>>, vector<16xf32>,
        %get3A_1131 = vector.shape_cast %get3A_1130 : vector<16xf32> to vector<16xf32>
        %max3A_1132 = arith.maximumf %max3A_1068, %get3A_1131 : vector<16xf32>
        %add3A_1133 = arith.constant 11520 : i32
        %add3A_1134 = arith.addi %add3A_182, %add3A_1133 : i32
        %add3A_1135 = arith.constant 32 : i32
        %add3A_1136 = arith.addi %add3A_1134, %add3A_1135 : i32
        %get3A_1137 = arith.index_cast %add3A_1136 : i32 to index
        %get3A_1138 = tpu.vector_load %arg7[%get3A_1137] {strides = array<i32>} : memref<36864xf32, #tpu.memory_space<vmem>>, vector<16xf32>,
        %get3A_1139 = vector.shape_cast %get3A_1138 : vector<16xf32> to vector<16xf32>
        %max3A_1140 = arith.maximumf %max3A_1076, %get3A_1139 : vector<16xf32>
        %add3A_1141 = arith.constant 11520 : i32
        %add3A_1142 = arith.addi %add3A_182, %add3A_1141 : i32
        %add3A_1143 = arith.constant 48 : i32
        %add3A_1144 = arith.addi %add3A_1142, %add3A_1143 : i32
        %get3A_1145 = arith.index_cast %add3A_1144 : i32 to index
        %get3A_1146 = tpu.vector_load %arg7[%get3A_1145] {strides = array<i32>} : memref<36864xf32, #tpu.memory_space<vmem>>, vector<16xf32>,
        %get3A_1147 = vector.shape_cast %get3A_1146 : vector<16xf32> to vector<16xf32>
        %max3A_1148 = arith.maximumf %max3A_1084, %get3A_1147 : vector<16xf32>
        %add3A_1149 = arith.constant 11520 : i32
        %add3A_1150 = arith.addi %add3A_182, %add3A_1149 : i32
        %add3A_1151 = arith.constant 64 : i32
        %add3A_1152 = arith.addi %add3A_1150, %add3A_1151 : i32
        %get3A_1153 = arith.index_cast %add3A_1152 : i32 to index
        %get3A_1154 = tpu.vector_load %arg7[%get3A_1153] {strides = array<i32>} : memref<36864xf32, #tpu.memory_space<vmem>>, vector<16xf32>,
        %get3A_1155 = vector.shape_cast %get3A_1154 : vector<16xf32> to vector<16xf32>
        %max3A_1156 = arith.maximumf %max3A_1092, %get3A_1155 : vector<16xf32>
        %add3A_1157 = arith.constant 11520 : i32
        %add3A_1158 = arith.addi %add3A_182, %add3A_1157 : i32
        %add3A_1159 = arith.constant 80 : i32
        %add3A_1160 = arith.addi %add3A_1158, %add3A_1159 : i32
        %get3A_1161 = arith.index_cast %add3A_1160 : i32 to index
        %get3A_1162 = tpu.vector_load %arg7[%get3A_1161] {strides = array<i32>} : memref<36864xf32, #tpu.memory_space<vmem>>, vector<16xf32>,
        %get3A_1163 = vector.shape_cast %get3A_1162 : vector<16xf32> to vector<16xf32>
        %max3A_1164 = arith.maximumf %max3A_1100, %get3A_1163 : vector<16xf32>
        %add3A_1165 = arith.constant 11520 : i32
        %add3A_1166 = arith.addi %add3A_182, %add3A_1165 : i32
        %add3A_1167 = arith.constant 96 : i32
        %add3A_1168 = arith.addi %add3A_1166, %add3A_1167 : i32
        %get3A_1169 = arith.index_cast %add3A_1168 : i32 to index
        %get3A_1170 = tpu.vector_load %arg7[%get3A_1169] {strides = array<i32>} : memref<36864xf32, #tpu.memory_space<vmem>>, vector<16xf32>,
        %get3A_1171 = vector.shape_cast %get3A_1170 : vector<16xf32> to vector<16xf32>
        %max3A_1172 = arith.maximumf %max3A_1108, %get3A_1171 : vector<16xf32>
        %add3A_1173 = arith.constant 11520 : i32
        %add3A_1174 = arith.addi %add3A_182, %add3A_1173 : i32
        %add3A_1175 = arith.constant 112 : i32
        %add3A_1176 = arith.addi %add3A_1174, %add3A_1175 : i32
        %get3A_1177 = arith.index_cast %add3A_1176 : i32 to index
        %get3A_1178 = tpu.vector_load %arg7[%get3A_1177] {strides = array<i32>} : memref<36864xf32, #tpu.memory_space<vmem>>, vector<16xf32>,
        %get3A_1179 = vector.shape_cast %get3A_1178 : vector<16xf32> to vector<16xf32>
        %max3A_1180 = arith.maximumf %max3A_1116, %get3A_1179 : vector<16xf32>
        %mul3A_1181 = arith.constant 768 : i32
        %mul3A_1182 = arith.muli %scan3A_82, %mul3A_1181 : i32
        %mul3A_1183 = arith.constant 128 : i32
        %mul3A_1184 = arith.muli %scan3A_178, %mul3A_1183 : i32
        %add3A_1185 = arith.addi %mul3A_1182, %mul3A_1184 : i32
        %add3A_1186 = arith.constant 0 : i32
        %add3A_1187 = arith.addi %add3A_1185, %add3A_1186 : i32
        %swap3A = arith.index_cast %add3A_1187 : i32 to index
        %swap3A_1188 = tpu.vector_load %arg11[%swap3A] {strides = array<i32>} : memref<6144xf32, #tpu.memory_space<vmem>>, vector<16xf32>,
        %swap3A_1189 = vector.shape_cast %swap3A_1188 : vector<16xf32> to vector<16xf32>
        %swap3A_1190 = vector.shape_cast %max3A_1124 : vector<16xf32> to vector<16xf32>
        tpu.vector_store %arg11[%swap3A], %swap3A_1190 {strides = array<i32>} : memref<6144xf32, #tpu.memory_space<vmem>>, vector<16xf32>,
        %add3A_1191 = arith.constant 16 : i32
        %add3A_1192 = arith.addi %add3A_1185, %add3A_1191 : i32
        %swap3A_1193 = arith.index_cast %add3A_1192 : i32 to index
        %swap3A_1194 = tpu.vector_load %arg11[%swap3A_1193] {strides = array<i32>} : memref<6144xf32, #tpu.memory_space<vmem>>, vector<16xf32>,
        %swap3A_1195 = vector.shape_cast %swap3A_1194 : vector<16xf32> to vector<16xf32>
        %swap3A_1196 = vector.shape_cast %max3A_1132 : vector<16xf32> to vector<16xf32>
        tpu.vector_store %arg11[%swap3A_1193], %swap3A_1196 {strides = array<i32>} : memref<6144xf32, #tpu.memory_space<vmem>>, vector<16xf32>,
        %add3A_1197 = arith.constant 32 : i32
        %add3A_1198 = arith.addi %add3A_1185, %add3A_1197 : i32
        %swap3A_1199 = arith.index_cast %add3A_1198 : i32 to index
        %swap3A_1200 = tpu.vector_load %arg11[%swap3A_1199] {strides = array<i32>} : memref<6144xf32, #tpu.memory_space<vmem>>, vector<16xf32>,
        %swap3A_1201 = vector.shape_cast %swap3A_1200 : vector<16xf32> to vector<16xf32>
        %swap3A_1202 = vector.shape_cast %max3A_1140 : vector<16xf32> to vector<16xf32>
        tpu.vector_store %arg11[%swap3A_1199], %swap3A_1202 {strides = array<i32>} : memref<6144xf32, #tpu.memory_space<vmem>>, vector<16xf32>,
        %add3A_1203 = arith.constant 48 : i32
        %add3A_1204 = arith.addi %add3A_1185, %add3A_1203 : i32
        %swap3A_1205 = arith.index_cast %add3A_1204 : i32 to index
        %swap3A_1206 = tpu.vector_load %arg11[%swap3A_1205] {strides = array<i32>} : memref<6144xf32, #tpu.memory_space<vmem>>, vector<16xf32>,
        %swap3A_1207 = vector.shape_cast %swap3A_1206 : vector<16xf32> to vector<16xf32>
        %swap3A_1208 = vector.shape_cast %max3A_1148 : vector<16xf32> to vector<16xf32>
        tpu.vector_store %arg11[%swap3A_1205], %swap3A_1208 {strides = array<i32>} : memref<6144xf32, #tpu.memory_space<vmem>>, vector<16xf32>,
        %add3A_1209 = arith.constant 64 : i32
        %add3A_1210 = arith.addi %add3A_1185, %add3A_1209 : i32
        %swap3A_1211 = arith.index_cast %add3A_1210 : i32 to index
        %swap3A_1212 = tpu.vector_load %arg11[%swap3A_1211] {strides = array<i32>} : memref<6144xf32, #tpu.memory_space<vmem>>, vector<16xf32>,
        %swap3A_1213 = vector.shape_cast %swap3A_1212 : vector<16xf32> to vector<16xf32>
        %swap3A_1214 = vector.shape_cast %max3A_1156 : vector<16xf32> to vector<16xf32>
        tpu.vector_store %arg11[%swap3A_1211], %swap3A_1214 {strides = array<i32>} : memref<6144xf32, #tpu.memory_space<vmem>>, vector<16xf32>,
        %add3A_1215 = arith.constant 80 : i32
        %add3A_1216 = arith.addi %add3A_1185, %add3A_1215 : i32
        %swap3A_1217 = arith.index_cast %add3A_1216 : i32 to index
        %swap3A_1218 = tpu.vector_load %arg11[%swap3A_1217] {strides = array<i32>} : memref<6144xf32, #tpu.memory_space<vmem>>, vector<16xf32>,
        %swap3A_1219 = vector.shape_cast %swap3A_1218 : vector<16xf32> to vector<16xf32>
        %swap3A_1220 = vector.shape_cast %max3A_1164 : vector<16xf32> to vector<16xf32>
        tpu.vector_store %arg11[%swap3A_1217], %swap3A_1220 {strides = array<i32>} : memref<6144xf32, #tpu.memory_space<vmem>>, vector<16xf32>,
        %add3A_1221 = arith.constant 96 : i32
        %add3A_1222 = arith.addi %add3A_1185, %add3A_1221 : i32
        %swap3A_1223 = arith.index_cast %add3A_1222 : i32 to index
        %swap3A_1224 = tpu.vector_load %arg11[%swap3A_1223] {strides = array<i32>} : memref<6144xf32, #tpu.memory_space<vmem>>, vector<16xf32>,
        %swap3A_1225 = vector.shape_cast %swap3A_1224 : vector<16xf32> to vector<16xf32>
        %swap3A_1226 = vector.shape_cast %max3A_1172 : vector<16xf32> to vector<16xf32>
        tpu.vector_store %arg11[%swap3A_1223], %swap3A_1226 {strides = array<i32>} : memref<6144xf32, #tpu.memory_space<vmem>>, vector<16xf32>,
        %add3A_1227 = arith.constant 112 : i32
        %add3A_1228 = arith.addi %add3A_1185, %add3A_1227 : i32
        %swap3A_1229 = arith.index_cast %add3A_1228 : i32 to index
        %swap3A_1230 = tpu.vector_load %arg11[%swap3A_1229] {strides = array<i32>} : memref<6144xf32, #tpu.memory_space<vmem>>, vector<16xf32>,
        %swap3A_1231 = vector.shape_cast %swap3A_1230 : vector<16xf32> to vector<16xf32>
        %swap3A_1232 = vector.shape_cast %max3A_1180 : vector<16xf32> to vector<16xf32>
        tpu.vector_store %arg11[%swap3A_1229], %swap3A_1232 {strides = array<i32>} : memref<6144xf32, #tpu.memory_space<vmem>>, vector<16xf32>,
        %scan3A_1233 = arith.constant 0 : i32
        scf.yield %scan3A_1233 : i32
      }
      %scan3A_176 = arith.constant 6 : i32
      %scan3A_177 = arith.constant 0 : i32
      scf.yield %scan3A_177 : i32
    }
    %scan3A_65 = arith.constant 8 : i32
    %mul3A_66 = arith.constant 768 : i32
    %mul3A_67 = arith.muli %add3A_40, %mul3A_66 : i32
    "tpu.region"() ({
      %run_scoped3A = tpu.sem_alloc : memref<!tpu.dma_semaphore, #tpu.memory_space<semaphore_mem>>
      %dma_start3A_82 = tpu.memref_slice %arg6[%mul3A_67] : memref<196608xf32, #tpu.memory_space<hbm>> -> memref<6144xf32, #tpu.memory_space<hbm>>
      %dma_start3A_83 = tpu.memref_slice %arg6[%mul3A_67] : memref<196608xf32, #tpu.memory_space<hbm>> -> memref<6144xf32, #tpu.memory_space<hbm>>
      tpu.enqueue_dma source(%arg11 : memref<6144xf32, #tpu.memory_space<vmem>>) target(%dma_start3A_83 : memref<6144xf32, #tpu.memory_space<hbm>>) target_semaphore(%run_scoped3A : memref<!tpu.dma_semaphore, #tpu.memory_space<semaphore_mem>>)
      %dma_wait3A = tpu.memref_slice %arg6[%mul3A_67] : memref<196608xf32, #tpu.memory_space<hbm>> -> memref<6144xf32, #tpu.memory_space<hbm>>
      %dma_wait3A_84 = tpu.memref_slice %arg6[%mul3A_67] : memref<196608xf32, #tpu.memory_space<hbm>> -> memref<6144xf32, #tpu.memory_space<hbm>>
      tpu.wait_dma2 semaphore(%run_scoped3A : memref<!tpu.dma_semaphore, #tpu.memory_space<semaphore_mem>>) src(%arg11 : memref<6144xf32, #tpu.memory_space<vmem>>) dst(%dma_wait3A_84 : memref<6144xf32, #tpu.memory_space<hbm>>)
      tpu.yield
    }) : () -> ()
    %barrier3A = arith.constant 0 : index
    tpu.barrier barrier_id(%barrier3A)
    %mul3A_68 = arith.constant 128 : i32
    %mul3A_69 = arith.muli %arg0, %mul3A_68 : i32
    %mul3A_70 = arith.constant 8 : i32
    %mul3A_71 = arith.muli %arg1, %mul3A_70 : i32
    %add3A_72 = arith.addi %mul3A_69, %mul3A_71 : i32
    "tpu.region"() ({
      %run_scoped3A = tpu.sem_alloc : memref<!tpu.dma_semaphore, #tpu.memory_space<semaphore_mem>>
      %dma_start3A_82 = arith.constant 0 : i32
      %dma_start3A_83 = tpu.memref_slice %arg9[%dma_start3A_82] : memref<24xi32, #tpu.memory_space<vmem>> -> memref<8xi32, #tpu.memory_space<vmem>>
      %dma_start3A_84 = tpu.memref_slice %arg3[%add3A_72] : memref<256xi32, #tpu.memory_space<hbm>> -> memref<8xi32, #tpu.memory_space<hbm>>
      %dma_start3A_85 = arith.constant 0 : i32
      %dma_start3A_86 = tpu.memref_slice %arg9[%dma_start3A_85] : memref<24xi32, #tpu.memory_space<vmem>> -> memref<8xi32, #tpu.memory_space<vmem>>
      %dma_start3A_87 = tpu.memref_slice %arg3[%add3A_72] : memref<256xi32, #tpu.memory_space<hbm>> -> memref<8xi32, #tpu.memory_space<hbm>>
      tpu.enqueue_dma source(%dma_start3A_87 : memref<8xi32, #tpu.memory_space<hbm>>) target(%dma_start3A_86 : memref<8xi32, #tpu.memory_space<vmem>>) target_semaphore(%run_scoped3A : memref<!tpu.dma_semaphore, #tpu.memory_space<semaphore_mem>>)
      %dma_wait3A = arith.constant 0 : i32
      %dma_wait3A_88 = tpu.memref_slice %arg9[%dma_wait3A] : memref<24xi32, #tpu.memory_space<vmem>> -> memref<8xi32, #tpu.memory_space<vmem>>
      %dma_wait3A_89 = tpu.memref_slice %arg3[%add3A_72] : memref<256xi32, #tpu.memory_space<hbm>> -> memref<8xi32, #tpu.memory_space<hbm>>
      %dma_wait3A_90 = arith.constant 0 : i32
      %dma_wait3A_91 = tpu.memref_slice %arg9[%dma_wait3A_90] : memref<24xi32, #tpu.memory_space<vmem>> -> memref<8xi32, #tpu.memory_space<vmem>>
      %dma_wait3A_92 = tpu.memref_slice %arg3[%add3A_72] : memref<256xi32, #tpu.memory_space<hbm>> -> memref<8xi32, #tpu.memory_space<hbm>>
      tpu.wait_dma2 semaphore(%run_scoped3A : memref<!tpu.dma_semaphore, #tpu.memory_space<semaphore_mem>>) src(%dma_wait3A_92 : memref<8xi32, #tpu.memory_space<hbm>>) dst(%dma_wait3A_91 : memref<8xi32, #tpu.memory_space<vmem>>)
      tpu.yield
    }) : () -> ()
    "tpu.region"() ({
      %run_scoped3A = tpu.sem_alloc : memref<!tpu.dma_semaphore, #tpu.memory_space<semaphore_mem>>
      %dma_start3A_82 = arith.constant 0 : i32
      %dma_start3A_83 = tpu.memref_slice %arg10[%dma_start3A_82] : memref<24xi32, #tpu.memory_space<vmem>> -> memref<8xi32, #tpu.memory_space<vmem>>
      %dma_start3A_84 = tpu.memref_slice %arg4[%add3A_72] : memref<256xi32, #tpu.memory_space<hbm>> -> memref<8xi32, #tpu.memory_space<hbm>>
      %dma_start3A_85 = arith.constant 0 : i32
      %dma_start3A_86 = tpu.memref_slice %arg10[%dma_start3A_85] : memref<24xi32, #tpu.memory_space<vmem>> -> memref<8xi32, #tpu.memory_space<vmem>>
      %dma_start3A_87 = tpu.memref_slice %arg4[%add3A_72] : memref<256xi32, #tpu.memory_space<hbm>> -> memref<8xi32, #tpu.memory_space<hbm>>
      tpu.enqueue_dma source(%dma_start3A_87 : memref<8xi32, #tpu.memory_space<hbm>>) target(%dma_start3A_86 : memref<8xi32, #tpu.memory_space<vmem>>) target_semaphore(%run_scoped3A : memref<!tpu.dma_semaphore, #tpu.memory_space<semaphore_mem>>)
      %dma_wait3A = arith.constant 0 : i32
      %dma_wait3A_88 = tpu.memref_slice %arg10[%dma_wait3A] : memref<24xi32, #tpu.memory_space<vmem>> -> memref<8xi32, #tpu.memory_space<vmem>>
      %dma_wait3A_89 = tpu.memref_slice %arg4[%add3A_72] : memref<256xi32, #tpu.memory_space<hbm>> -> memref<8xi32, #tpu.memory_space<hbm>>
      %dma_wait3A_90 = arith.constant 0 : i32
      %dma_wait3A_91 = tpu.memref_slice %arg10[%dma_wait3A_90] : memref<24xi32, #tpu.memory_space<vmem>> -> memref<8xi32, #tpu.memory_space<vmem>>
      %dma_wait3A_92 = tpu.memref_slice %arg4[%add3A_72] : memref<256xi32, #tpu.memory_space<hbm>> -> memref<8xi32, #tpu.memory_space<hbm>>
      tpu.wait_dma2 semaphore(%run_scoped3A : memref<!tpu.dma_semaphore, #tpu.memory_space<semaphore_mem>>) src(%dma_wait3A_92 : memref<8xi32, #tpu.memory_space<hbm>>) dst(%dma_wait3A_91 : memref<8xi32, #tpu.memory_space<vmem>>)
      tpu.yield
    }) : () -> ()
    %scan3A_73 = arith.constant 0 : i32
    %scan3A_74 = arith.constant 0 : i32
    %scan3A_75 = arith.constant 8 : i32
    %scan3A_76 = arith.addi %scan3A_74, %scan3A_75 : i32
    %scan3A_77 = arith.constant 1 : i32
    %scan3A_78 = scf.for %scan3A_82 = %scan3A_74 to %scan3A_76 step %scan3A_77 iter_args(%scan3A_83 = %scan3A_73) -> (i32)  : i32 {
      %get3A = arith.index_cast %scan3A_82 : i32 to index
      %get3A_84 = tpu.vector_load %arg9[%get3A] {strides = array<i32>} : memref<24xi32, #tpu.memory_space<vmem>>, vector<16xi32>,
      %get3A_85 = vector.shape_cast %get3A_84 : vector<16xi32> to vector<16xi32>
      %slice3A = vector.extract_strided_slice %get3A_85 {offsets = [0], sizes = [1], strides = [1]} : vector<16xi32> to vector<1xi32>
      %squeeze3A = vector.extract %slice3A[0] : i32 from vector<1xi32>
      %get3A_86 = arith.index_cast %scan3A_82 : i32 to index
      %get3A_87 = tpu.vector_load %arg10[%get3A_86] {strides = array<i32>} : memref<24xi32, #tpu.memory_space<vmem>>, vector<16xi32>,
      %get3A_88 = vector.shape_cast %get3A_87 : vector<16xi32> to vector<16xi32>
      %slice3A_89 = vector.extract_strided_slice %get3A_88 {offsets = [0], sizes = [1], strides = [1]} : vector<16xi32> to vector<1xi32>
      %squeeze3A_90 = vector.extract %slice3A_89[0] : i32 from vector<1xi32>
      %add3A_91 = arith.addi %add3A_72, %scan3A_82 : i32
      %jit3A_92 = arith.constant 32 : i32
      %div3A_93 = arith.divsi %add3A_91, %jit3A_92 : i32
      %sign3A_94 = arith.constant 0 : i32
      %sign3A_95 = arith.cmpi sgt, %add3A_91, %sign3A_94 : i32
      %sign3A_96 = arith.extui %sign3A_95 : i1 to i32
      %sign3A_97 = arith.constant 0 : i32
      %sign3A_98 = arith.cmpi slt, %add3A_91, %sign3A_97 : i32
      %sign3A_99 = arith.extui %sign3A_98 : i1 to i32
      %sign3A_100 = arith.subi %sign3A_96, %sign3A_99 : i32
      %sign3A_101 = arith.constant 0 : i32
      %sign3A_102 = arith.cmpi sgt, %jit3A_92, %sign3A_101 : i32
      %sign3A_103 = arith.extui %sign3A_102 : i1 to i32
      %sign3A_104 = arith.constant 0 : i32
      %sign3A_105 = arith.cmpi slt, %jit3A_92, %sign3A_104 : i32
      %sign3A_106 = arith.extui %sign3A_105 : i1 to i32
      %sign3A_107 = arith.subi %sign3A_103, %sign3A_106 : i32
      %ne3A_108 = arith.cmpi ne, %sign3A_100, %sign3A_107 : i32
      %rem3A_109 = arith.remsi %add3A_91, %jit3A_92 : i32
      %ne3A_110 = arith.constant 0 : i32
      %ne3A_111 = arith.cmpi ne, %rem3A_109, %ne3A_110 : i32
      %and3A_112 = arith.andi %ne3A_108, %ne3A_111 : i1
      %sub3A_113 = arith.constant 1 : i32
      %sub3A_114 = arith.subi %div3A_93, %sub3A_113 : i32
      %select_n3A_115 = arith.select %and3A_112, %sub3A_114, %div3A_93 : i32
      %add3A_116 = arith.constant 16 : i32
      %add3A_117 = arith.addi %squeeze3A, %add3A_116 : i32
      %sub3A_118 = arith.constant 1 : i32
      %sub3A_119 = arith.subi %add3A_117, %sub3A_118 : i32
      %jit3A_120 = arith.constant 16 : i32
      %div3A_121 = arith.divsi %sub3A_119, %jit3A_120 : i32
      %sign3A_122 = arith.constant 0 : i32
      %sign3A_123 = arith.cmpi sgt, %sub3A_119, %sign3A_122 : i32
      %sign3A_124 = arith.extui %sign3A_123 : i1 to i32
      %sign3A_125 = arith.constant 0 : i32
      %sign3A_126 = arith.cmpi slt, %sub3A_119, %sign3A_125 : i32
      %sign3A_127 = arith.extui %sign3A_126 : i1 to i32
      %sign3A_128 = arith.subi %sign3A_124, %sign3A_127 : i32
      %sign3A_129 = arith.constant 0 : i32
      %sign3A_130 = arith.cmpi sgt, %jit3A_120, %sign3A_129 : i32
      %sign3A_131 = arith.extui %sign3A_130 : i1 to i32
      %sign3A_132 = arith.constant 0 : i32
      %sign3A_133 = arith.cmpi slt, %jit3A_120, %sign3A_132 : i32
      %sign3A_134 = arith.extui %sign3A_133 : i1 to i32
      %sign3A_135 = arith.subi %sign3A_131, %sign3A_134 : i32
      %ne3A_136 = arith.cmpi ne, %sign3A_128, %sign3A_135 : i32
      %rem3A_137 = arith.remsi %sub3A_119, %jit3A_120 : i32
      %ne3A_138 = arith.constant 0 : i32
      %ne3A_139 = arith.cmpi ne, %rem3A_137, %ne3A_138 : i32
      %and3A_140 = arith.andi %ne3A_136, %ne3A_139 : i1
      %sub3A_141 = arith.constant 1 : i32
      %sub3A_142 = arith.subi %div3A_121, %sub3A_141 : i32
      %select_n3A_143 = arith.select %and3A_140, %sub3A_142, %div3A_121 : i32
      %add3A_144 = arith.constant 1 : i32
      %add3A_145 = arith.addi %squeeze3A_90, %add3A_144 : i32
      %jit3A_146 = arith.constant 16 : i32
      %div3A_147 = arith.divsi %add3A_145, %jit3A_146 : i32
      %sign3A_148 = arith.constant 0 : i32
      %sign3A_149 = arith.cmpi sgt, %add3A_145, %sign3A_148 : i32
      %sign3A_150 = arith.extui %sign3A_149 : i1 to i32
      %sign3A_151 = arith.constant 0 : i32
      %sign3A_152 = arith.cmpi slt, %add3A_145, %sign3A_151 : i32
      %sign3A_153 = arith.extui %sign3A_152 : i1 to i32
      %sign3A_154 = arith.subi %sign3A_150, %sign3A_153 : i32
      %sign3A_155 = arith.constant 0 : i32
      %sign3A_156 = arith.cmpi sgt, %jit3A_146, %sign3A_155 : i32
      %sign3A_157 = arith.extui %sign3A_156 : i1 to i32
      %sign3A_158 = arith.constant 0 : i32
      %sign3A_159 = arith.cmpi slt, %jit3A_146, %sign3A_158 : i32
      %sign3A_160 = arith.extui %sign3A_159 : i1 to i32
      %sign3A_161 = arith.subi %sign3A_157, %sign3A_160 : i32
      %ne3A_162 = arith.cmpi ne, %sign3A_154, %sign3A_161 : i32
      %rem3A_163 = arith.remsi %add3A_145, %jit3A_146 : i32
      %ne3A_164 = arith.constant 0 : i32
      %ne3A_165 = arith.cmpi ne, %rem3A_163, %ne3A_164 : i32
      %and3A_166 = arith.andi %ne3A_162, %ne3A_165 : i1
      %sub3A_167 = arith.constant 1 : i32
      %sub3A_168 = arith.subi %div3A_147, %sub3A_167 : i32
      %select_n3A_169 = arith.select %and3A_166, %sub3A_168, %div3A_147 : i32
      %sub3A_170 = arith.subi %select_n3A_169, %select_n3A_143 : i32
      %max3A = arith.constant 0 : i32
      %max3A_171 = arith.maxsi %sub3A_170, %max3A : i32
      %add3A_172 = arith.constant 16 : i32
      %add3A_173 = arith.addi %max3A_171, %add3A_172 : i32
      %sub3A_174 = arith.constant 1 : i32
      %sub3A_175 = arith.subi %add3A_173, %sub3A_174 : i32
      %jit3A_176 = arith.constant 16 : i32
      %div3A_177 = arith.divsi %sub3A_175, %jit3A_176 : i32
      %sign3A_178 = arith.constant 0 : i32
      %sign3A_179 = arith.cmpi sgt, %sub3A_175, %sign3A_178 : i32
      %sign3A_180 = arith.extui %sign3A_179 : i1 to i32
      %sign3A_181 = arith.constant 0 : i32
      %sign3A_182 = arith.cmpi slt, %sub3A_175, %sign3A_181 : i32
      %sign3A_183 = arith.extui %sign3A_182 : i1 to i32
      %sign3A_184 = arith.subi %sign3A_180, %sign3A_183 : i32
      %sign3A_185 = arith.constant 0 : i32
      %sign3A_186 = arith.cmpi sgt, %jit3A_176, %sign3A_185 : i32
      %sign3A_187 = arith.extui %sign3A_186 : i1 to i32
      %sign3A_188 = arith.constant 0 : i32
      %sign3A_189 = arith.cmpi slt, %jit3A_176, %sign3A_188 : i32
      %sign3A_190 = arith.extui %sign3A_189 : i1 to i32
      %sign3A_191 = arith.subi %sign3A_187, %sign3A_190 : i32
      %ne3A_192 = arith.cmpi ne, %sign3A_184, %sign3A_191 : i32
      %rem3A_193 = arith.remsi %sub3A_175, %jit3A_176 : i32
      %ne3A_194 = arith.constant 0 : i32
      %ne3A_195 = arith.cmpi ne, %rem3A_193, %ne3A_194 : i32
      %and3A_196 = arith.andi %ne3A_192, %ne3A_195 : i1
      %sub3A_197 = arith.constant 1 : i32
      %sub3A_198 = arith.subi %div3A_177, %sub3A_197 : i32
      %select_n3A_199 = arith.select %and3A_196, %sub3A_198, %div3A_177 : i32
      %add3A_200 = arith.constant 2 : i32
      %add3A_201 = arith.addi %add3A_200, %select_n3A_199 : i32
      %min3A = arith.constant 496 : i32
      %min3A_202 = arith.minsi %squeeze3A, %min3A : i32
      %mul3A_203 = arith.constant 16 : i32
      %mul3A_204 = arith.muli %select_n3A_143, %mul3A_203 : i32
      %sub3A_205 = arith.constant 1 : i32
      %sub3A_206 = arith.subi %mul3A_204, %sub3A_205 : i32
      %min3A_207 = arith.minsi %sub3A_206, %squeeze3A_90 : i32
      %max3A_208 = arith.maxsi %select_n3A_169, %select_n3A_143 : i32
      %mul3A_209 = arith.constant 16 : i32
      %mul3A_210 = arith.muli %max3A_208, %mul3A_209 : i32
      %min3A_211 = arith.constant 496 : i32
      %min3A_212 = arith.minsi %mul3A_210, %min3A_211 : i32
      %mul3A_213 = arith.constant 512 : i32
      %mul3A_214 = arith.muli %select_n3A_115, %mul3A_213 : i32
      %mul3A_215 = arith.constant 32 : i32
      %mul3A_216 = arith.muli %select_n3A_115, %mul3A_215 : i32
      %or3A = arith.constant true
      %or3A_217 = arith.constant false
      %or3A_218 = arith.ori %or3A, %or3A_217 : i1
      %add3A_219 = arith.constant -32 : i32
      %add3A_220 = arith.addi %select_n3A_143, %add3A_219 : i32
      %min3A_221 = arith.constant 16 : i32
      %min3A_222 = arith.minsi %add3A_220, %min3A_221 : i32
      %jit3A_223 = arith.constant true
      %select_n3A_224 = arith.select %jit3A_223, %min3A_202, %min3A_212 : i32
      %add3A_225 = arith.addi %mul3A_214, %select_n3A_224 : i32
      %mul3A_226 = arith.constant 768 : i32
      %mul3A_227 = arith.muli %add3A_225, %mul3A_226 : i32
      %add3A_228 = arith.addi %mul3A_216, %min3A_222 : i32
      %mul3A_229 = arith.constant 768 : i32
      %mul3A_230 = arith.muli %add3A_228, %mul3A_229 : i32
      %convert_element_type3A = arith.extui %or3A_218 : i1 to i32
      %cond3A = arith.constant 0 : i32
      %cond3A_231 = arith.cmpi ne, %convert_element_type3A, %cond3A : i32
      scf.if %cond3A_231 {
        %dma_start3A_287 = arith.constant 0 : i32
        %dma_start3A_288 = tpu.memref_slice %arg7[%dma_start3A_287] : memref<36864xf32, #tpu.memory_space<vmem>> -> memref<12288xf32, #tpu.memory_space<vmem>>
        %dma_start3A_289 = tpu.memref_slice %arg2[%mul3A_227] : memref<3145728xf32, #tpu.memory_space<hbm>> -> memref<12288xf32, #tpu.memory_space<hbm>>
        %dma_start3A_290 = arith.constant 0 : i32
        %dma_start3A_291 = tpu.memref_slice %arg7[%dma_start3A_290] : memref<36864xf32, #tpu.memory_space<vmem>> -> memref<12288xf32, #tpu.memory_space<vmem>>
        %dma_start3A_292 = tpu.memref_slice %arg2[%mul3A_227] : memref<3145728xf32, #tpu.memory_space<hbm>> -> memref<12288xf32, #tpu.memory_space<hbm>>
        tpu.enqueue_dma source(%dma_start3A_292 : memref<12288xf32, #tpu.memory_space<hbm>>) target(%dma_start3A_291 : memref<12288xf32, #tpu.memory_space<vmem>>) target_semaphore(%arg13 : memref<!tpu.dma_semaphore, #tpu.memory_space<semaphore_mem>>)
      } else {
      }
      %not3A = arith.constant true
      %not3A_232 = arith.xori %or3A_218, %not3A : i1
      %convert_element_type3A_233 = arith.extui %not3A_232 : i1 to i32
      %cond3A_234 = arith.constant 0 : i32
      %cond3A_235 = arith.cmpi ne, %convert_element_type3A_233, %cond3A_234 : i32
      scf.if %cond3A_235 {
        %dma_start3A_287 = arith.constant 0 : i32
        %dma_start3A_288 = tpu.memref_slice %arg7[%dma_start3A_287] : memref<36864xf32, #tpu.memory_space<vmem>> -> memref<12288xf32, #tpu.memory_space<vmem>>
        %dma_start3A_289 = tpu.memref_slice %arg6[%mul3A_230] : memref<196608xf32, #tpu.memory_space<hbm>> -> memref<12288xf32, #tpu.memory_space<hbm>>
        %dma_start3A_290 = arith.constant 0 : i32
        %dma_start3A_291 = tpu.memref_slice %arg7[%dma_start3A_290] : memref<36864xf32, #tpu.memory_space<vmem>> -> memref<12288xf32, #tpu.memory_space<vmem>>
        %dma_start3A_292 = tpu.memref_slice %arg6[%mul3A_230] : memref<196608xf32, #tpu.memory_space<hbm>> -> memref<12288xf32, #tpu.memory_space<hbm>>
        tpu.enqueue_dma source(%dma_start3A_292 : memref<12288xf32, #tpu.memory_space<hbm>>) target(%dma_start3A_291 : memref<12288xf32, #tpu.memory_space<vmem>>) target_semaphore(%arg13 : memref<!tpu.dma_semaphore, #tpu.memory_space<semaphore_mem>>)
      } else {
      }
      %or3A_236 = arith.constant false
      %or3A_237 = arith.constant true
      %or3A_238 = arith.ori %or3A_236, %or3A_237 : i1
      %add3A_239 = arith.constant -16 : i32
      %add3A_240 = arith.addi %select_n3A_143, %add3A_239 : i32
      %min3A_241 = arith.constant 16 : i32
      %min3A_242 = arith.minsi %add3A_240, %min3A_241 : i32
      %jit3A_243 = arith.constant false
      %select_n3A_244 = arith.select %jit3A_243, %min3A_202, %min3A_212 : i32
      %add3A_245 = arith.addi %mul3A_214, %select_n3A_244 : i32
      %mul3A_246 = arith.constant 768 : i32
      %mul3A_247 = arith.muli %add3A_245, %mul3A_246 : i32
      %add3A_248 = arith.addi %mul3A_216, %min3A_242 : i32
      %mul3A_249 = arith.constant 768 : i32
      %mul3A_250 = arith.muli %add3A_248, %mul3A_249 : i32
      %convert_element_type3A_251 = arith.extui %or3A_238 : i1 to i32
      %cond3A_252 = arith.constant 0 : i32
      %cond3A_253 = arith.cmpi ne, %convert_element_type3A_251, %cond3A_252 : i32
      scf.if %cond3A_253 {
        %dma_start3A_287 = arith.constant 12288 : i32
        %dma_start3A_288 = tpu.memref_slice %arg7[%dma_start3A_287] : memref<36864xf32, #tpu.memory_space<vmem>> -> memref<12288xf32, #tpu.memory_space<vmem>>
        %dma_start3A_289 = tpu.memref_slice %arg2[%mul3A_247] : memref<3145728xf32, #tpu.memory_space<hbm>> -> memref<12288xf32, #tpu.memory_space<hbm>>
        %dma_start3A_290 = arith.constant 12288 : i32
        %dma_start3A_291 = tpu.memref_slice %arg7[%dma_start3A_290] : memref<36864xf32, #tpu.memory_space<vmem>> -> memref<12288xf32, #tpu.memory_space<vmem>>
        %dma_start3A_292 = tpu.memref_slice %arg2[%mul3A_247] : memref<3145728xf32, #tpu.memory_space<hbm>> -> memref<12288xf32, #tpu.memory_space<hbm>>
        tpu.enqueue_dma source(%dma_start3A_292 : memref<12288xf32, #tpu.memory_space<hbm>>) target(%dma_start3A_291 : memref<12288xf32, #tpu.memory_space<vmem>>) target_semaphore(%arg14 : memref<!tpu.dma_semaphore, #tpu.memory_space<semaphore_mem>>)
      } else {
      }
      %not3A_254 = arith.constant true
      %not3A_255 = arith.xori %or3A_238, %not3A_254 : i1
      %convert_element_type3A_256 = arith.extui %not3A_255 : i1 to i32
      %cond3A_257 = arith.constant 0 : i32
      %cond3A_258 = arith.cmpi ne, %convert_element_type3A_256, %cond3A_257 : i32
      scf.if %cond3A_258 {
        %dma_start3A_287 = arith.constant 12288 : i32
        %dma_start3A_288 = tpu.memref_slice %arg7[%dma_start3A_287] : memref<36864xf32, #tpu.memory_space<vmem>> -> memref<12288xf32, #tpu.memory_space<vmem>>
        %dma_start3A_289 = tpu.memref_slice %arg6[%mul3A_250] : memref<196608xf32, #tpu.memory_space<hbm>> -> memref<12288xf32, #tpu.memory_space<hbm>>
        %dma_start3A_290 = arith.constant 12288 : i32
        %dma_start3A_291 = tpu.memref_slice %arg7[%dma_start3A_290] : memref<36864xf32, #tpu.memory_space<vmem>> -> memref<12288xf32, #tpu.memory_space<vmem>>
        %dma_start3A_292 = tpu.memref_slice %arg6[%mul3A_250] : memref<196608xf32, #tpu.memory_space<hbm>> -> memref<12288xf32, #tpu.memory_space<hbm>>
        tpu.enqueue_dma source(%dma_start3A_292 : memref<12288xf32, #tpu.memory_space<hbm>>) target(%dma_start3A_291 : memref<12288xf32, #tpu.memory_space<vmem>>) target_semaphore(%arg14 : memref<!tpu.dma_semaphore, #tpu.memory_space<semaphore_mem>>)
      } else {
      }
      %scan3A_259 = arith.constant 0 : i32
      %scan3A_260 = arith.constant 0 : i32
      %scan3A_261 = arith.constant 48 : i32
      %scan3A_262 = arith.addi %scan3A_260, %scan3A_261 : i32
      %scan3A_263 = arith.constant 1 : i32
      %scan3A_264 = scf.for %scan3A_287 = %scan3A_260 to %scan3A_262 step %scan3A_263 iter_args(%scan3A_288 = %scan3A_259) -> (i32)  : i32 {
        %broadcast_in_dim3A = arith.constant -3.000000e+38 : f32
        %broadcast_in_dim3A_289 = vector.broadcast %broadcast_in_dim3A : f32 to vector<16xf32>
        %mul3A_290 = arith.constant 16 : i32
        %mul3A_291 = arith.muli %scan3A_287, %mul3A_290 : i32
        %swap3A = arith.index_cast %mul3A_291 : i32 to index
        %swap3A_292 = tpu.vector_load %arg8[%swap3A] {strides = array<i32>} : memref<768xf32, #tpu.memory_space<vmem>>, vector<16xf32>,
        %swap3A_293 = vector.shape_cast %swap3A_292 : vector<16xf32> to vector<16xf32>
        %swap3A_294 = vector.shape_cast %broadcast_in_dim3A_289 : vector<16xf32> to vector<16xf32>
        tpu.vector_store %arg8[%swap3A], %swap3A_294 {strides = array<i32>} : memref<768xf32, #tpu.memory_space<vmem>>, vector<16xf32>,
        %scan3A_295 = arith.constant 0 : i32
        scf.yield %scan3A_295 : i32
      }
      %scan3A_265 = arith.constant 48 : i32
      %while3A = arith.constant 0 : i32
      %while3A_266 = arith.constant 0 : i32
      %while3A_267 = arith.subi %add3A_201, %while3A : i32
      %while3A_268 = arith.addi %while3A, %while3A_267 : i32
      %while3A_269 = arith.constant 1 : i32
      %while3A_270 = arith.divsi %while3A_267, %while3A_269 : i32
      %while3A_271 = arith.muli %while3A_270, %while3A_269 : i32
      %while3A_272 = arith.addi %while3A, %while3A_271 : i32
      %while3A_273 = arith.constant 1 : i32
      %while3A_274 = scf.for %while3A_287 = %while3A to %while3A_272 step %while3A_273 iter_args(%while3A_288 = %while3A_266) -> (i32)  : i32 {
        %add3A_289 = arith.constant 2 : i32
        %add3A_290 = arith.addi %while3A_287, %add3A_289 : i32
        %lt3A_291 = arith.cmpi slt, %add3A_290, %add3A_201 : i32
        %convert_element_type3A_292 = arith.extui %lt3A_291 : i1 to i32
        %cond3A_293 = arith.constant 0 : i32
        %cond3A_294 = arith.cmpi ne, %convert_element_type3A_292, %cond3A_293 : i32
        scf.if %cond3A_294 {
          %add3A_411 = arith.constant 2 : i32
          %add3A_412 = arith.addi %while3A_287, %add3A_411 : i32
          %eq3A_413 = arith.constant 0 : i32
          %eq3A_414 = arith.cmpi eq, %add3A_412, %eq3A_413 : i32
          %eq3A_415 = arith.constant 1 : i32
          %eq3A_416 = arith.cmpi eq, %add3A_412, %eq3A_415 : i32
          %or3A_417 = arith.ori %eq3A_414, %eq3A_416 : i1
          %sub3A_418 = arith.constant 2 : i32
          %sub3A_419 = arith.subi %add3A_412, %sub3A_418 : i32
          %mul3A_420 = arith.constant 16 : i32
          %mul3A_421 = arith.muli %sub3A_419, %mul3A_420 : i32
          %add3A_422 = arith.addi %select_n3A_143, %mul3A_421 : i32
          %min3A_423 = arith.constant 16 : i32
          %min3A_424 = arith.minsi %add3A_422, %min3A_423 : i32
          %select_n3A_425 = arith.select %eq3A_414, %min3A_202, %min3A_212 : i32
          %add3A_426 = arith.addi %mul3A_214, %select_n3A_425 : i32
          %mul3A_427 = arith.constant 768 : i32
          %mul3A_428 = arith.muli %add3A_426, %mul3A_427 : i32
          %add3A_429 = arith.addi %mul3A_216, %min3A_424 : i32
          %mul3A_430 = arith.constant 768 : i32
          %mul3A_431 = arith.muli %add3A_429, %mul3A_430 : i32
          %convert_element_type3A_432 = arith.extui %or3A_417 : i1 to i32
          %cond3A_433 = arith.constant 0 : i32
          %cond3A_434 = arith.cmpi ne, %convert_element_type3A_432, %cond3A_433 : i32
          scf.if %cond3A_434 {
            %jit3A_440 = arith.constant 3 : i32
            %eq3A_441 = arith.constant 0 : i32
            %eq3A_442 = arith.cmpi eq, %jit3A_440, %eq3A_441 : i32
            %jit3A_443 = arith.constant 1 : i32
            %select_n3A_444 = arith.select %eq3A_442, %jit3A_443, %jit3A_440 : i32
            %rem3A_445 = arith.remsi %add3A_412, %select_n3A_444 : i32
            %ne3A_446 = arith.constant 0 : i32
            %ne3A_447 = arith.cmpi ne, %rem3A_445, %ne3A_446 : i32
            %lt3A_448 = arith.constant 0 : i32
            %lt3A_449 = arith.cmpi slt, %rem3A_445, %lt3A_448 : i32
            %lt3A_450 = arith.constant 0 : i32
            %lt3A_451 = arith.cmpi slt, %select_n3A_444, %lt3A_450 : i32
            %ne3A_452 = arith.xori %lt3A_449, %lt3A_451 : i1
            %and3A_453 = arith.andi %ne3A_452, %ne3A_447 : i1
            %add3A_454 = arith.addi %rem3A_445, %select_n3A_444 : i32
            %select_n3A_455 = arith.select %and3A_453, %add3A_454, %rem3A_445 : i32
            %eq3A_456 = arith.constant 0 : i32
            %eq3A_457 = arith.cmpi eq, %select_n3A_455, %eq3A_456 : i32
            %convert_element_type3A_458 = arith.extui %eq3A_457 : i1 to i32
            %cond3A_459 = arith.constant 0 : i32
            %cond3A_460 = arith.cmpi ne, %convert_element_type3A_458, %cond3A_459 : i32
            scf.if %cond3A_460 {
              %dma_start3A_503 = arith.constant 0 : i32
              %dma_start3A_504 = tpu.memref_slice %arg7[%dma_start3A_503] : memref<36864xf32, #tpu.memory_space<vmem>> -> memref<12288xf32, #tpu.memory_space<vmem>>
              %dma_start3A_505 = tpu.memref_slice %arg2[%mul3A_428] : memref<3145728xf32, #tpu.memory_space<hbm>> -> memref<12288xf32, #tpu.memory_space<hbm>>
              %dma_start3A_506 = arith.constant 0 : i32
              %dma_start3A_507 = tpu.memref_slice %arg7[%dma_start3A_506] : memref<36864xf32, #tpu.memory_space<vmem>> -> memref<12288xf32, #tpu.memory_space<vmem>>
              %dma_start3A_508 = tpu.memref_slice %arg2[%mul3A_428] : memref<3145728xf32, #tpu.memory_space<hbm>> -> memref<12288xf32, #tpu.memory_space<hbm>>
              tpu.enqueue_dma source(%dma_start3A_508 : memref<12288xf32, #tpu.memory_space<hbm>>) target(%dma_start3A_507 : memref<12288xf32, #tpu.memory_space<vmem>>) target_semaphore(%arg13 : memref<!tpu.dma_semaphore, #tpu.memory_space<semaphore_mem>>)
            } else {
            }
            %jit3A_461 = arith.constant 3 : i32
            %eq3A_462 = arith.constant 0 : i32
            %eq3A_463 = arith.cmpi eq, %jit3A_461, %eq3A_462 : i32
            %jit3A_464 = arith.constant 1 : i32
            %select_n3A_465 = arith.select %eq3A_463, %jit3A_464, %jit3A_461 : i32
            %rem3A_466 = arith.remsi %add3A_412, %select_n3A_465 : i32
            %ne3A_467 = arith.constant 0 : i32
            %ne3A_468 = arith.cmpi ne, %rem3A_466, %ne3A_467 : i32
            %lt3A_469 = arith.constant 0 : i32
            %lt3A_470 = arith.cmpi slt, %rem3A_466, %lt3A_469 : i32
            %lt3A_471 = arith.constant 0 : i32
            %lt3A_472 = arith.cmpi slt, %select_n3A_465, %lt3A_471 : i32
            %ne3A_473 = arith.xori %lt3A_470, %lt3A_472 : i1
            %and3A_474 = arith.andi %ne3A_473, %ne3A_468 : i1
            %add3A_475 = arith.addi %rem3A_466, %select_n3A_465 : i32
            %select_n3A_476 = arith.select %and3A_474, %add3A_475, %rem3A_466 : i32
            %eq3A_477 = arith.constant 1 : i32
            %eq3A_478 = arith.cmpi eq, %select_n3A_476, %eq3A_477 : i32
            %convert_element_type3A_479 = arith.extui %eq3A_478 : i1 to i32
            %cond3A_480 = arith.constant 0 : i32
            %cond3A_481 = arith.cmpi ne, %convert_element_type3A_479, %cond3A_480 : i32
            scf.if %cond3A_481 {
              %dma_start3A_503 = arith.constant 12288 : i32
              %dma_start3A_504 = tpu.memref_slice %arg7[%dma_start3A_503] : memref<36864xf32, #tpu.memory_space<vmem>> -> memref<12288xf32, #tpu.memory_space<vmem>>
              %dma_start3A_505 = tpu.memref_slice %arg2[%mul3A_428] : memref<3145728xf32, #tpu.memory_space<hbm>> -> memref<12288xf32, #tpu.memory_space<hbm>>
              %dma_start3A_506 = arith.constant 12288 : i32
              %dma_start3A_507 = tpu.memref_slice %arg7[%dma_start3A_506] : memref<36864xf32, #tpu.memory_space<vmem>> -> memref<12288xf32, #tpu.memory_space<vmem>>
              %dma_start3A_508 = tpu.memref_slice %arg2[%mul3A_428] : memref<3145728xf32, #tpu.memory_space<hbm>> -> memref<12288xf32, #tpu.memory_space<hbm>>
              tpu.enqueue_dma source(%dma_start3A_508 : memref<12288xf32, #tpu.memory_space<hbm>>) target(%dma_start3A_507 : memref<12288xf32, #tpu.memory_space<vmem>>) target_semaphore(%arg14 : memref<!tpu.dma_semaphore, #tpu.memory_space<semaphore_mem>>)
            } else {
            }
            %jit3A_482 = arith.constant 3 : i32
            %eq3A_483 = arith.constant 0 : i32
            %eq3A_484 = arith.cmpi eq, %jit3A_482, %eq3A_483 : i32
            %jit3A_485 = arith.constant 1 : i32
            %select_n3A_486 = arith.select %eq3A_484, %jit3A_485, %jit3A_482 : i32
            %rem3A_487 = arith.remsi %add3A_412, %select_n3A_486 : i32
            %ne3A_488 = arith.constant 0 : i32
            %ne3A_489 = arith.cmpi ne, %rem3A_487, %ne3A_488 : i32
            %lt3A_490 = arith.constant 0 : i32
            %lt3A_491 = arith.cmpi slt, %rem3A_487, %lt3A_490 : i32
            %lt3A_492 = arith.constant 0 : i32
            %lt3A_493 = arith.cmpi slt, %select_n3A_486, %lt3A_492 : i32
            %ne3A_494 = arith.xori %lt3A_491, %lt3A_493 : i1
            %and3A_495 = arith.andi %ne3A_494, %ne3A_489 : i1
            %add3A_496 = arith.addi %rem3A_487, %select_n3A_486 : i32
            %select_n3A_497 = arith.select %and3A_495, %add3A_496, %rem3A_487 : i32
            %eq3A_498 = arith.constant 2 : i32
            %eq3A_499 = arith.cmpi eq, %select_n3A_497, %eq3A_498 : i32
            %convert_element_type3A_500 = arith.extui %eq3A_499 : i1 to i32
            %cond3A_501 = arith.constant 0 : i32
            %cond3A_502 = arith.cmpi ne, %convert_element_type3A_500, %cond3A_501 : i32
            scf.if %cond3A_502 {
              %dma_start3A_503 = arith.constant 24576 : i32
              %dma_start3A_504 = tpu.memref_slice %arg7[%dma_start3A_503] : memref<36864xf32, #tpu.memory_space<vmem>> -> memref<12288xf32, #tpu.memory_space<vmem>>
              %dma_start3A_505 = tpu.memref_slice %arg2[%mul3A_428] : memref<3145728xf32, #tpu.memory_space<hbm>> -> memref<12288xf32, #tpu.memory_space<hbm>>
              %dma_start3A_506 = arith.constant 24576 : i32
              %dma_start3A_507 = tpu.memref_slice %arg7[%dma_start3A_506] : memref<36864xf32, #tpu.memory_space<vmem>> -> memref<12288xf32, #tpu.memory_space<vmem>>
              %dma_start3A_508 = tpu.memref_slice %arg2[%mul3A_428] : memref<3145728xf32, #tpu.memory_space<hbm>> -> memref<12288xf32, #tpu.memory_space<hbm>>
              tpu.enqueue_dma source(%dma_start3A_508 : memref<12288xf32, #tpu.memory_space<hbm>>) target(%dma_start3A_507 : memref<12288xf32, #tpu.memory_space<vmem>>) target_semaphore(%arg15 : memref<!tpu.dma_semaphore, #tpu.memory_space<semaphore_mem>>)
            } else {
            }
          } else {
          }
          %not3A_435 = arith.constant true
          %not3A_436 = arith.xori %or3A_417, %not3A_435 : i1
          %convert_element_type3A_437 = arith.extui %not3A_436 : i1 to i32
          %cond3A_438 = arith.constant 0 : i32
          %cond3A_439 = arith.cmpi ne, %convert_element_type3A_437, %cond3A_438 : i32
          scf.if %cond3A_439 {
            %jit3A_440 = arith.constant 3 : i32
            %eq3A_441 = arith.constant 0 : i32
            %eq3A_442 = arith.cmpi eq, %jit3A_440, %eq3A_441 : i32
            %jit3A_443 = arith.constant 1 : i32
            %select_n3A_444 = arith.select %eq3A_442, %jit3A_443, %jit3A_440 : i32
            %rem3A_445 = arith.remsi %add3A_412, %select_n3A_444 : i32
            %ne3A_446 = arith.constant 0 : i32
            %ne3A_447 = arith.cmpi ne, %rem3A_445, %ne3A_446 : i32
            %lt3A_448 = arith.constant 0 : i32
            %lt3A_449 = arith.cmpi slt, %rem3A_445, %lt3A_448 : i32
            %lt3A_450 = arith.constant 0 : i32
            %lt3A_451 = arith.cmpi slt, %select_n3A_444, %lt3A_450 : i32
            %ne3A_452 = arith.xori %lt3A_449, %lt3A_451 : i1
            %and3A_453 = arith.andi %ne3A_452, %ne3A_447 : i1
            %add3A_454 = arith.addi %rem3A_445, %select_n3A_444 : i32
            %select_n3A_455 = arith.select %and3A_453, %add3A_454, %rem3A_445 : i32
            %eq3A_456 = arith.constant 0 : i32
            %eq3A_457 = arith.cmpi eq, %select_n3A_455, %eq3A_456 : i32
            %convert_element_type3A_458 = arith.extui %eq3A_457 : i1 to i32
            %cond3A_459 = arith.constant 0 : i32
            %cond3A_460 = arith.cmpi ne, %convert_element_type3A_458, %cond3A_459 : i32
            scf.if %cond3A_460 {
              %dma_start3A_503 = arith.constant 0 : i32
              %dma_start3A_504 = tpu.memref_slice %arg7[%dma_start3A_503] : memref<36864xf32, #tpu.memory_space<vmem>> -> memref<12288xf32, #tpu.memory_space<vmem>>
              %dma_start3A_505 = tpu.memref_slice %arg6[%mul3A_431] : memref<196608xf32, #tpu.memory_space<hbm>> -> memref<12288xf32, #tpu.memory_space<hbm>>
              %dma_start3A_506 = arith.constant 0 : i32
              %dma_start3A_507 = tpu.memref_slice %arg7[%dma_start3A_506] : memref<36864xf32, #tpu.memory_space<vmem>> -> memref<12288xf32, #tpu.memory_space<vmem>>
              %dma_start3A_508 = tpu.memref_slice %arg6[%mul3A_431] : memref<196608xf32, #tpu.memory_space<hbm>> -> memref<12288xf32, #tpu.memory_space<hbm>>
              tpu.enqueue_dma source(%dma_start3A_508 : memref<12288xf32, #tpu.memory_space<hbm>>) target(%dma_start3A_507 : memref<12288xf32, #tpu.memory_space<vmem>>) target_semaphore(%arg13 : memref<!tpu.dma_semaphore, #tpu.memory_space<semaphore_mem>>)
            } else {
            }
            %jit3A_461 = arith.constant 3 : i32
            %eq3A_462 = arith.constant 0 : i32
            %eq3A_463 = arith.cmpi eq, %jit3A_461, %eq3A_462 : i32
            %jit3A_464 = arith.constant 1 : i32
            %select_n3A_465 = arith.select %eq3A_463, %jit3A_464, %jit3A_461 : i32
            %rem3A_466 = arith.remsi %add3A_412, %select_n3A_465 : i32
            %ne3A_467 = arith.constant 0 : i32
            %ne3A_468 = arith.cmpi ne, %rem3A_466, %ne3A_467 : i32
            %lt3A_469 = arith.constant 0 : i32
            %lt3A_470 = arith.cmpi slt, %rem3A_466, %lt3A_469 : i32
            %lt3A_471 = arith.constant 0 : i32
            %lt3A_472 = arith.cmpi slt, %select_n3A_465, %lt3A_471 : i32
            %ne3A_473 = arith.xori %lt3A_470, %lt3A_472 : i1
            %and3A_474 = arith.andi %ne3A_473, %ne3A_468 : i1
            %add3A_475 = arith.addi %rem3A_466, %select_n3A_465 : i32
            %select_n3A_476 = arith.select %and3A_474, %add3A_475, %rem3A_466 : i32
            %eq3A_477 = arith.constant 1 : i32
            %eq3A_478 = arith.cmpi eq, %select_n3A_476, %eq3A_477 : i32
            %convert_element_type3A_479 = arith.extui %eq3A_478 : i1 to i32
            %cond3A_480 = arith.constant 0 : i32
            %cond3A_481 = arith.cmpi ne, %convert_element_type3A_479, %cond3A_480 : i32
            scf.if %cond3A_481 {
              %dma_start3A_503 = arith.constant 12288 : i32
              %dma_start3A_504 = tpu.memref_slice %arg7[%dma_start3A_503] : memref<36864xf32, #tpu.memory_space<vmem>> -> memref<12288xf32, #tpu.memory_space<vmem>>
              %dma_start3A_505 = tpu.memref_slice %arg6[%mul3A_431] : memref<196608xf32, #tpu.memory_space<hbm>> -> memref<12288xf32, #tpu.memory_space<hbm>>
              %dma_start3A_506 = arith.constant 12288 : i32
              %dma_start3A_507 = tpu.memref_slice %arg7[%dma_start3A_506] : memref<36864xf32, #tpu.memory_space<vmem>> -> memref<12288xf32, #tpu.memory_space<vmem>>
              %dma_start3A_508 = tpu.memref_slice %arg6[%mul3A_431] : memref<196608xf32, #tpu.memory_space<hbm>> -> memref<12288xf32, #tpu.memory_space<hbm>>
              tpu.enqueue_dma source(%dma_start3A_508 : memref<12288xf32, #tpu.memory_space<hbm>>) target(%dma_start3A_507 : memref<12288xf32, #tpu.memory_space<vmem>>) target_semaphore(%arg14 : memref<!tpu.dma_semaphore, #tpu.memory_space<semaphore_mem>>)
            } else {
            }
            %jit3A_482 = arith.constant 3 : i32
            %eq3A_483 = arith.constant 0 : i32
            %eq3A_484 = arith.cmpi eq, %jit3A_482, %eq3A_483 : i32
            %jit3A_485 = arith.constant 1 : i32
            %select_n3A_486 = arith.select %eq3A_484, %jit3A_485, %jit3A_482 : i32
            %rem3A_487 = arith.remsi %add3A_412, %select_n3A_486 : i32
            %ne3A_488 = arith.constant 0 : i32
            %ne3A_489 = arith.cmpi ne, %rem3A_487, %ne3A_488 : i32
            %lt3A_490 = arith.constant 0 : i32
            %lt3A_491 = arith.cmpi slt, %rem3A_487, %lt3A_490 : i32
            %lt3A_492 = arith.constant 0 : i32
            %lt3A_493 = arith.cmpi slt, %select_n3A_486, %lt3A_492 : i32
            %ne3A_494 = arith.xori %lt3A_491, %lt3A_493 : i1
            %and3A_495 = arith.andi %ne3A_494, %ne3A_489 : i1
            %add3A_496 = arith.addi %rem3A_487, %select_n3A_486 : i32
            %select_n3A_497 = arith.select %and3A_495, %add3A_496, %rem3A_487 : i32
            %eq3A_498 = arith.constant 2 : i32
            %eq3A_499 = arith.cmpi eq, %select_n3A_497, %eq3A_498 : i32
            %convert_element_type3A_500 = arith.extui %eq3A_499 : i1 to i32
            %cond3A_501 = arith.constant 0 : i32
            %cond3A_502 = arith.cmpi ne, %convert_element_type3A_500, %cond3A_501 : i32
            scf.if %cond3A_502 {
              %dma_start3A_503 = arith.constant 24576 : i32
              %dma_start3A_504 = tpu.memref_slice %arg7[%dma_start3A_503] : memref<36864xf32, #tpu.memory_space<vmem>> -> memref<12288xf32, #tpu.memory_space<vmem>>
              %dma_start3A_505 = tpu.memref_slice %arg6[%mul3A_431] : memref<196608xf32, #tpu.memory_space<hbm>> -> memref<12288xf32, #tpu.memory_space<hbm>>
              %dma_start3A_506 = arith.constant 24576 : i32
              %dma_start3A_507 = tpu.memref_slice %arg7[%dma_start3A_506] : memref<36864xf32, #tpu.memory_space<vmem>> -> memref<12288xf32, #tpu.memory_space<vmem>>
              %dma_start3A_508 = tpu.memref_slice %arg6[%mul3A_431] : memref<196608xf32, #tpu.memory_space<hbm>> -> memref<12288xf32, #tpu.memory_space<hbm>>
              tpu.enqueue_dma source(%dma_start3A_508 : memref<12288xf32, #tpu.memory_space<hbm>>) target(%dma_start3A_507 : memref<12288xf32, #tpu.memory_space<vmem>>) target_semaphore(%arg15 : memref<!tpu.dma_semaphore, #tpu.memory_space<semaphore_mem>>)
            } else {
            }
          } else {
          }
        } else {
        }
        %jit3A_295 = arith.constant 3 : i32
        %eq3A_296 = arith.constant 0 : i32
        %eq3A_297 = arith.cmpi eq, %jit3A_295, %eq3A_296 : i32
        %jit3A_298 = arith.constant 1 : i32
        %select_n3A_299 = arith.select %eq3A_297, %jit3A_298, %jit3A_295 : i32
        %rem3A_300 = arith.remsi %while3A_287, %select_n3A_299 : i32
        %ne3A_301 = arith.constant 0 : i32
        %ne3A_302 = arith.cmpi ne, %rem3A_300, %ne3A_301 : i32
        %lt3A_303 = arith.constant 0 : i32
        %lt3A_304 = arith.cmpi slt, %rem3A_300, %lt3A_303 : i32
        %lt3A_305 = arith.constant 0 : i32
        %lt3A_306 = arith.cmpi slt, %select_n3A_299, %lt3A_305 : i32
        %ne3A_307 = arith.xori %lt3A_304, %lt3A_306 : i1
        %and3A_308 = arith.andi %ne3A_307, %ne3A_302 : i1
        %add3A_309 = arith.addi %rem3A_300, %select_n3A_299 : i32
        %select_n3A_310 = arith.select %and3A_308, %add3A_309, %rem3A_300 : i32
        %eq3A_311 = arith.constant 0 : i32
        %eq3A_312 = arith.cmpi eq, %select_n3A_310, %eq3A_311 : i32
        %convert_element_type3A_313 = arith.extui %eq3A_312 : i1 to i32
        %cond3A_314 = arith.constant 0 : i32
        %cond3A_315 = arith.cmpi ne, %convert_element_type3A_313, %cond3A_314 : i32
        scf.if %cond3A_315 {
          %dma_wait3A = arith.constant 0 : i32
          %dma_wait3A_411 = tpu.memref_slice %arg7[%dma_wait3A] : memref<36864xf32, #tpu.memory_space<vmem>> -> memref<12288xf32, #tpu.memory_space<vmem>>
          %dma_wait3A_412 = arith.constant 0 : i32
          %dma_wait3A_413 = tpu.memref_slice %arg2[%dma_wait3A_412] : memref<3145728xf32, #tpu.memory_space<hbm>> -> memref<12288xf32, #tpu.memory_space<hbm>>
          %dma_wait3A_414 = arith.constant 0 : i32
          %dma_wait3A_415 = tpu.memref_slice %arg7[%dma_wait3A_414] : memref<36864xf32, #tpu.memory_space<vmem>> -> memref<12288xf32, #tpu.memory_space<vmem>>
          %dma_wait3A_416 = arith.constant 0 : i32
          %dma_wait3A_417 = tpu.memref_slice %arg2[%dma_wait3A_416] : memref<3145728xf32, #tpu.memory_space<hbm>> -> memref<12288xf32, #tpu.memory_space<hbm>>
          tpu.wait_dma2 semaphore(%arg13 : memref<!tpu.dma_semaphore, #tpu.memory_space<semaphore_mem>>) src(%dma_wait3A_417 : memref<12288xf32, #tpu.memory_space<hbm>>) dst(%dma_wait3A_415 : memref<12288xf32, #tpu.memory_space<vmem>>)
        } else {
        }
        %jit3A_316 = arith.constant 3 : i32
        %eq3A_317 = arith.constant 0 : i32
        %eq3A_318 = arith.cmpi eq, %jit3A_316, %eq3A_317 : i32
        %jit3A_319 = arith.constant 1 : i32
        %select_n3A_320 = arith.select %eq3A_318, %jit3A_319, %jit3A_316 : i32
        %rem3A_321 = arith.remsi %while3A_287, %select_n3A_320 : i32
        %ne3A_322 = arith.constant 0 : i32
        %ne3A_323 = arith.cmpi ne, %rem3A_321, %ne3A_322 : i32
        %lt3A_324 = arith.constant 0 : i32
        %lt3A_325 = arith.cmpi slt, %rem3A_321, %lt3A_324 : i32
        %lt3A_326 = arith.constant 0 : i32
        %lt3A_327 = arith.cmpi slt, %select_n3A_320, %lt3A_326 : i32
        %ne3A_328 = arith.xori %lt3A_325, %lt3A_327 : i1
        %and3A_329 = arith.andi %ne3A_328, %ne3A_323 : i1
        %add3A_330 = arith.addi %rem3A_321, %select_n3A_320 : i32
        %select_n3A_331 = arith.select %and3A_329, %add3A_330, %rem3A_321 : i32
        %eq3A_332 = arith.constant 1 : i32
        %eq3A_333 = arith.cmpi eq, %select_n3A_331, %eq3A_332 : i32
        %convert_element_type3A_334 = arith.extui %eq3A_333 : i1 to i32
        %cond3A_335 = arith.constant 0 : i32
        %cond3A_336 = arith.cmpi ne, %convert_element_type3A_334, %cond3A_335 : i32
        scf.if %cond3A_336 {
          %dma_wait3A = arith.constant 12288 : i32
          %dma_wait3A_411 = tpu.memref_slice %arg7[%dma_wait3A] : memref<36864xf32, #tpu.memory_space<vmem>> -> memref<12288xf32, #tpu.memory_space<vmem>>
          %dma_wait3A_412 = arith.constant 0 : i32
          %dma_wait3A_413 = tpu.memref_slice %arg2[%dma_wait3A_412] : memref<3145728xf32, #tpu.memory_space<hbm>> -> memref<12288xf32, #tpu.memory_space<hbm>>
          %dma_wait3A_414 = arith.constant 12288 : i32
          %dma_wait3A_415 = tpu.memref_slice %arg7[%dma_wait3A_414] : memref<36864xf32, #tpu.memory_space<vmem>> -> memref<12288xf32, #tpu.memory_space<vmem>>
          %dma_wait3A_416 = arith.constant 0 : i32
          %dma_wait3A_417 = tpu.memref_slice %arg2[%dma_wait3A_416] : memref<3145728xf32, #tpu.memory_space<hbm>> -> memref<12288xf32, #tpu.memory_space<hbm>>
          tpu.wait_dma2 semaphore(%arg14 : memref<!tpu.dma_semaphore, #tpu.memory_space<semaphore_mem>>) src(%dma_wait3A_417 : memref<12288xf32, #tpu.memory_space<hbm>>) dst(%dma_wait3A_415 : memref<12288xf32, #tpu.memory_space<vmem>>)
        } else {
        }
        %jit3A_337 = arith.constant 3 : i32
        %eq3A_338 = arith.constant 0 : i32
        %eq3A_339 = arith.cmpi eq, %jit3A_337, %eq3A_338 : i32
        %jit3A_340 = arith.constant 1 : i32
        %select_n3A_341 = arith.select %eq3A_339, %jit3A_340, %jit3A_337 : i32
        %rem3A_342 = arith.remsi %while3A_287, %select_n3A_341 : i32
        %ne3A_343 = arith.constant 0 : i32
        %ne3A_344 = arith.cmpi ne, %rem3A_342, %ne3A_343 : i32
        %lt3A_345 = arith.constant 0 : i32
        %lt3A_346 = arith.cmpi slt, %rem3A_342, %lt3A_345 : i32
        %lt3A_347 = arith.constant 0 : i32
        %lt3A_348 = arith.cmpi slt, %select_n3A_341, %lt3A_347 : i32
        %ne3A_349 = arith.xori %lt3A_346, %lt3A_348 : i1
        %and3A_350 = arith.andi %ne3A_349, %ne3A_344 : i1
        %add3A_351 = arith.addi %rem3A_342, %select_n3A_341 : i32
        %select_n3A_352 = arith.select %and3A_350, %add3A_351, %rem3A_342 : i32
        %eq3A_353 = arith.constant 2 : i32
        %eq3A_354 = arith.cmpi eq, %select_n3A_352, %eq3A_353 : i32
        %convert_element_type3A_355 = arith.extui %eq3A_354 : i1 to i32
        %cond3A_356 = arith.constant 0 : i32
        %cond3A_357 = arith.cmpi ne, %convert_element_type3A_355, %cond3A_356 : i32
        scf.if %cond3A_357 {
          %dma_wait3A = arith.constant 24576 : i32
          %dma_wait3A_411 = tpu.memref_slice %arg7[%dma_wait3A] : memref<36864xf32, #tpu.memory_space<vmem>> -> memref<12288xf32, #tpu.memory_space<vmem>>
          %dma_wait3A_412 = arith.constant 0 : i32
          %dma_wait3A_413 = tpu.memref_slice %arg2[%dma_wait3A_412] : memref<3145728xf32, #tpu.memory_space<hbm>> -> memref<12288xf32, #tpu.memory_space<hbm>>
          %dma_wait3A_414 = arith.constant 24576 : i32
          %dma_wait3A_415 = tpu.memref_slice %arg7[%dma_wait3A_414] : memref<36864xf32, #tpu.memory_space<vmem>> -> memref<12288xf32, #tpu.memory_space<vmem>>
          %dma_wait3A_416 = arith.constant 0 : i32
          %dma_wait3A_417 = tpu.memref_slice %arg2[%dma_wait3A_416] : memref<3145728xf32, #tpu.memory_space<hbm>> -> memref<12288xf32, #tpu.memory_space<hbm>>
          tpu.wait_dma2 semaphore(%arg15 : memref<!tpu.dma_semaphore, #tpu.memory_space<semaphore_mem>>) src(%dma_wait3A_417 : memref<12288xf32, #tpu.memory_space<hbm>>) dst(%dma_wait3A_415 : memref<12288xf32, #tpu.memory_space<vmem>>)
        } else {
        }
        %eq3A_358 = arith.constant 0 : i32
        %eq3A_359 = arith.cmpi eq, %while3A_287, %eq3A_358 : i32
        %eq3A_360 = arith.constant 1 : i32
        %eq3A_361 = arith.cmpi eq, %while3A_287, %eq3A_360 : i32
        %or3A_362 = arith.ori %eq3A_359, %eq3A_361 : i1
        %sub3A_363 = arith.constant 2 : i32
        %sub3A_364 = arith.subi %while3A_287, %sub3A_363 : i32
        %mul3A_365 = arith.constant 16 : i32
        %mul3A_366 = arith.muli %sub3A_364, %mul3A_365 : i32
        %add3A_367 = arith.addi %select_n3A_143, %mul3A_366 : i32
        %min3A_368 = arith.constant 16 : i32
        %min3A_369 = arith.minsi %add3A_367, %min3A_368 : i32
        %jit3A_370 = arith.constant 3 : i32
        %eq3A_371 = arith.constant 0 : i32
        %eq3A_372 = arith.cmpi eq, %jit3A_370, %eq3A_371 : i32
        %jit3A_373 = arith.constant 1 : i32
        %select_n3A_374 = arith.select %eq3A_372, %jit3A_373, %jit3A_370 : i32
        %rem3A_375 = arith.remsi %while3A_287, %select_n3A_374 : i32
        %ne3A_376 = arith.constant 0 : i32
        %ne3A_377 = arith.cmpi ne, %rem3A_375, %ne3A_376 : i32
        %lt3A_378 = arith.constant 0 : i32
        %lt3A_379 = arith.cmpi slt, %rem3A_375, %lt3A_378 : i32
        %lt3A_380 = arith.constant 0 : i32
        %lt3A_381 = arith.cmpi slt, %select_n3A_374, %lt3A_380 : i32
        %ne3A_382 = arith.xori %lt3A_379, %lt3A_381 : i1
        %and3A_383 = arith.andi %ne3A_382, %ne3A_377 : i1
        %add3A_384 = arith.addi %rem3A_375, %select_n3A_374 : i32
        %select_n3A_385 = arith.select %and3A_383, %add3A_384, %rem3A_375 : i32
        %mul3A_386 = arith.constant 12288 : i32
        %mul3A_387 = arith.muli %select_n3A_385, %mul3A_386 : i32
        %mul3A_388 = arith.constant 16 : i32
        %mul3A_389 = arith.muli %sub3A_364, %mul3A_388 : i32
        %add3A_390 = arith.addi %select_n3A_143, %mul3A_389 : i32
        %select_n3A_391 = arith.select %eq3A_361, %mul3A_210, %add3A_390 : i32
        %select_n3A_392 = arith.select %eq3A_359, %squeeze3A, %select_n3A_391 : i32
        %sub3A_393 = arith.constant 1 : i32
        %sub3A_394 = arith.subi %select_n3A_169, %sub3A_393 : i32
        %select_n3A_395 = arith.select %eq3A_361, %squeeze3A_90, %sub3A_394 : i32
        %select_n3A_396 = arith.select %eq3A_359, %min3A_207, %select_n3A_395 : i32
        %select_n3A_397 = arith.select %eq3A_361, %min3A_212, %min3A_369 : i32
        %select_n3A_398 = arith.select %eq3A_359, %min3A_202, %select_n3A_397 : i32
        %sub3A_399 = arith.subi %select_n3A_392, %select_n3A_398 : i32
        %sub3A_400 = arith.subi %select_n3A_396, %select_n3A_398 : i32
        %min3A_401 = arith.constant 15 : i32
        %min3A_402 = arith.minsi %sub3A_400, %min3A_401 : i32
        %scan3A_403 = arith.constant 0 : i32
        %scan3A_404 = arith.constant 0 : i32
        %scan3A_405 = arith.constant 6 : i32
        %scan3A_406 = arith.addi %scan3A_404, %scan3A_405 : i32
        %scan3A_407 = arith.constant 1 : i32
        %scan3A_408 = scf.for %scan3A_411 = %scan3A_404 to %scan3A_406 step %scan3A_407 iter_args(%scan3A_412 = %scan3A_403) -> (i32)  : i32 {
          %mul3A_413 = arith.constant 128 : i32
          %mul3A_414 = arith.muli %scan3A_411, %mul3A_413 : i32
          %add3A_415 = arith.constant 0 : i32
          %add3A_416 = arith.addi %mul3A_414, %add3A_415 : i32
          %get3A_417 = arith.index_cast %add3A_416 : i32 to index
          %get3A_418 = tpu.vector_load %arg8[%get3A_417] {strides = array<i32>} : memref<768xf32, #tpu.memory_space<vmem>>, vector<16xf32>,
          %get3A_419 = vector.shape_cast %get3A_418 : vector<16xf32> to vector<16xf32>
          %add3A_420 = arith.constant 16 : i32
          %add3A_421 = arith.addi %mul3A_414, %add3A_420 : i32
          %get3A_422 = arith.index_cast %add3A_421 : i32 to index
          %get3A_423 = tpu.vector_load %arg8[%get3A_422] {strides = array<i32>} : memref<768xf32, #tpu.memory_space<vmem>>, vector<16xf32>,
          %get3A_424 = vector.shape_cast %get3A_423 : vector<16xf32> to vector<16xf32>
          %add3A_425 = arith.constant 32 : i32
          %add3A_426 = arith.addi %mul3A_414, %add3A_425 : i32
          %get3A_427 = arith.index_cast %add3A_426 : i32 to index
          %get3A_428 = tpu.vector_load %arg8[%get3A_427] {strides = array<i32>} : memref<768xf32, #tpu.memory_space<vmem>>, vector<16xf32>,
          %get3A_429 = vector.shape_cast %get3A_428 : vector<16xf32> to vector<16xf32>
          %add3A_430 = arith.constant 48 : i32
          %add3A_431 = arith.addi %mul3A_414, %add3A_430 : i32
          %get3A_432 = arith.index_cast %add3A_431 : i32 to index
          %get3A_433 = tpu.vector_load %arg8[%get3A_432] {strides = array<i32>} : memref<768xf32, #tpu.memory_space<vmem>>, vector<16xf32>,
          %get3A_434 = vector.shape_cast %get3A_433 : vector<16xf32> to vector<16xf32>
          %add3A_435 = arith.constant 64 : i32
          %add3A_436 = arith.addi %mul3A_414, %add3A_435 : i32
          %get3A_437 = arith.index_cast %add3A_436 : i32 to index
          %get3A_438 = tpu.vector_load %arg8[%get3A_437] {strides = array<i32>} : memref<768xf32, #tpu.memory_space<vmem>>, vector<16xf32>,
          %get3A_439 = vector.shape_cast %get3A_438 : vector<16xf32> to vector<16xf32>
          %add3A_440 = arith.constant 80 : i32
          %add3A_441 = arith.addi %mul3A_414, %add3A_440 : i32
          %get3A_442 = arith.index_cast %add3A_441 : i32 to index
          %get3A_443 = tpu.vector_load %arg8[%get3A_442] {strides = array<i32>} : memref<768xf32, #tpu.memory_space<vmem>>, vector<16xf32>,
          %get3A_444 = vector.shape_cast %get3A_443 : vector<16xf32> to vector<16xf32>
          %add3A_445 = arith.constant 96 : i32
          %add3A_446 = arith.addi %mul3A_414, %add3A_445 : i32
          %get3A_447 = arith.index_cast %add3A_446 : i32 to index
          %get3A_448 = tpu.vector_load %arg8[%get3A_447] {strides = array<i32>} : memref<768xf32, #tpu.memory_space<vmem>>, vector<16xf32>,
          %get3A_449 = vector.shape_cast %get3A_448 : vector<16xf32> to vector<16xf32>
          %add3A_450 = arith.constant 112 : i32
          %add3A_451 = arith.addi %mul3A_414, %add3A_450 : i32
          %get3A_452 = arith.index_cast %add3A_451 : i32 to index
          %get3A_453 = tpu.vector_load %arg8[%get3A_452] {strides = array<i32>} : memref<768xf32, #tpu.memory_space<vmem>>, vector<16xf32>,
          %get3A_454 = vector.shape_cast %get3A_453 : vector<16xf32> to vector<16xf32>
          %add3A_455 = arith.constant 1 : i32
          %add3A_456 = arith.addi %min3A_402, %add3A_455 : i32
          %while3A_457 = arith.subi %add3A_456, %sub3A_399 : i32
          %while3A_458 = arith.addi %sub3A_399, %while3A_457 : i32
          %while3A_459 = arith.constant 1 : i32
          %while3A_460 = arith.divsi %while3A_457, %while3A_459 : i32
          %while3A_461 = arith.muli %while3A_460, %while3A_459 : i32
          %while3A_462 = arith.addi %sub3A_399, %while3A_461 : i32
          %while3A_463 = arith.constant 1 : i32
          %while3A_464:8 = scf.for %while3A_515 = %sub3A_399 to %while3A_462 step %while3A_463 iter_args(%while3A_516 = %get3A_419, %while3A_517 = %get3A_424, %while3A_518 = %get3A_429, %while3A_519 = %get3A_434, %while3A_520 = %get3A_439, %while3A_521 = %get3A_444, %while3A_522 = %get3A_449, %while3A_523 = %get3A_454) -> (vector<16xf32>, vector<16xf32>, vector<16xf32>, vector<16xf32>, vector<16xf32>, vector<16xf32>, vector<16xf32>, vector<16xf32>)  : i32 {
            %mul3A_524 = arith.constant 768 : i32
            %mul3A_525 = arith.muli %while3A_515, %mul3A_524 : i32
            %add3A_526 = arith.addi %mul3A_387, %mul3A_525 : i32
            %add3A_527 = arith.addi %add3A_526, %mul3A_414 : i32
            %add3A_528 = arith.constant 0 : i32
            %add3A_529 = arith.addi %add3A_527, %add3A_528 : i32
            %get3A_530 = arith.index_cast %add3A_529 : i32 to index
            %get3A_531 = tpu.vector_load %arg7[%get3A_530] {strides = array<i32>} : memref<36864xf32, #tpu.memory_space<vmem>>, vector<16xf32>,
            %get3A_532 = vector.shape_cast %get3A_531 : vector<16xf32> to vector<16xf32>
            %max3A_533 = arith.maximumf %while3A_516, %get3A_532 : vector<16xf32>
            %add3A_534 = arith.constant 16 : i32
            %add3A_535 = arith.addi %add3A_527, %add3A_534 : i32
            %get3A_536 = arith.index_cast %add3A_535 : i32 to index
            %get3A_537 = tpu.vector_load %arg7[%get3A_536] {strides = array<i32>} : memref<36864xf32, #tpu.memory_space<vmem>>, vector<16xf32>,
            %get3A_538 = vector.shape_cast %get3A_537 : vector<16xf32> to vector<16xf32>
            %max3A_539 = arith.maximumf %while3A_517, %get3A_538 : vector<16xf32>
            %add3A_540 = arith.constant 32 : i32
            %add3A_541 = arith.addi %add3A_527, %add3A_540 : i32
            %get3A_542 = arith.index_cast %add3A_541 : i32 to index
            %get3A_543 = tpu.vector_load %arg7[%get3A_542] {strides = array<i32>} : memref<36864xf32, #tpu.memory_space<vmem>>, vector<16xf32>,
            %get3A_544 = vector.shape_cast %get3A_543 : vector<16xf32> to vector<16xf32>
            %max3A_545 = arith.maximumf %while3A_518, %get3A_544 : vector<16xf32>
            %add3A_546 = arith.constant 48 : i32
            %add3A_547 = arith.addi %add3A_527, %add3A_546 : i32
            %get3A_548 = arith.index_cast %add3A_547 : i32 to index
            %get3A_549 = tpu.vector_load %arg7[%get3A_548] {strides = array<i32>} : memref<36864xf32, #tpu.memory_space<vmem>>, vector<16xf32>,
            %get3A_550 = vector.shape_cast %get3A_549 : vector<16xf32> to vector<16xf32>
            %max3A_551 = arith.maximumf %while3A_519, %get3A_550 : vector<16xf32>
            %add3A_552 = arith.constant 64 : i32
            %add3A_553 = arith.addi %add3A_527, %add3A_552 : i32
            %get3A_554 = arith.index_cast %add3A_553 : i32 to index
            %get3A_555 = tpu.vector_load %arg7[%get3A_554] {strides = array<i32>} : memref<36864xf32, #tpu.memory_space<vmem>>, vector<16xf32>,
            %get3A_556 = vector.shape_cast %get3A_555 : vector<16xf32> to vector<16xf32>
            %max3A_557 = arith.maximumf %while3A_520, %get3A_556 : vector<16xf32>
            %add3A_558 = arith.constant 80 : i32
            %add3A_559 = arith.addi %add3A_527, %add3A_558 : i32
            %get3A_560 = arith.index_cast %add3A_559 : i32 to index
            %get3A_561 = tpu.vector_load %arg7[%get3A_560] {strides = array<i32>} : memref<36864xf32, #tpu.memory_space<vmem>>, vector<16xf32>,
            %get3A_562 = vector.shape_cast %get3A_561 : vector<16xf32> to vector<16xf32>
            %max3A_563 = arith.maximumf %while3A_521, %get3A_562 : vector<16xf32>
            %add3A_564 = arith.constant 96 : i32
            %add3A_565 = arith.addi %add3A_527, %add3A_564 : i32
            %get3A_566 = arith.index_cast %add3A_565 : i32 to index
            %get3A_567 = tpu.vector_load %arg7[%get3A_566] {strides = array<i32>} : memref<36864xf32, #tpu.memory_space<vmem>>, vector<16xf32>,
            %get3A_568 = vector.shape_cast %get3A_567 : vector<16xf32> to vector<16xf32>
            %max3A_569 = arith.maximumf %while3A_522, %get3A_568 : vector<16xf32>
            %add3A_570 = arith.constant 112 : i32
            %add3A_571 = arith.addi %add3A_527, %add3A_570 : i32
            %get3A_572 = arith.index_cast %add3A_571 : i32 to index
            %get3A_573 = tpu.vector_load %arg7[%get3A_572] {strides = array<i32>} : memref<36864xf32, #tpu.memory_space<vmem>>, vector<16xf32>,
            %get3A_574 = vector.shape_cast %get3A_573 : vector<16xf32> to vector<16xf32>
            %max3A_575 = arith.maximumf %while3A_523, %get3A_574 : vector<16xf32>
            scf.yield %max3A_533, %max3A_539, %max3A_545, %max3A_551, %max3A_557, %max3A_563, %max3A_569, %max3A_575 : vector<16xf32>, vector<16xf32>, vector<16xf32>, vector<16xf32>, vector<16xf32>, vector<16xf32>, vector<16xf32>, vector<16xf32>
          }
          %while3A_465 = arith.constant 1 : i32
          %while3A_466:8 = scf.for %while3A_515 = %while3A_462 to %while3A_458 step %while3A_465 iter_args(%while3A_516 = %while3A_464#0, %while3A_517 = %while3A_464#1, %while3A_518 = %while3A_464#2, %while3A_519 = %while3A_464#3, %while3A_520 = %while3A_464#4, %while3A_521 = %while3A_464#5, %while3A_522 = %while3A_464#6, %while3A_523 = %while3A_464#7) -> (vector<16xf32>, vector<16xf32>, vector<16xf32>, vector<16xf32>, vector<16xf32>, vector<16xf32>, vector<16xf32>, vector<16xf32>)  : i32 {
            %mul3A_524 = arith.constant 768 : i32
            %mul3A_525 = arith.muli %while3A_515, %mul3A_524 : i32
            %add3A_526 = arith.addi %mul3A_387, %mul3A_525 : i32
            %add3A_527 = arith.addi %add3A_526, %mul3A_414 : i32
            %add3A_528 = arith.constant 0 : i32
            %add3A_529 = arith.addi %add3A_527, %add3A_528 : i32
            %get3A_530 = arith.index_cast %add3A_529 : i32 to index
            %get3A_531 = tpu.vector_load %arg7[%get3A_530] {strides = array<i32>} : memref<36864xf32, #tpu.memory_space<vmem>>, vector<16xf32>,
            %get3A_532 = vector.shape_cast %get3A_531 : vector<16xf32> to vector<16xf32>
            %max3A_533 = arith.maximumf %while3A_516, %get3A_532 : vector<16xf32>
            %add3A_534 = arith.constant 16 : i32
            %add3A_535 = arith.addi %add3A_527, %add3A_534 : i32
            %get3A_536 = arith.index_cast %add3A_535 : i32 to index
            %get3A_537 = tpu.vector_load %arg7[%get3A_536] {strides = array<i32>} : memref<36864xf32, #tpu.memory_space<vmem>>, vector<16xf32>,
            %get3A_538 = vector.shape_cast %get3A_537 : vector<16xf32> to vector<16xf32>
            %max3A_539 = arith.maximumf %while3A_517, %get3A_538 : vector<16xf32>
            %add3A_540 = arith.constant 32 : i32
            %add3A_541 = arith.addi %add3A_527, %add3A_540 : i32
            %get3A_542 = arith.index_cast %add3A_541 : i32 to index
            %get3A_543 = tpu.vector_load %arg7[%get3A_542] {strides = array<i32>} : memref<36864xf32, #tpu.memory_space<vmem>>, vector<16xf32>,
            %get3A_544 = vector.shape_cast %get3A_543 : vector<16xf32> to vector<16xf32>
            %max3A_545 = arith.maximumf %while3A_518, %get3A_544 : vector<16xf32>
            %add3A_546 = arith.constant 48 : i32
            %add3A_547 = arith.addi %add3A_527, %add3A_546 : i32
            %get3A_548 = arith.index_cast %add3A_547 : i32 to index
            %get3A_549 = tpu.vector_load %arg7[%get3A_548] {strides = array<i32>} : memref<36864xf32, #tpu.memory_space<vmem>>, vector<16xf32>,
            %get3A_550 = vector.shape_cast %get3A_549 : vector<16xf32> to vector<16xf32>
            %max3A_551 = arith.maximumf %while3A_519, %get3A_550 : vector<16xf32>
            %add3A_552 = arith.constant 64 : i32
            %add3A_553 = arith.addi %add3A_527, %add3A_552 : i32
            %get3A_554 = arith.index_cast %add3A_553 : i32 to index
            %get3A_555 = tpu.vector_load %arg7[%get3A_554] {strides = array<i32>} : memref<36864xf32, #tpu.memory_space<vmem>>, vector<16xf32>,
            %get3A_556 = vector.shape_cast %get3A_555 : vector<16xf32> to vector<16xf32>
            %max3A_557 = arith.maximumf %while3A_520, %get3A_556 : vector<16xf32>
            %add3A_558 = arith.constant 80 : i32
            %add3A_559 = arith.addi %add3A_527, %add3A_558 : i32
            %get3A_560 = arith.index_cast %add3A_559 : i32 to index
            %get3A_561 = tpu.vector_load %arg7[%get3A_560] {strides = array<i32>} : memref<36864xf32, #tpu.memory_space<vmem>>, vector<16xf32>,
            %get3A_562 = vector.shape_cast %get3A_561 : vector<16xf32> to vector<16xf32>
            %max3A_563 = arith.maximumf %while3A_521, %get3A_562 : vector<16xf32>
            %add3A_564 = arith.constant 96 : i32
            %add3A_565 = arith.addi %add3A_527, %add3A_564 : i32
            %get3A_566 = arith.index_cast %add3A_565 : i32 to index
            %get3A_567 = tpu.vector_load %arg7[%get3A_566] {strides = array<i32>} : memref<36864xf32, #tpu.memory_space<vmem>>, vector<16xf32>,
            %get3A_568 = vector.shape_cast %get3A_567 : vector<16xf32> to vector<16xf32>
            %max3A_569 = arith.maximumf %while3A_522, %get3A_568 : vector<16xf32>
            %add3A_570 = arith.constant 112 : i32
            %add3A_571 = arith.addi %add3A_527, %add3A_570 : i32
            %get3A_572 = arith.index_cast %add3A_571 : i32 to index
            %get3A_573 = tpu.vector_load %arg7[%get3A_572] {strides = array<i32>} : memref<36864xf32, #tpu.memory_space<vmem>>, vector<16xf32>,
            %get3A_574 = vector.shape_cast %get3A_573 : vector<16xf32> to vector<16xf32>
            %max3A_575 = arith.maximumf %while3A_523, %get3A_574 : vector<16xf32>
            scf.yield %max3A_533, %max3A_539, %max3A_545, %max3A_551, %max3A_557, %max3A_563, %max3A_569, %max3A_575 : vector<16xf32>, vector<16xf32>, vector<16xf32>, vector<16xf32>, vector<16xf32>, vector<16xf32>, vector<16xf32>, vector<16xf32>
          }
          %add3A_467 = arith.constant 0 : i32
          %add3A_468 = arith.addi %mul3A_414, %add3A_467 : i32
          %swap3A = arith.index_cast %add3A_468 : i32 to index
          %swap3A_469 = tpu.vector_load %arg8[%swap3A] {strides = array<i32>} : memref<768xf32, #tpu.memory_space<vmem>>, vector<16xf32>,
          %swap3A_470 = vector.shape_cast %swap3A_469 : vector<16xf32> to vector<16xf32>
          %swap3A_471 = vector.shape_cast %while3A_466#0 : vector<16xf32> to vector<16xf32>
          tpu.vector_store %arg8[%swap3A], %swap3A_471 {strides = array<i32>} : memref<768xf32, #tpu.memory_space<vmem>>, vector<16xf32>,
          %add3A_472 = arith.constant 16 : i32
          %add3A_473 = arith.addi %mul3A_414, %add3A_472 : i32
          %swap3A_474 = arith.index_cast %add3A_473 : i32 to index
          %swap3A_475 = tpu.vector_load %arg8[%swap3A_474] {strides = array<i32>} : memref<768xf32, #tpu.memory_space<vmem>>, vector<16xf32>,
          %swap3A_476 = vector.shape_cast %swap3A_475 : vector<16xf32> to vector<16xf32>
          %swap3A_477 = vector.shape_cast %while3A_466#1 : vector<16xf32> to vector<16xf32>
          tpu.vector_store %arg8[%swap3A_474], %swap3A_477 {strides = array<i32>} : memref<768xf32, #tpu.memory_space<vmem>>, vector<16xf32>,
          %add3A_478 = arith.constant 32 : i32
          %add3A_479 = arith.addi %mul3A_414, %add3A_478 : i32
          %swap3A_480 = arith.index_cast %add3A_479 : i32 to index
          %swap3A_481 = tpu.vector_load %arg8[%swap3A_480] {strides = array<i32>} : memref<768xf32, #tpu.memory_space<vmem>>, vector<16xf32>,
          %swap3A_482 = vector.shape_cast %swap3A_481 : vector<16xf32> to vector<16xf32>
          %swap3A_483 = vector.shape_cast %while3A_466#2 : vector<16xf32> to vector<16xf32>
          tpu.vector_store %arg8[%swap3A_480], %swap3A_483 {strides = array<i32>} : memref<768xf32, #tpu.memory_space<vmem>>, vector<16xf32>,
          %add3A_484 = arith.constant 48 : i32
          %add3A_485 = arith.addi %mul3A_414, %add3A_484 : i32
          %swap3A_486 = arith.index_cast %add3A_485 : i32 to index
          %swap3A_487 = tpu.vector_load %arg8[%swap3A_486] {strides = array<i32>} : memref<768xf32, #tpu.memory_space<vmem>>, vector<16xf32>,
          %swap3A_488 = vector.shape_cast %swap3A_487 : vector<16xf32> to vector<16xf32>
          %swap3A_489 = vector.shape_cast %while3A_466#3 : vector<16xf32> to vector<16xf32>
          tpu.vector_store %arg8[%swap3A_486], %swap3A_489 {strides = array<i32>} : memref<768xf32, #tpu.memory_space<vmem>>, vector<16xf32>,
          %add3A_490 = arith.constant 64 : i32
          %add3A_491 = arith.addi %mul3A_414, %add3A_490 : i32
          %swap3A_492 = arith.index_cast %add3A_491 : i32 to index
          %swap3A_493 = tpu.vector_load %arg8[%swap3A_492] {strides = array<i32>} : memref<768xf32, #tpu.memory_space<vmem>>, vector<16xf32>,
          %swap3A_494 = vector.shape_cast %swap3A_493 : vector<16xf32> to vector<16xf32>
          %swap3A_495 = vector.shape_cast %while3A_466#4 : vector<16xf32> to vector<16xf32>
          tpu.vector_store %arg8[%swap3A_492], %swap3A_495 {strides = array<i32>} : memref<768xf32, #tpu.memory_space<vmem>>, vector<16xf32>,
          %add3A_496 = arith.constant 80 : i32
          %add3A_497 = arith.addi %mul3A_414, %add3A_496 : i32
          %swap3A_498 = arith.index_cast %add3A_497 : i32 to index
          %swap3A_499 = tpu.vector_load %arg8[%swap3A_498] {strides = array<i32>} : memref<768xf32, #tpu.memory_space<vmem>>, vector<16xf32>,
          %swap3A_500 = vector.shape_cast %swap3A_499 : vector<16xf32> to vector<16xf32>
          %swap3A_501 = vector.shape_cast %while3A_466#5 : vector<16xf32> to vector<16xf32>
          tpu.vector_store %arg8[%swap3A_498], %swap3A_501 {strides = array<i32>} : memref<768xf32, #tpu.memory_space<vmem>>, vector<16xf32>,
          %add3A_502 = arith.constant 96 : i32
          %add3A_503 = arith.addi %mul3A_414, %add3A_502 : i32
          %swap3A_504 = arith.index_cast %add3A_503 : i32 to index
          %swap3A_505 = tpu.vector_load %arg8[%swap3A_504] {strides = array<i32>} : memref<768xf32, #tpu.memory_space<vmem>>, vector<16xf32>,
          %swap3A_506 = vector.shape_cast %swap3A_505 : vector<16xf32> to vector<16xf32>
          %swap3A_507 = vector.shape_cast %while3A_466#6 : vector<16xf32> to vector<16xf32>
          tpu.vector_store %arg8[%swap3A_504], %swap3A_507 {strides = array<i32>} : memref<768xf32, #tpu.memory_space<vmem>>, vector<16xf32>,
          %add3A_508 = arith.constant 112 : i32
          %add3A_509 = arith.addi %mul3A_414, %add3A_508 : i32
          %swap3A_510 = arith.index_cast %add3A_509 : i32 to index
          %swap3A_511 = tpu.vector_load %arg8[%swap3A_510] {strides = array<i32>} : memref<768xf32, #tpu.memory_space<vmem>>, vector<16xf32>,
          %swap3A_512 = vector.shape_cast %swap3A_511 : vector<16xf32> to vector<16xf32>
          %swap3A_513 = vector.shape_cast %while3A_466#7 : vector<16xf32> to vector<16xf32>
          tpu.vector_store %arg8[%swap3A_510], %swap3A_513 {strides = array<i32>} : memref<768xf32, #tpu.memory_space<vmem>>, vector<16xf32>,
          %scan3A_514 = arith.constant 0 : i32
          scf.yield %scan3A_514 : i32
        }
        %scan3A_409 = arith.constant 6 : i32
        %while3A_410 = arith.constant 0 : i32
        scf.yield %while3A_410 : i32
      }
      %while3A_275 = arith.constant 1 : i32
      %while3A_276 = scf.for %while3A_287 = %while3A_272 to %while3A_268 step %while3A_275 iter_args(%while3A_288 = %while3A_274) -> (i32)  : i32 {
        %add3A_289 = arith.constant 2 : i32
        %add3A_290 = arith.addi %while3A_287, %add3A_289 : i32
        %lt3A_291 = arith.cmpi slt, %add3A_290, %add3A_201 : i32
        %convert_element_type3A_292 = arith.extui %lt3A_291 : i1 to i32
        %cond3A_293 = arith.constant 0 : i32
        %cond3A_294 = arith.cmpi ne, %convert_element_type3A_292, %cond3A_293 : i32
        scf.if %cond3A_294 {
          %add3A_411 = arith.constant 2 : i32
          %add3A_412 = arith.addi %while3A_287, %add3A_411 : i32
          %eq3A_413 = arith.constant 0 : i32
          %eq3A_414 = arith.cmpi eq, %add3A_412, %eq3A_413 : i32
          %eq3A_415 = arith.constant 1 : i32
          %eq3A_416 = arith.cmpi eq, %add3A_412, %eq3A_415 : i32
          %or3A_417 = arith.ori %eq3A_414, %eq3A_416 : i1
          %sub3A_418 = arith.constant 2 : i32
          %sub3A_419 = arith.subi %add3A_412, %sub3A_418 : i32
          %mul3A_420 = arith.constant 16 : i32
          %mul3A_421 = arith.muli %sub3A_419, %mul3A_420 : i32
          %add3A_422 = arith.addi %select_n3A_143, %mul3A_421 : i32
          %min3A_423 = arith.constant 16 : i32
          %min3A_424 = arith.minsi %add3A_422, %min3A_423 : i32
          %select_n3A_425 = arith.select %eq3A_414, %min3A_202, %min3A_212 : i32
          %add3A_426 = arith.addi %mul3A_214, %select_n3A_425 : i32
          %mul3A_427 = arith.constant 768 : i32
          %mul3A_428 = arith.muli %add3A_426, %mul3A_427 : i32
          %add3A_429 = arith.addi %mul3A_216, %min3A_424 : i32
          %mul3A_430 = arith.constant 768 : i32
          %mul3A_431 = arith.muli %add3A_429, %mul3A_430 : i32
          %convert_element_type3A_432 = arith.extui %or3A_417 : i1 to i32
          %cond3A_433 = arith.constant 0 : i32
          %cond3A_434 = arith.cmpi ne, %convert_element_type3A_432, %cond3A_433 : i32
          scf.if %cond3A_434 {
            %jit3A_440 = arith.constant 3 : i32
            %eq3A_441 = arith.constant 0 : i32
            %eq3A_442 = arith.cmpi eq, %jit3A_440, %eq3A_441 : i32
            %jit3A_443 = arith.constant 1 : i32
            %select_n3A_444 = arith.select %eq3A_442, %jit3A_443, %jit3A_440 : i32
            %rem3A_445 = arith.remsi %add3A_412, %select_n3A_444 : i32
            %ne3A_446 = arith.constant 0 : i32
            %ne3A_447 = arith.cmpi ne, %rem3A_445, %ne3A_446 : i32
            %lt3A_448 = arith.constant 0 : i32
            %lt3A_449 = arith.cmpi slt, %rem3A_445, %lt3A_448 : i32
            %lt3A_450 = arith.constant 0 : i32
            %lt3A_451 = arith.cmpi slt, %select_n3A_444, %lt3A_450 : i32
            %ne3A_452 = arith.xori %lt3A_449, %lt3A_451 : i1
            %and3A_453 = arith.andi %ne3A_452, %ne3A_447 : i1
            %add3A_454 = arith.addi %rem3A_445, %select_n3A_444 : i32
            %select_n3A_455 = arith.select %and3A_453, %add3A_454, %rem3A_445 : i32
            %eq3A_456 = arith.constant 0 : i32
            %eq3A_457 = arith.cmpi eq, %select_n3A_455, %eq3A_456 : i32
            %convert_element_type3A_458 = arith.extui %eq3A_457 : i1 to i32
            %cond3A_459 = arith.constant 0 : i32
            %cond3A_460 = arith.cmpi ne, %convert_element_type3A_458, %cond3A_459 : i32
            scf.if %cond3A_460 {
              %dma_start3A_503 = arith.constant 0 : i32
              %dma_start3A_504 = tpu.memref_slice %arg7[%dma_start3A_503] : memref<36864xf32, #tpu.memory_space<vmem>> -> memref<12288xf32, #tpu.memory_space<vmem>>
              %dma_start3A_505 = tpu.memref_slice %arg2[%mul3A_428] : memref<3145728xf32, #tpu.memory_space<hbm>> -> memref<12288xf32, #tpu.memory_space<hbm>>
              %dma_start3A_506 = arith.constant 0 : i32
              %dma_start3A_507 = tpu.memref_slice %arg7[%dma_start3A_506] : memref<36864xf32, #tpu.memory_space<vmem>> -> memref<12288xf32, #tpu.memory_space<vmem>>
              %dma_start3A_508 = tpu.memref_slice %arg2[%mul3A_428] : memref<3145728xf32, #tpu.memory_space<hbm>> -> memref<12288xf32, #tpu.memory_space<hbm>>
              tpu.enqueue_dma source(%dma_start3A_508 : memref<12288xf32, #tpu.memory_space<hbm>>) target(%dma_start3A_507 : memref<12288xf32, #tpu.memory_space<vmem>>) target_semaphore(%arg13 : memref<!tpu.dma_semaphore, #tpu.memory_space<semaphore_mem>>)
            } else {
            }
            %jit3A_461 = arith.constant 3 : i32
            %eq3A_462 = arith.constant 0 : i32
            %eq3A_463 = arith.cmpi eq, %jit3A_461, %eq3A_462 : i32
            %jit3A_464 = arith.constant 1 : i32
            %select_n3A_465 = arith.select %eq3A_463, %jit3A_464, %jit3A_461 : i32
            %rem3A_466 = arith.remsi %add3A_412, %select_n3A_465 : i32
            %ne3A_467 = arith.constant 0 : i32
            %ne3A_468 = arith.cmpi ne, %rem3A_466, %ne3A_467 : i32
            %lt3A_469 = arith.constant 0 : i32
            %lt3A_470 = arith.cmpi slt, %rem3A_466, %lt3A_469 : i32
            %lt3A_471 = arith.constant 0 : i32
            %lt3A_472 = arith.cmpi slt, %select_n3A_465, %lt3A_471 : i32
            %ne3A_473 = arith.xori %lt3A_470, %lt3A_472 : i1
            %and3A_474 = arith.andi %ne3A_473, %ne3A_468 : i1
            %add3A_475 = arith.addi %rem3A_466, %select_n3A_465 : i32
            %select_n3A_476 = arith.select %and3A_474, %add3A_475, %rem3A_466 : i32
            %eq3A_477 = arith.constant 1 : i32
            %eq3A_478 = arith.cmpi eq, %select_n3A_476, %eq3A_477 : i32
            %convert_element_type3A_479 = arith.extui %eq3A_478 : i1 to i32
            %cond3A_480 = arith.constant 0 : i32
            %cond3A_481 = arith.cmpi ne, %convert_element_type3A_479, %cond3A_480 : i32
            scf.if %cond3A_481 {
              %dma_start3A_503 = arith.constant 12288 : i32
              %dma_start3A_504 = tpu.memref_slice %arg7[%dma_start3A_503] : memref<36864xf32, #tpu.memory_space<vmem>> -> memref<12288xf32, #tpu.memory_space<vmem>>
              %dma_start3A_505 = tpu.memref_slice %arg2[%mul3A_428] : memref<3145728xf32, #tpu.memory_space<hbm>> -> memref<12288xf32, #tpu.memory_space<hbm>>
              %dma_start3A_506 = arith.constant 12288 : i32
              %dma_start3A_507 = tpu.memref_slice %arg7[%dma_start3A_506] : memref<36864xf32, #tpu.memory_space<vmem>> -> memref<12288xf32, #tpu.memory_space<vmem>>
              %dma_start3A_508 = tpu.memref_slice %arg2[%mul3A_428] : memref<3145728xf32, #tpu.memory_space<hbm>> -> memref<12288xf32, #tpu.memory_space<hbm>>
              tpu.enqueue_dma source(%dma_start3A_508 : memref<12288xf32, #tpu.memory_space<hbm>>) target(%dma_start3A_507 : memref<12288xf32, #tpu.memory_space<vmem>>) target_semaphore(%arg14 : memref<!tpu.dma_semaphore, #tpu.memory_space<semaphore_mem>>)
            } else {
            }
            %jit3A_482 = arith.constant 3 : i32
            %eq3A_483 = arith.constant 0 : i32
            %eq3A_484 = arith.cmpi eq, %jit3A_482, %eq3A_483 : i32
            %jit3A_485 = arith.constant 1 : i32
            %select_n3A_486 = arith.select %eq3A_484, %jit3A_485, %jit3A_482 : i32
            %rem3A_487 = arith.remsi %add3A_412, %select_n3A_486 : i32
            %ne3A_488 = arith.constant 0 : i32
            %ne3A_489 = arith.cmpi ne, %rem3A_487, %ne3A_488 : i32
            %lt3A_490 = arith.constant 0 : i32
            %lt3A_491 = arith.cmpi slt, %rem3A_487, %lt3A_490 : i32
            %lt3A_492 = arith.constant 0 : i32
            %lt3A_493 = arith.cmpi slt, %select_n3A_486, %lt3A_492 : i32
            %ne3A_494 = arith.xori %lt3A_491, %lt3A_493 : i1
            %and3A_495 = arith.andi %ne3A_494, %ne3A_489 : i1
            %add3A_496 = arith.addi %rem3A_487, %select_n3A_486 : i32
            %select_n3A_497 = arith.select %and3A_495, %add3A_496, %rem3A_487 : i32
            %eq3A_498 = arith.constant 2 : i32
            %eq3A_499 = arith.cmpi eq, %select_n3A_497, %eq3A_498 : i32
            %convert_element_type3A_500 = arith.extui %eq3A_499 : i1 to i32
            %cond3A_501 = arith.constant 0 : i32
            %cond3A_502 = arith.cmpi ne, %convert_element_type3A_500, %cond3A_501 : i32
            scf.if %cond3A_502 {
              %dma_start3A_503 = arith.constant 24576 : i32
              %dma_start3A_504 = tpu.memref_slice %arg7[%dma_start3A_503] : memref<36864xf32, #tpu.memory_space<vmem>> -> memref<12288xf32, #tpu.memory_space<vmem>>
              %dma_start3A_505 = tpu.memref_slice %arg2[%mul3A_428] : memref<3145728xf32, #tpu.memory_space<hbm>> -> memref<12288xf32, #tpu.memory_space<hbm>>
              %dma_start3A_506 = arith.constant 24576 : i32
              %dma_start3A_507 = tpu.memref_slice %arg7[%dma_start3A_506] : memref<36864xf32, #tpu.memory_space<vmem>> -> memref<12288xf32, #tpu.memory_space<vmem>>
              %dma_start3A_508 = tpu.memref_slice %arg2[%mul3A_428] : memref<3145728xf32, #tpu.memory_space<hbm>> -> memref<12288xf32, #tpu.memory_space<hbm>>
              tpu.enqueue_dma source(%dma_start3A_508 : memref<12288xf32, #tpu.memory_space<hbm>>) target(%dma_start3A_507 : memref<12288xf32, #tpu.memory_space<vmem>>) target_semaphore(%arg15 : memref<!tpu.dma_semaphore, #tpu.memory_space<semaphore_mem>>)
            } else {
            }
          } else {
          }
          %not3A_435 = arith.constant true
          %not3A_436 = arith.xori %or3A_417, %not3A_435 : i1
          %convert_element_type3A_437 = arith.extui %not3A_436 : i1 to i32
          %cond3A_438 = arith.constant 0 : i32
          %cond3A_439 = arith.cmpi ne, %convert_element_type3A_437, %cond3A_438 : i32
          scf.if %cond3A_439 {
            %jit3A_440 = arith.constant 3 : i32
            %eq3A_441 = arith.constant 0 : i32
            %eq3A_442 = arith.cmpi eq, %jit3A_440, %eq3A_441 : i32
            %jit3A_443 = arith.constant 1 : i32
            %select_n3A_444 = arith.select %eq3A_442, %jit3A_443, %jit3A_440 : i32
            %rem3A_445 = arith.remsi %add3A_412, %select_n3A_444 : i32
            %ne3A_446 = arith.constant 0 : i32
            %ne3A_447 = arith.cmpi ne, %rem3A_445, %ne3A_446 : i32
            %lt3A_448 = arith.constant 0 : i32
            %lt3A_449 = arith.cmpi slt, %rem3A_445, %lt3A_448 : i32
            %lt3A_450 = arith.constant 0 : i32
            %lt3A_451 = arith.cmpi slt, %select_n3A_444, %lt3A_450 : i32
            %ne3A_452 = arith.xori %lt3A_449, %lt3A_451 : i1
            %and3A_453 = arith.andi %ne3A_452, %ne3A_447 : i1
            %add3A_454 = arith.addi %rem3A_445, %select_n3A_444 : i32
            %select_n3A_455 = arith.select %and3A_453, %add3A_454, %rem3A_445 : i32
            %eq3A_456 = arith.constant 0 : i32
            %eq3A_457 = arith.cmpi eq, %select_n3A_455, %eq3A_456 : i32
            %convert_element_type3A_458 = arith.extui %eq3A_457 : i1 to i32
            %cond3A_459 = arith.constant 0 : i32
            %cond3A_460 = arith.cmpi ne, %convert_element_type3A_458, %cond3A_459 : i32
            scf.if %cond3A_460 {
              %dma_start3A_503 = arith.constant 0 : i32
              %dma_start3A_504 = tpu.memref_slice %arg7[%dma_start3A_503] : memref<36864xf32, #tpu.memory_space<vmem>> -> memref<12288xf32, #tpu.memory_space<vmem>>
              %dma_start3A_505 = tpu.memref_slice %arg6[%mul3A_431] : memref<196608xf32, #tpu.memory_space<hbm>> -> memref<12288xf32, #tpu.memory_space<hbm>>
              %dma_start3A_506 = arith.constant 0 : i32
              %dma_start3A_507 = tpu.memref_slice %arg7[%dma_start3A_506] : memref<36864xf32, #tpu.memory_space<vmem>> -> memref<12288xf32, #tpu.memory_space<vmem>>
              %dma_start3A_508 = tpu.memref_slice %arg6[%mul3A_431] : memref<196608xf32, #tpu.memory_space<hbm>> -> memref<12288xf32, #tpu.memory_space<hbm>>
              tpu.enqueue_dma source(%dma_start3A_508 : memref<12288xf32, #tpu.memory_space<hbm>>) target(%dma_start3A_507 : memref<12288xf32, #tpu.memory_space<vmem>>) target_semaphore(%arg13 : memref<!tpu.dma_semaphore, #tpu.memory_space<semaphore_mem>>)
            } else {
            }
            %jit3A_461 = arith.constant 3 : i32
            %eq3A_462 = arith.constant 0 : i32
            %eq3A_463 = arith.cmpi eq, %jit3A_461, %eq3A_462 : i32
            %jit3A_464 = arith.constant 1 : i32
            %select_n3A_465 = arith.select %eq3A_463, %jit3A_464, %jit3A_461 : i32
            %rem3A_466 = arith.remsi %add3A_412, %select_n3A_465 : i32
            %ne3A_467 = arith.constant 0 : i32
            %ne3A_468 = arith.cmpi ne, %rem3A_466, %ne3A_467 : i32
            %lt3A_469 = arith.constant 0 : i32
            %lt3A_470 = arith.cmpi slt, %rem3A_466, %lt3A_469 : i32
            %lt3A_471 = arith.constant 0 : i32
            %lt3A_472 = arith.cmpi slt, %select_n3A_465, %lt3A_471 : i32
            %ne3A_473 = arith.xori %lt3A_470, %lt3A_472 : i1
            %and3A_474 = arith.andi %ne3A_473, %ne3A_468 : i1
            %add3A_475 = arith.addi %rem3A_466, %select_n3A_465 : i32
            %select_n3A_476 = arith.select %and3A_474, %add3A_475, %rem3A_466 : i32
            %eq3A_477 = arith.constant 1 : i32
            %eq3A_478 = arith.cmpi eq, %select_n3A_476, %eq3A_477 : i32
            %convert_element_type3A_479 = arith.extui %eq3A_478 : i1 to i32
            %cond3A_480 = arith.constant 0 : i32
            %cond3A_481 = arith.cmpi ne, %convert_element_type3A_479, %cond3A_480 : i32
            scf.if %cond3A_481 {
              %dma_start3A_503 = arith.constant 12288 : i32
              %dma_start3A_504 = tpu.memref_slice %arg7[%dma_start3A_503] : memref<36864xf32, #tpu.memory_space<vmem>> -> memref<12288xf32, #tpu.memory_space<vmem>>
              %dma_start3A_505 = tpu.memref_slice %arg6[%mul3A_431] : memref<196608xf32, #tpu.memory_space<hbm>> -> memref<12288xf32, #tpu.memory_space<hbm>>
              %dma_start3A_506 = arith.constant 12288 : i32
              %dma_start3A_507 = tpu.memref_slice %arg7[%dma_start3A_506] : memref<36864xf32, #tpu.memory_space<vmem>> -> memref<12288xf32, #tpu.memory_space<vmem>>
              %dma_start3A_508 = tpu.memref_slice %arg6[%mul3A_431] : memref<196608xf32, #tpu.memory_space<hbm>> -> memref<12288xf32, #tpu.memory_space<hbm>>
              tpu.enqueue_dma source(%dma_start3A_508 : memref<12288xf32, #tpu.memory_space<hbm>>) target(%dma_start3A_507 : memref<12288xf32, #tpu.memory_space<vmem>>) target_semaphore(%arg14 : memref<!tpu.dma_semaphore, #tpu.memory_space<semaphore_mem>>)
            } else {
            }
            %jit3A_482 = arith.constant 3 : i32
            %eq3A_483 = arith.constant 0 : i32
            %eq3A_484 = arith.cmpi eq, %jit3A_482, %eq3A_483 : i32
            %jit3A_485 = arith.constant 1 : i32
            %select_n3A_486 = arith.select %eq3A_484, %jit3A_485, %jit3A_482 : i32
            %rem3A_487 = arith.remsi %add3A_412, %select_n3A_486 : i32
            %ne3A_488 = arith.constant 0 : i32
            %ne3A_489 = arith.cmpi ne, %rem3A_487, %ne3A_488 : i32
            %lt3A_490 = arith.constant 0 : i32
            %lt3A_491 = arith.cmpi slt, %rem3A_487, %lt3A_490 : i32
            %lt3A_492 = arith.constant 0 : i32
            %lt3A_493 = arith.cmpi slt, %select_n3A_486, %lt3A_492 : i32
            %ne3A_494 = arith.xori %lt3A_491, %lt3A_493 : i1
            %and3A_495 = arith.andi %ne3A_494, %ne3A_489 : i1
            %add3A_496 = arith.addi %rem3A_487, %select_n3A_486 : i32
            %select_n3A_497 = arith.select %and3A_495, %add3A_496, %rem3A_487 : i32
            %eq3A_498 = arith.constant 2 : i32
            %eq3A_499 = arith.cmpi eq, %select_n3A_497, %eq3A_498 : i32
            %convert_element_type3A_500 = arith.extui %eq3A_499 : i1 to i32
            %cond3A_501 = arith.constant 0 : i32
            %cond3A_502 = arith.cmpi ne, %convert_element_type3A_500, %cond3A_501 : i32
            scf.if %cond3A_502 {
              %dma_start3A_503 = arith.constant 24576 : i32
              %dma_start3A_504 = tpu.memref_slice %arg7[%dma_start3A_503] : memref<36864xf32, #tpu.memory_space<vmem>> -> memref<12288xf32, #tpu.memory_space<vmem>>
              %dma_start3A_505 = tpu.memref_slice %arg6[%mul3A_431] : memref<196608xf32, #tpu.memory_space<hbm>> -> memref<12288xf32, #tpu.memory_space<hbm>>
              %dma_start3A_506 = arith.constant 24576 : i32
              %dma_start3A_507 = tpu.memref_slice %arg7[%dma_start3A_506] : memref<36864xf32, #tpu.memory_space<vmem>> -> memref<12288xf32, #tpu.memory_space<vmem>>
              %dma_start3A_508 = tpu.memref_slice %arg6[%mul3A_431] : memref<196608xf32, #tpu.memory_space<hbm>> -> memref<12288xf32, #tpu.memory_space<hbm>>
              tpu.enqueue_dma source(%dma_start3A_508 : memref<12288xf32, #tpu.memory_space<hbm>>) target(%dma_start3A_507 : memref<12288xf32, #tpu.memory_space<vmem>>) target_semaphore(%arg15 : memref<!tpu.dma_semaphore, #tpu.memory_space<semaphore_mem>>)
            } else {
            }
          } else {
          }
        } else {
        }
        %jit3A_295 = arith.constant 3 : i32
        %eq3A_296 = arith.constant 0 : i32
        %eq3A_297 = arith.cmpi eq, %jit3A_295, %eq3A_296 : i32
        %jit3A_298 = arith.constant 1 : i32
        %select_n3A_299 = arith.select %eq3A_297, %jit3A_298, %jit3A_295 : i32
        %rem3A_300 = arith.remsi %while3A_287, %select_n3A_299 : i32
        %ne3A_301 = arith.constant 0 : i32
        %ne3A_302 = arith.cmpi ne, %rem3A_300, %ne3A_301 : i32
        %lt3A_303 = arith.constant 0 : i32
        %lt3A_304 = arith.cmpi slt, %rem3A_300, %lt3A_303 : i32
        %lt3A_305 = arith.constant 0 : i32
        %lt3A_306 = arith.cmpi slt, %select_n3A_299, %lt3A_305 : i32
        %ne3A_307 = arith.xori %lt3A_304, %lt3A_306 : i1
        %and3A_308 = arith.andi %ne3A_307, %ne3A_302 : i1
        %add3A_309 = arith.addi %rem3A_300, %select_n3A_299 : i32
        %select_n3A_310 = arith.select %and3A_308, %add3A_309, %rem3A_300 : i32
        %eq3A_311 = arith.constant 0 : i32
        %eq3A_312 = arith.cmpi eq, %select_n3A_310, %eq3A_311 : i32
        %convert_element_type3A_313 = arith.extui %eq3A_312 : i1 to i32
        %cond3A_314 = arith.constant 0 : i32
        %cond3A_315 = arith.cmpi ne, %convert_element_type3A_313, %cond3A_314 : i32
        scf.if %cond3A_315 {
          %dma_wait3A = arith.constant 0 : i32
          %dma_wait3A_411 = tpu.memref_slice %arg7[%dma_wait3A] : memref<36864xf32, #tpu.memory_space<vmem>> -> memref<12288xf32, #tpu.memory_space<vmem>>
          %dma_wait3A_412 = arith.constant 0 : i32
          %dma_wait3A_413 = tpu.memref_slice %arg2[%dma_wait3A_412] : memref<3145728xf32, #tpu.memory_space<hbm>> -> memref<12288xf32, #tpu.memory_space<hbm>>
          %dma_wait3A_414 = arith.constant 0 : i32
          %dma_wait3A_415 = tpu.memref_slice %arg7[%dma_wait3A_414] : memref<36864xf32, #tpu.memory_space<vmem>> -> memref<12288xf32, #tpu.memory_space<vmem>>
          %dma_wait3A_416 = arith.constant 0 : i32
          %dma_wait3A_417 = tpu.memref_slice %arg2[%dma_wait3A_416] : memref<3145728xf32, #tpu.memory_space<hbm>> -> memref<12288xf32, #tpu.memory_space<hbm>>
          tpu.wait_dma2 semaphore(%arg13 : memref<!tpu.dma_semaphore, #tpu.memory_space<semaphore_mem>>) src(%dma_wait3A_417 : memref<12288xf32, #tpu.memory_space<hbm>>) dst(%dma_wait3A_415 : memref<12288xf32, #tpu.memory_space<vmem>>)
        } else {
        }
        %jit3A_316 = arith.constant 3 : i32
        %eq3A_317 = arith.constant 0 : i32
        %eq3A_318 = arith.cmpi eq, %jit3A_316, %eq3A_317 : i32
        %jit3A_319 = arith.constant 1 : i32
        %select_n3A_320 = arith.select %eq3A_318, %jit3A_319, %jit3A_316 : i32
        %rem3A_321 = arith.remsi %while3A_287, %select_n3A_320 : i32
        %ne3A_322 = arith.constant 0 : i32
        %ne3A_323 = arith.cmpi ne, %rem3A_321, %ne3A_322 : i32
        %lt3A_324 = arith.constant 0 : i32
        %lt3A_325 = arith.cmpi slt, %rem3A_321, %lt3A_324 : i32
        %lt3A_326 = arith.constant 0 : i32
        %lt3A_327 = arith.cmpi slt, %select_n3A_320, %lt3A_326 : i32
        %ne3A_328 = arith.xori %lt3A_325, %lt3A_327 : i1
        %and3A_329 = arith.andi %ne3A_328, %ne3A_323 : i1
        %add3A_330 = arith.addi %rem3A_321, %select_n3A_320 : i32
        %select_n3A_331 = arith.select %and3A_329, %add3A_330, %rem3A_321 : i32
        %eq3A_332 = arith.constant 1 : i32
        %eq3A_333 = arith.cmpi eq, %select_n3A_331, %eq3A_332 : i32
        %convert_element_type3A_334 = arith.extui %eq3A_333 : i1 to i32
        %cond3A_335 = arith.constant 0 : i32
        %cond3A_336 = arith.cmpi ne, %convert_element_type3A_334, %cond3A_335 : i32
        scf.if %cond3A_336 {
          %dma_wait3A = arith.constant 12288 : i32
          %dma_wait3A_411 = tpu.memref_slice %arg7[%dma_wait3A] : memref<36864xf32, #tpu.memory_space<vmem>> -> memref<12288xf32, #tpu.memory_space<vmem>>
          %dma_wait3A_412 = arith.constant 0 : i32
          %dma_wait3A_413 = tpu.memref_slice %arg2[%dma_wait3A_412] : memref<3145728xf32, #tpu.memory_space<hbm>> -> memref<12288xf32, #tpu.memory_space<hbm>>
          %dma_wait3A_414 = arith.constant 12288 : i32
          %dma_wait3A_415 = tpu.memref_slice %arg7[%dma_wait3A_414] : memref<36864xf32, #tpu.memory_space<vmem>> -> memref<12288xf32, #tpu.memory_space<vmem>>
          %dma_wait3A_416 = arith.constant 0 : i32
          %dma_wait3A_417 = tpu.memref_slice %arg2[%dma_wait3A_416] : memref<3145728xf32, #tpu.memory_space<hbm>> -> memref<12288xf32, #tpu.memory_space<hbm>>
          tpu.wait_dma2 semaphore(%arg14 : memref<!tpu.dma_semaphore, #tpu.memory_space<semaphore_mem>>) src(%dma_wait3A_417 : memref<12288xf32, #tpu.memory_space<hbm>>) dst(%dma_wait3A_415 : memref<12288xf32, #tpu.memory_space<vmem>>)
        } else {
        }
        %jit3A_337 = arith.constant 3 : i32
        %eq3A_338 = arith.constant 0 : i32
        %eq3A_339 = arith.cmpi eq, %jit3A_337, %eq3A_338 : i32
        %jit3A_340 = arith.constant 1 : i32
        %select_n3A_341 = arith.select %eq3A_339, %jit3A_340, %jit3A_337 : i32
        %rem3A_342 = arith.remsi %while3A_287, %select_n3A_341 : i32
        %ne3A_343 = arith.constant 0 : i32
        %ne3A_344 = arith.cmpi ne, %rem3A_342, %ne3A_343 : i32
        %lt3A_345 = arith.constant 0 : i32
        %lt3A_346 = arith.cmpi slt, %rem3A_342, %lt3A_345 : i32
        %lt3A_347 = arith.constant 0 : i32
        %lt3A_348 = arith.cmpi slt, %select_n3A_341, %lt3A_347 : i32
        %ne3A_349 = arith.xori %lt3A_346, %lt3A_348 : i1
        %and3A_350 = arith.andi %ne3A_349, %ne3A_344 : i1
        %add3A_351 = arith.addi %rem3A_342, %select_n3A_341 : i32
        %select_n3A_352 = arith.select %and3A_350, %add3A_351, %rem3A_342 : i32
        %eq3A_353 = arith.constant 2 : i32
        %eq3A_354 = arith.cmpi eq, %select_n3A_352, %eq3A_353 : i32
        %convert_element_type3A_355 = arith.extui %eq3A_354 : i1 to i32
        %cond3A_356 = arith.constant 0 : i32
        %cond3A_357 = arith.cmpi ne, %convert_element_type3A_355, %cond3A_356 : i32
        scf.if %cond3A_357 {
          %dma_wait3A = arith.constant 24576 : i32
          %dma_wait3A_411 = tpu.memref_slice %arg7[%dma_wait3A] : memref<36864xf32, #tpu.memory_space<vmem>> -> memref<12288xf32, #tpu.memory_space<vmem>>
          %dma_wait3A_412 = arith.constant 0 : i32
          %dma_wait3A_413 = tpu.memref_slice %arg2[%dma_wait3A_412] : memref<3145728xf32, #tpu.memory_space<hbm>> -> memref<12288xf32, #tpu.memory_space<hbm>>
          %dma_wait3A_414 = arith.constant 24576 : i32
          %dma_wait3A_415 = tpu.memref_slice %arg7[%dma_wait3A_414] : memref<36864xf32, #tpu.memory_space<vmem>> -> memref<12288xf32, #tpu.memory_space<vmem>>
          %dma_wait3A_416 = arith.constant 0 : i32
          %dma_wait3A_417 = tpu.memref_slice %arg2[%dma_wait3A_416] : memref<3145728xf32, #tpu.memory_space<hbm>> -> memref<12288xf32, #tpu.memory_space<hbm>>
          tpu.wait_dma2 semaphore(%arg15 : memref<!tpu.dma_semaphore, #tpu.memory_space<semaphore_mem>>) src(%dma_wait3A_417 : memref<12288xf32, #tpu.memory_space<hbm>>) dst(%dma_wait3A_415 : memref<12288xf32, #tpu.memory_space<vmem>>)
        } else {
        }
        %eq3A_358 = arith.constant 0 : i32
        %eq3A_359 = arith.cmpi eq, %while3A_287, %eq3A_358 : i32
        %eq3A_360 = arith.constant 1 : i32
        %eq3A_361 = arith.cmpi eq, %while3A_287, %eq3A_360 : i32
        %or3A_362 = arith.ori %eq3A_359, %eq3A_361 : i1
        %sub3A_363 = arith.constant 2 : i32
        %sub3A_364 = arith.subi %while3A_287, %sub3A_363 : i32
        %mul3A_365 = arith.constant 16 : i32
        %mul3A_366 = arith.muli %sub3A_364, %mul3A_365 : i32
        %add3A_367 = arith.addi %select_n3A_143, %mul3A_366 : i32
        %min3A_368 = arith.constant 16 : i32
        %min3A_369 = arith.minsi %add3A_367, %min3A_368 : i32
        %jit3A_370 = arith.constant 3 : i32
        %eq3A_371 = arith.constant 0 : i32
        %eq3A_372 = arith.cmpi eq, %jit3A_370, %eq3A_371 : i32
        %jit3A_373 = arith.constant 1 : i32
        %select_n3A_374 = arith.select %eq3A_372, %jit3A_373, %jit3A_370 : i32
        %rem3A_375 = arith.remsi %while3A_287, %select_n3A_374 : i32
        %ne3A_376 = arith.constant 0 : i32
        %ne3A_377 = arith.cmpi ne, %rem3A_375, %ne3A_376 : i32
        %lt3A_378 = arith.constant 0 : i32
        %lt3A_379 = arith.cmpi slt, %rem3A_375, %lt3A_378 : i32
        %lt3A_380 = arith.constant 0 : i32
        %lt3A_381 = arith.cmpi slt, %select_n3A_374, %lt3A_380 : i32
        %ne3A_382 = arith.xori %lt3A_379, %lt3A_381 : i1
        %and3A_383 = arith.andi %ne3A_382, %ne3A_377 : i1
        %add3A_384 = arith.addi %rem3A_375, %select_n3A_374 : i32
        %select_n3A_385 = arith.select %and3A_383, %add3A_384, %rem3A_375 : i32
        %mul3A_386 = arith.constant 12288 : i32
        %mul3A_387 = arith.muli %select_n3A_385, %mul3A_386 : i32
        %mul3A_388 = arith.constant 16 : i32
        %mul3A_389 = arith.muli %sub3A_364, %mul3A_388 : i32
        %add3A_390 = arith.addi %select_n3A_143, %mul3A_389 : i32
        %select_n3A_391 = arith.select %eq3A_361, %mul3A_210, %add3A_390 : i32
        %select_n3A_392 = arith.select %eq3A_359, %squeeze3A, %select_n3A_391 : i32
        %sub3A_393 = arith.constant 1 : i32
        %sub3A_394 = arith.subi %select_n3A_169, %sub3A_393 : i32
        %select_n3A_395 = arith.select %eq3A_361, %squeeze3A_90, %sub3A_394 : i32
        %select_n3A_396 = arith.select %eq3A_359, %min3A_207, %select_n3A_395 : i32
        %select_n3A_397 = arith.select %eq3A_361, %min3A_212, %min3A_369 : i32
        %select_n3A_398 = arith.select %eq3A_359, %min3A_202, %select_n3A_397 : i32
        %sub3A_399 = arith.subi %select_n3A_392, %select_n3A_398 : i32
        %sub3A_400 = arith.subi %select_n3A_396, %select_n3A_398 : i32
        %min3A_401 = arith.constant 15 : i32
        %min3A_402 = arith.minsi %sub3A_400, %min3A_401 : i32
        %scan3A_403 = arith.constant 0 : i32
        %scan3A_404 = arith.constant 0 : i32
        %scan3A_405 = arith.constant 6 : i32
        %scan3A_406 = arith.addi %scan3A_404, %scan3A_405 : i32
        %scan3A_407 = arith.constant 1 : i32
        %scan3A_408 = scf.for %scan3A_411 = %scan3A_404 to %scan3A_406 step %scan3A_407 iter_args(%scan3A_412 = %scan3A_403) -> (i32)  : i32 {
          %mul3A_413 = arith.constant 128 : i32
          %mul3A_414 = arith.muli %scan3A_411, %mul3A_413 : i32
          %add3A_415 = arith.constant 0 : i32
          %add3A_416 = arith.addi %mul3A_414, %add3A_415 : i32
          %get3A_417 = arith.index_cast %add3A_416 : i32 to index
          %get3A_418 = tpu.vector_load %arg8[%get3A_417] {strides = array<i32>} : memref<768xf32, #tpu.memory_space<vmem>>, vector<16xf32>,
          %get3A_419 = vector.shape_cast %get3A_418 : vector<16xf32> to vector<16xf32>
          %add3A_420 = arith.constant 16 : i32
          %add3A_421 = arith.addi %mul3A_414, %add3A_420 : i32
          %get3A_422 = arith.index_cast %add3A_421 : i32 to index
          %get3A_423 = tpu.vector_load %arg8[%get3A_422] {strides = array<i32>} : memref<768xf32, #tpu.memory_space<vmem>>, vector<16xf32>,
          %get3A_424 = vector.shape_cast %get3A_423 : vector<16xf32> to vector<16xf32>
          %add3A_425 = arith.constant 32 : i32
          %add3A_426 = arith.addi %mul3A_414, %add3A_425 : i32
          %get3A_427 = arith.index_cast %add3A_426 : i32 to index
          %get3A_428 = tpu.vector_load %arg8[%get3A_427] {strides = array<i32>} : memref<768xf32, #tpu.memory_space<vmem>>, vector<16xf32>,
          %get3A_429 = vector.shape_cast %get3A_428 : vector<16xf32> to vector<16xf32>
          %add3A_430 = arith.constant 48 : i32
          %add3A_431 = arith.addi %mul3A_414, %add3A_430 : i32
          %get3A_432 = arith.index_cast %add3A_431 : i32 to index
          %get3A_433 = tpu.vector_load %arg8[%get3A_432] {strides = array<i32>} : memref<768xf32, #tpu.memory_space<vmem>>, vector<16xf32>,
          %get3A_434 = vector.shape_cast %get3A_433 : vector<16xf32> to vector<16xf32>
          %add3A_435 = arith.constant 64 : i32
          %add3A_436 = arith.addi %mul3A_414, %add3A_435 : i32
          %get3A_437 = arith.index_cast %add3A_436 : i32 to index
          %get3A_438 = tpu.vector_load %arg8[%get3A_437] {strides = array<i32>} : memref<768xf32, #tpu.memory_space<vmem>>, vector<16xf32>,
          %get3A_439 = vector.shape_cast %get3A_438 : vector<16xf32> to vector<16xf32>
          %add3A_440 = arith.constant 80 : i32
          %add3A_441 = arith.addi %mul3A_414, %add3A_440 : i32
          %get3A_442 = arith.index_cast %add3A_441 : i32 to index
          %get3A_443 = tpu.vector_load %arg8[%get3A_442] {strides = array<i32>} : memref<768xf32, #tpu.memory_space<vmem>>, vector<16xf32>,
          %get3A_444 = vector.shape_cast %get3A_443 : vector<16xf32> to vector<16xf32>
          %add3A_445 = arith.constant 96 : i32
          %add3A_446 = arith.addi %mul3A_414, %add3A_445 : i32
          %get3A_447 = arith.index_cast %add3A_446 : i32 to index
          %get3A_448 = tpu.vector_load %arg8[%get3A_447] {strides = array<i32>} : memref<768xf32, #tpu.memory_space<vmem>>, vector<16xf32>,
          %get3A_449 = vector.shape_cast %get3A_448 : vector<16xf32> to vector<16xf32>
          %add3A_450 = arith.constant 112 : i32
          %add3A_451 = arith.addi %mul3A_414, %add3A_450 : i32
          %get3A_452 = arith.index_cast %add3A_451 : i32 to index
          %get3A_453 = tpu.vector_load %arg8[%get3A_452] {strides = array<i32>} : memref<768xf32, #tpu.memory_space<vmem>>, vector<16xf32>,
          %get3A_454 = vector.shape_cast %get3A_453 : vector<16xf32> to vector<16xf32>
          %add3A_455 = arith.constant 1 : i32
          %add3A_456 = arith.addi %min3A_402, %add3A_455 : i32
          %while3A_457 = arith.subi %add3A_456, %sub3A_399 : i32
          %while3A_458 = arith.addi %sub3A_399, %while3A_457 : i32
          %while3A_459 = arith.constant 1 : i32
          %while3A_460 = arith.divsi %while3A_457, %while3A_459 : i32
          %while3A_461 = arith.muli %while3A_460, %while3A_459 : i32
          %while3A_462 = arith.addi %sub3A_399, %while3A_461 : i32
          %while3A_463 = arith.constant 1 : i32
          %while3A_464:8 = scf.for %while3A_515 = %sub3A_399 to %while3A_462 step %while3A_463 iter_args(%while3A_516 = %get3A_419, %while3A_517 = %get3A_424, %while3A_518 = %get3A_429, %while3A_519 = %get3A_434, %while3A_520 = %get3A_439, %while3A_521 = %get3A_444, %while3A_522 = %get3A_449, %while3A_523 = %get3A_454) -> (vector<16xf32>, vector<16xf32>, vector<16xf32>, vector<16xf32>, vector<16xf32>, vector<16xf32>, vector<16xf32>, vector<16xf32>)  : i32 {
            %mul3A_524 = arith.constant 768 : i32
            %mul3A_525 = arith.muli %while3A_515, %mul3A_524 : i32
            %add3A_526 = arith.addi %mul3A_387, %mul3A_525 : i32
            %add3A_527 = arith.addi %add3A_526, %mul3A_414 : i32
            %add3A_528 = arith.constant 0 : i32
            %add3A_529 = arith.addi %add3A_527, %add3A_528 : i32
            %get3A_530 = arith.index_cast %add3A_529 : i32 to index
            %get3A_531 = tpu.vector_load %arg7[%get3A_530] {strides = array<i32>} : memref<36864xf32, #tpu.memory_space<vmem>>, vector<16xf32>,
            %get3A_532 = vector.shape_cast %get3A_531 : vector<16xf32> to vector<16xf32>
            %max3A_533 = arith.maximumf %while3A_516, %get3A_532 : vector<16xf32>
            %add3A_534 = arith.constant 16 : i32
            %add3A_535 = arith.addi %add3A_527, %add3A_534 : i32
            %get3A_536 = arith.index_cast %add3A_535 : i32 to index
            %get3A_537 = tpu.vector_load %arg7[%get3A_536] {strides = array<i32>} : memref<36864xf32, #tpu.memory_space<vmem>>, vector<16xf32>,
            %get3A_538 = vector.shape_cast %get3A_537 : vector<16xf32> to vector<16xf32>
            %max3A_539 = arith.maximumf %while3A_517, %get3A_538 : vector<16xf32>
            %add3A_540 = arith.constant 32 : i32
            %add3A_541 = arith.addi %add3A_527, %add3A_540 : i32
            %get3A_542 = arith.index_cast %add3A_541 : i32 to index
            %get3A_543 = tpu.vector_load %arg7[%get3A_542] {strides = array<i32>} : memref<36864xf32, #tpu.memory_space<vmem>>, vector<16xf32>,
            %get3A_544 = vector.shape_cast %get3A_543 : vector<16xf32> to vector<16xf32>
            %max3A_545 = arith.maximumf %while3A_518, %get3A_544 : vector<16xf32>
            %add3A_546 = arith.constant 48 : i32
            %add3A_547 = arith.addi %add3A_527, %add3A_546 : i32
            %get3A_548 = arith.index_cast %add3A_547 : i32 to index
            %get3A_549 = tpu.vector_load %arg7[%get3A_548] {strides = array<i32>} : memref<36864xf32, #tpu.memory_space<vmem>>, vector<16xf32>,
            %get3A_550 = vector.shape_cast %get3A_549 : vector<16xf32> to vector<16xf32>
            %max3A_551 = arith.maximumf %while3A_519, %get3A_550 : vector<16xf32>
            %add3A_552 = arith.constant 64 : i32
            %add3A_553 = arith.addi %add3A_527, %add3A_552 : i32
            %get3A_554 = arith.index_cast %add3A_553 : i32 to index
            %get3A_555 = tpu.vector_load %arg7[%get3A_554] {strides = array<i32>} : memref<36864xf32, #tpu.memory_space<vmem>>, vector<16xf32>,
            %get3A_556 = vector.shape_cast %get3A_555 : vector<16xf32> to vector<16xf32>
            %max3A_557 = arith.maximumf %while3A_520, %get3A_556 : vector<16xf32>
            %add3A_558 = arith.constant 80 : i32
            %add3A_559 = arith.addi %add3A_527, %add3A_558 : i32
            %get3A_560 = arith.index_cast %add3A_559 : i32 to index
            %get3A_561 = tpu.vector_load %arg7[%get3A_560] {strides = array<i32>} : memref<36864xf32, #tpu.memory_space<vmem>>, vector<16xf32>,
            %get3A_562 = vector.shape_cast %get3A_561 : vector<16xf32> to vector<16xf32>
            %max3A_563 = arith.maximumf %while3A_521, %get3A_562 : vector<16xf32>
            %add3A_564 = arith.constant 96 : i32
            %add3A_565 = arith.addi %add3A_527, %add3A_564 : i32
            %get3A_566 = arith.index_cast %add3A_565 : i32 to index
            %get3A_567 = tpu.vector_load %arg7[%get3A_566] {strides = array<i32>} : memref<36864xf32, #tpu.memory_space<vmem>>, vector<16xf32>,
            %get3A_568 = vector.shape_cast %get3A_567 : vector<16xf32> to vector<16xf32>
            %max3A_569 = arith.maximumf %while3A_522, %get3A_568 : vector<16xf32>
            %add3A_570 = arith.constant 112 : i32
            %add3A_571 = arith.addi %add3A_527, %add3A_570 : i32
            %get3A_572 = arith.index_cast %add3A_571 : i32 to index
            %get3A_573 = tpu.vector_load %arg7[%get3A_572] {strides = array<i32>} : memref<36864xf32, #tpu.memory_space<vmem>>, vector<16xf32>,
            %get3A_574 = vector.shape_cast %get3A_573 : vector<16xf32> to vector<16xf32>
            %max3A_575 = arith.maximumf %while3A_523, %get3A_574 : vector<16xf32>
            scf.yield %max3A_533, %max3A_539, %max3A_545, %max3A_551, %max3A_557, %max3A_563, %max3A_569, %max3A_575 : vector<16xf32>, vector<16xf32>, vector<16xf32>, vector<16xf32>, vector<16xf32>, vector<16xf32>, vector<16xf32>, vector<16xf32>
          }
          %while3A_465 = arith.constant 1 : i32
          %while3A_466:8 = scf.for %while3A_515 = %while3A_462 to %while3A_458 step %while3A_465 iter_args(%while3A_516 = %while3A_464#0, %while3A_517 = %while3A_464#1, %while3A_518 = %while3A_464#2, %while3A_519 = %while3A_464#3, %while3A_520 = %while3A_464#4, %while3A_521 = %while3A_464#5, %while3A_522 = %while3A_464#6, %while3A_523 = %while3A_464#7) -> (vector<16xf32>, vector<16xf32>, vector<16xf32>, vector<16xf32>, vector<16xf32>, vector<16xf32>, vector<16xf32>, vector<16xf32>)  : i32 {
            %mul3A_524 = arith.constant 768 : i32
            %mul3A_525 = arith.muli %while3A_515, %mul3A_524 : i32
            %add3A_526 = arith.addi %mul3A_387, %mul3A_525 : i32
            %add3A_527 = arith.addi %add3A_526, %mul3A_414 : i32
            %add3A_528 = arith.constant 0 : i32
            %add3A_529 = arith.addi %add3A_527, %add3A_528 : i32
            %get3A_530 = arith.index_cast %add3A_529 : i32 to index
            %get3A_531 = tpu.vector_load %arg7[%get3A_530] {strides = array<i32>} : memref<36864xf32, #tpu.memory_space<vmem>>, vector<16xf32>,
            %get3A_532 = vector.shape_cast %get3A_531 : vector<16xf32> to vector<16xf32>
            %max3A_533 = arith.maximumf %while3A_516, %get3A_532 : vector<16xf32>
            %add3A_534 = arith.constant 16 : i32
            %add3A_535 = arith.addi %add3A_527, %add3A_534 : i32
            %get3A_536 = arith.index_cast %add3A_535 : i32 to index
            %get3A_537 = tpu.vector_load %arg7[%get3A_536] {strides = array<i32>} : memref<36864xf32, #tpu.memory_space<vmem>>, vector<16xf32>,
            %get3A_538 = vector.shape_cast %get3A_537 : vector<16xf32> to vector<16xf32>
            %max3A_539 = arith.maximumf %while3A_517, %get3A_538 : vector<16xf32>
            %add3A_540 = arith.constant 32 : i32
            %add3A_541 = arith.addi %add3A_527, %add3A_540 : i32
            %get3A_542 = arith.index_cast %add3A_541 : i32 to index
            %get3A_543 = tpu.vector_load %arg7[%get3A_542] {strides = array<i32>} : memref<36864xf32, #tpu.memory_space<vmem>>, vector<16xf32>,
            %get3A_544 = vector.shape_cast %get3A_543 : vector<16xf32> to vector<16xf32>
            %max3A_545 = arith.maximumf %while3A_518, %get3A_544 : vector<16xf32>
            %add3A_546 = arith.constant 48 : i32
            %add3A_547 = arith.addi %add3A_527, %add3A_546 : i32
            %get3A_548 = arith.index_cast %add3A_547 : i32 to index
            %get3A_549 = tpu.vector_load %arg7[%get3A_548] {strides = array<i32>} : memref<36864xf32, #tpu.memory_space<vmem>>, vector<16xf32>,
            %get3A_550 = vector.shape_cast %get3A_549 : vector<16xf32> to vector<16xf32>
            %max3A_551 = arith.maximumf %while3A_519, %get3A_550 : vector<16xf32>
            %add3A_552 = arith.constant 64 : i32
            %add3A_553 = arith.addi %add3A_527, %add3A_552 : i32
            %get3A_554 = arith.index_cast %add3A_553 : i32 to index
            %get3A_555 = tpu.vector_load %arg7[%get3A_554] {strides = array<i32>} : memref<36864xf32, #tpu.memory_space<vmem>>, vector<16xf32>,
            %get3A_556 = vector.shape_cast %get3A_555 : vector<16xf32> to vector<16xf32>
            %max3A_557 = arith.maximumf %while3A_520, %get3A_556 : vector<16xf32>
            %add3A_558 = arith.constant 80 : i32
            %add3A_559 = arith.addi %add3A_527, %add3A_558 : i32
            %get3A_560 = arith.index_cast %add3A_559 : i32 to index
            %get3A_561 = tpu.vector_load %arg7[%get3A_560] {strides = array<i32>} : memref<36864xf32, #tpu.memory_space<vmem>>, vector<16xf32>,
            %get3A_562 = vector.shape_cast %get3A_561 : vector<16xf32> to vector<16xf32>
            %max3A_563 = arith.maximumf %while3A_521, %get3A_562 : vector<16xf32>
            %add3A_564 = arith.constant 96 : i32
            %add3A_565 = arith.addi %add3A_527, %add3A_564 : i32
            %get3A_566 = arith.index_cast %add3A_565 : i32 to index
            %get3A_567 = tpu.vector_load %arg7[%get3A_566] {strides = array<i32>} : memref<36864xf32, #tpu.memory_space<vmem>>, vector<16xf32>,
            %get3A_568 = vector.shape_cast %get3A_567 : vector<16xf32> to vector<16xf32>
            %max3A_569 = arith.maximumf %while3A_522, %get3A_568 : vector<16xf32>
            %add3A_570 = arith.constant 112 : i32
            %add3A_571 = arith.addi %add3A_527, %add3A_570 : i32
            %get3A_572 = arith.index_cast %add3A_571 : i32 to index
            %get3A_573 = tpu.vector_load %arg7[%get3A_572] {strides = array<i32>} : memref<36864xf32, #tpu.memory_space<vmem>>, vector<16xf32>,
            %get3A_574 = vector.shape_cast %get3A_573 : vector<16xf32> to vector<16xf32>
            %max3A_575 = arith.maximumf %while3A_523, %get3A_574 : vector<16xf32>
            scf.yield %max3A_533, %max3A_539, %max3A_545, %max3A_551, %max3A_557, %max3A_563, %max3A_569, %max3A_575 : vector<16xf32>, vector<16xf32>, vector<16xf32>, vector<16xf32>, vector<16xf32>, vector<16xf32>, vector<16xf32>, vector<16xf32>
          }
          %add3A_467 = arith.constant 0 : i32
          %add3A_468 = arith.addi %mul3A_414, %add3A_467 : i32
          %swap3A = arith.index_cast %add3A_468 : i32 to index
          %swap3A_469 = tpu.vector_load %arg8[%swap3A] {strides = array<i32>} : memref<768xf32, #tpu.memory_space<vmem>>, vector<16xf32>,
          %swap3A_470 = vector.shape_cast %swap3A_469 : vector<16xf32> to vector<16xf32>
          %swap3A_471 = vector.shape_cast %while3A_466#0 : vector<16xf32> to vector<16xf32>
          tpu.vector_store %arg8[%swap3A], %swap3A_471 {strides = array<i32>} : memref<768xf32, #tpu.memory_space<vmem>>, vector<16xf32>,
          %add3A_472 = arith.constant 16 : i32
          %add3A_473 = arith.addi %mul3A_414, %add3A_472 : i32
          %swap3A_474 = arith.index_cast %add3A_473 : i32 to index
          %swap3A_475 = tpu.vector_load %arg8[%swap3A_474] {strides = array<i32>} : memref<768xf32, #tpu.memory_space<vmem>>, vector<16xf32>,
          %swap3A_476 = vector.shape_cast %swap3A_475 : vector<16xf32> to vector<16xf32>
          %swap3A_477 = vector.shape_cast %while3A_466#1 : vector<16xf32> to vector<16xf32>
          tpu.vector_store %arg8[%swap3A_474], %swap3A_477 {strides = array<i32>} : memref<768xf32, #tpu.memory_space<vmem>>, vector<16xf32>,
          %add3A_478 = arith.constant 32 : i32
          %add3A_479 = arith.addi %mul3A_414, %add3A_478 : i32
          %swap3A_480 = arith.index_cast %add3A_479 : i32 to index
          %swap3A_481 = tpu.vector_load %arg8[%swap3A_480] {strides = array<i32>} : memref<768xf32, #tpu.memory_space<vmem>>, vector<16xf32>,
          %swap3A_482 = vector.shape_cast %swap3A_481 : vector<16xf32> to vector<16xf32>
          %swap3A_483 = vector.shape_cast %while3A_466#2 : vector<16xf32> to vector<16xf32>
          tpu.vector_store %arg8[%swap3A_480], %swap3A_483 {strides = array<i32>} : memref<768xf32, #tpu.memory_space<vmem>>, vector<16xf32>,
          %add3A_484 = arith.constant 48 : i32
          %add3A_485 = arith.addi %mul3A_414, %add3A_484 : i32
          %swap3A_486 = arith.index_cast %add3A_485 : i32 to index
          %swap3A_487 = tpu.vector_load %arg8[%swap3A_486] {strides = array<i32>} : memref<768xf32, #tpu.memory_space<vmem>>, vector<16xf32>,
          %swap3A_488 = vector.shape_cast %swap3A_487 : vector<16xf32> to vector<16xf32>
          %swap3A_489 = vector.shape_cast %while3A_466#3 : vector<16xf32> to vector<16xf32>
          tpu.vector_store %arg8[%swap3A_486], %swap3A_489 {strides = array<i32>} : memref<768xf32, #tpu.memory_space<vmem>>, vector<16xf32>,
          %add3A_490 = arith.constant 64 : i32
          %add3A_491 = arith.addi %mul3A_414, %add3A_490 : i32
          %swap3A_492 = arith.index_cast %add3A_491 : i32 to index
          %swap3A_493 = tpu.vector_load %arg8[%swap3A_492] {strides = array<i32>} : memref<768xf32, #tpu.memory_space<vmem>>, vector<16xf32>,
          %swap3A_494 = vector.shape_cast %swap3A_493 : vector<16xf32> to vector<16xf32>
          %swap3A_495 = vector.shape_cast %while3A_466#4 : vector<16xf32> to vector<16xf32>
          tpu.vector_store %arg8[%swap3A_492], %swap3A_495 {strides = array<i32>} : memref<768xf32, #tpu.memory_space<vmem>>, vector<16xf32>,
          %add3A_496 = arith.constant 80 : i32
          %add3A_497 = arith.addi %mul3A_414, %add3A_496 : i32
          %swap3A_498 = arith.index_cast %add3A_497 : i32 to index
          %swap3A_499 = tpu.vector_load %arg8[%swap3A_498] {strides = array<i32>} : memref<768xf32, #tpu.memory_space<vmem>>, vector<16xf32>,
          %swap3A_500 = vector.shape_cast %swap3A_499 : vector<16xf32> to vector<16xf32>
          %swap3A_501 = vector.shape_cast %while3A_466#5 : vector<16xf32> to vector<16xf32>
          tpu.vector_store %arg8[%swap3A_498], %swap3A_501 {strides = array<i32>} : memref<768xf32, #tpu.memory_space<vmem>>, vector<16xf32>,
          %add3A_502 = arith.constant 96 : i32
          %add3A_503 = arith.addi %mul3A_414, %add3A_502 : i32
          %swap3A_504 = arith.index_cast %add3A_503 : i32 to index
          %swap3A_505 = tpu.vector_load %arg8[%swap3A_504] {strides = array<i32>} : memref<768xf32, #tpu.memory_space<vmem>>, vector<16xf32>,
          %swap3A_506 = vector.shape_cast %swap3A_505 : vector<16xf32> to vector<16xf32>
          %swap3A_507 = vector.shape_cast %while3A_466#6 : vector<16xf32> to vector<16xf32>
          tpu.vector_store %arg8[%swap3A_504], %swap3A_507 {strides = array<i32>} : memref<768xf32, #tpu.memory_space<vmem>>, vector<16xf32>,
          %add3A_508 = arith.constant 112 : i32
          %add3A_509 = arith.addi %mul3A_414, %add3A_508 : i32
          %swap3A_510 = arith.index_cast %add3A_509 : i32 to index
          %swap3A_511 = tpu.vector_load %arg8[%swap3A_510] {strides = array<i32>} : memref<768xf32, #tpu.memory_space<vmem>>, vector<16xf32>,
          %swap3A_512 = vector.shape_cast %swap3A_511 : vector<16xf32> to vector<16xf32>
          %swap3A_513 = vector.shape_cast %while3A_466#7 : vector<16xf32> to vector<16xf32>
          tpu.vector_store %arg8[%swap3A_510], %swap3A_513 {strides = array<i32>} : memref<768xf32, #tpu.memory_space<vmem>>, vector<16xf32>,
          %scan3A_514 = arith.constant 0 : i32
          scf.yield %scan3A_514 : i32
        }
        %scan3A_409 = arith.constant 6 : i32
        %while3A_410 = arith.constant 0 : i32
        scf.yield %while3A_410 : i32
      }
      %mul3A_277 = arith.constant 768 : i32
      %mul3A_278 = arith.muli %scan3A_82, %mul3A_277 : i32
      %scan3A_279 = arith.constant 0 : i32
      %scan3A_280 = arith.constant 0 : i32
      %scan3A_281 = arith.constant 48 : i32
      %scan3A_282 = arith.addi %scan3A_280, %scan3A_281 : i32
      %scan3A_283 = arith.constant 1 : i32
      %scan3A_284 = scf.for %scan3A_287 = %scan3A_280 to %scan3A_282 step %scan3A_283 iter_args(%scan3A_288 = %scan3A_279) -> (i32)  : i32 {
        %mul3A_289 = arith.constant 16 : i32
        %mul3A_290 = arith.muli %scan3A_287, %mul3A_289 : i32
        %get3A_291 = arith.index_cast %mul3A_290 : i32 to index
        %get3A_292 = tpu.vector_load %arg8[%get3A_291] {strides = array<i32>} : memref<768xf32, #tpu.memory_space<vmem>>, vector<16xf32>,
        %get3A_293 = vector.shape_cast %get3A_292 : vector<16xf32> to vector<16xf32>
        %mul3A_294 = arith.constant 16 : i32
        %mul3A_295 = arith.muli %scan3A_287, %mul3A_294 : i32
        %add3A_296 = arith.addi %mul3A_278, %mul3A_295 : i32
        %swap3A = arith.index_cast %add3A_296 : i32 to index
        %swap3A_297 = tpu.vector_load %arg12[%swap3A] {strides = array<i32>} : memref<6144xf32, #tpu.memory_space<vmem>>, vector<16xf32>,
        %swap3A_298 = vector.shape_cast %swap3A_297 : vector<16xf32> to vector<16xf32>
        %swap3A_299 = vector.shape_cast %get3A_293 : vector<16xf32> to vector<16xf32>
        tpu.vector_store %arg12[%swap3A], %swap3A_299 {strides = array<i32>} : memref<6144xf32, #tpu.memory_space<vmem>>, vector<16xf32>,
        %scan3A_300 = arith.constant 0 : i32
        scf.yield %scan3A_300 : i32
      }
      %scan3A_285 = arith.constant 48 : i32
      %scan3A_286 = arith.constant 0 : i32
      scf.yield %scan3A_286 : i32
    }
    %scan3A_79 = arith.constant 8 : i32
    %mul3A_80 = arith.constant 768 : i32
    %mul3A_81 = arith.muli %add3A_72, %mul3A_80 : i32
    "tpu.region"() ({
      %run_scoped3A = tpu.sem_alloc : memref<!tpu.dma_semaphore, #tpu.memory_space<semaphore_mem>>
      %dma_start3A_82 = tpu.memref_slice %arg5[%mul3A_81] : memref<196608xf32, #tpu.memory_space<hbm>> -> memref<6144xf32, #tpu.memory_space<hbm>>
      %dma_start3A_83 = tpu.memref_slice %arg5[%mul3A_81] : memref<196608xf32, #tpu.memory_space<hbm>> -> memref<6144xf32, #tpu.memory_space<hbm>>
      tpu.enqueue_dma source(%arg12 : memref<6144xf32, #tpu.memory_space<vmem>>) target(%dma_start3A_83 : memref<6144xf32, #tpu.memory_space<hbm>>) target_semaphore(%run_scoped3A : memref<!tpu.dma_semaphore, #tpu.memory_space<semaphore_mem>>)
      %dma_wait3A = tpu.memref_slice %arg5[%mul3A_81] : memref<196608xf32, #tpu.memory_space<hbm>> -> memref<6144xf32, #tpu.memory_space<hbm>>
      %dma_wait3A_84 = tpu.memref_slice %arg5[%mul3A_81] : memref<196608xf32, #tpu.memory_space<hbm>> -> memref<6144xf32, #tpu.memory_space<hbm>>
      tpu.wait_dma2 semaphore(%run_scoped3A : memref<!tpu.dma_semaphore, #tpu.memory_space<semaphore_mem>>) src(%arg12 : memref<6144xf32, #tpu.memory_space<vmem>>) dst(%dma_wait3A_84 : memref<6144xf32, #tpu.memory_space<hbm>>)
      tpu.yield
    }) : () -> ()
    return
  }
}

module attributes {stable_mosaic.version = 14 : i64} {
  func.func @body(%arg0: i32, %arg1: memref<1x1x32xi32, #tpu.memory_space<vmem>>, %arg2: memref<1x1x32xi32, #tpu.memory_space<vmem>>, %arg3: memref<1x512x768xf32, #tpu.memory_space<vmem>>, %arg4: memref<768x768xf32, #tpu.memory_space<vmem>>, %arg5: memref<1x768xf32, #tpu.memory_space<vmem>>, %arg6: memref<1x32x768xf32, #tpu.memory_space<vmem>>) attributes {dimension_semantics = [#tpu.dimension_semantics<arbitrary>], iteration_bounds = array<i64: 8>, scalar_prefetch = 0 : i64, scratch_operands = 0 : i64, tpu.core_type = #tpu.core_type<tc>, window_params = [{transform_indices = @transform_0, window_bounds = array<i64: 1, 1, 32>}, {transform_indices = @transform_1, window_bounds = array<i64: 1, 1, 32>}, {transform_indices = @transform_2, window_bounds = array<i64: 1, 512, 768>}, {transform_indices = @transform_3, window_bounds = array<i64: 768, 768>}, {pipeline_mode = #tpu.pipeline_mode<synchronous>, transform_indices = @transform_4, window_bounds = array<i64: 1, 768>}, {transform_indices = @transform_5, window_bounds = array<i64: 1, 32, 768>}]} {
    %get3A = arith.constant 0 : index
    %get3A_0 = arith.constant 0 : index
    %get3A_1 = arith.constant 0 : index
    %get3A_2 = vector.load %arg1[%get3A, %get3A_0, %get3A_1] : memref<1x1x32xi32, #tpu.memory_space<vmem>>, vector<1x1x32xi32>
    %get3A_3 = vector.shape_cast %get3A_2 : vector<1x1x32xi32> to vector<32xi32>
    %get3A_4 = arith.constant 0 : index
    %get3A_5 = arith.constant 0 : index
    %get3A_6 = arith.constant 0 : index
    %get3A_7 = vector.load %arg2[%get3A_4, %get3A_5, %get3A_6] : memref<1x1x32xi32, #tpu.memory_space<vmem>>, vector<1x1x32xi32>
    %get3A_8 = vector.shape_cast %get3A_7 : vector<1x1x32xi32> to vector<32xi32>
    %iota3A = tpu.iota {dimensions = array<i32: 1>} : vector<32x512xi32>
    %broadcast_in_dim3A = vector.shape_cast %get3A_3 : vector<32xi32> to vector<32x1xi32>
    %ge3A = vector.broadcast %broadcast_in_dim3A : vector<32x1xi32> to vector<32x512xi32>
    %ge3A_9 = arith.cmpi sge, %iota3A, %ge3A : vector<32x512xi32>
    %broadcast_in_dim3A_10 = vector.shape_cast %get3A_8 : vector<32xi32> to vector<32x1xi32>
    %le3A = vector.broadcast %broadcast_in_dim3A_10 : vector<32x1xi32> to vector<32x512xi32>
    %le3A_11 = arith.cmpi sle, %iota3A, %le3A : vector<32x512xi32>
    %and3A = arith.andi %ge3A_9, %le3A_11 : vector<32x512xi1>
    %convert_element_type3A = arith.extui %and3A : vector<32x512xi1> to vector<32x512xi32>
    %convert_element_type3A_12 = arith.sitofp %convert_element_type3A : vector<32x512xi32> to vector<32x512xf32>
    %get3A_13 = arith.constant 0 : index
    %get3A_14 = arith.constant 0 : index
    %get3A_15 = arith.constant 0 : index
    %get3A_16 = vector.load %arg3[%get3A_13, %get3A_14, %get3A_15] : memref<1x512x768xf32, #tpu.memory_space<vmem>>, vector<1x512x768xf32>
    %get3A_17 = vector.shape_cast %get3A_16 : vector<1x512x768xf32> to vector<512x768xf32>
    %dot_general3A = arith.constant dense<0.000000e+00> : vector<32x768xf32>
    %dot_general3A_18 = tpu.matmul %convert_element_type3A_12, %get3A_17, %dot_general3A {dimension_numbers = #tpu.dot_dimension_numbers<[1], [0], [0], [1], [0, 0, 1, 1], [], []>, transpose_lhs_hint = false} : vector<32x512xf32>, vector<512x768xf32>, vector<32x768xf32> -> vector<32x768xf32>
    %sub3A = arith.subi %get3A_8, %get3A_3 : vector<32xi32>
    %add3A = arith.constant 1 : i32
    %add3A_19 = vector.broadcast %add3A : i32 to vector<32xi32>
    %add3A_20 = arith.addi %sub3A, %add3A_19 : vector<32xi32>
    %convert_element_type3A_21 = arith.sitofp %add3A_20 : vector<32xi32> to vector<32xf32>
    %broadcast_in_dim3A_22 = vector.shape_cast %convert_element_type3A_21 : vector<32xf32> to vector<32x1xf32>
    %div3A = vector.broadcast %broadcast_in_dim3A_22 : vector<32x1xf32> to vector<32x768xf32>
    %div3A_23 = arith.divf %dot_general3A_18, %div3A : vector<32x768xf32>
    %get3A_24 = arith.constant 0 : index
    %get3A_25 = arith.constant 0 : index
    %get3A_26 = vector.load %arg4[%get3A_24, %get3A_25] : memref<768x768xf32, #tpu.memory_space<vmem>>, vector<768x768xf32>
    %dot_general3A_27 = arith.constant dense<0.000000e+00> : vector<32x768xf32>
    %dot_general3A_28 = tpu.matmul %div3A_23, %get3A_26, %dot_general3A_27 {dimension_numbers = #tpu.dot_dimension_numbers<[1], [1], [0], [0], [0, 0, 1, 0], [], []>, transpose_lhs_hint = false} : vector<32x768xf32>, vector<768x768xf32>, vector<32x768xf32> -> vector<32x768xf32>
    %get3A_29 = arith.constant 0 : index
    %get3A_30 = arith.constant 0 : index
    %get3A_31 = vector.load %arg5[%get3A_29, %get3A_30] : memref<1x768xf32, #tpu.memory_space<vmem>>, vector<1x768xf32>
    %add3A_32 = vector.broadcast %get3A_31 : vector<1x768xf32> to vector<32x768xf32>
    %add3A_33 = arith.addf %dot_general3A_28, %add3A_32 : vector<32x768xf32>
    %swap3A = arith.constant 0 : index
    %swap3A_34 = arith.constant 0 : index
    %swap3A_35 = arith.constant 0 : index
    %swap3A_36 = vector.load %arg6[%swap3A, %swap3A_34, %swap3A_35] : memref<1x32x768xf32, #tpu.memory_space<vmem>>, vector<1x32x768xf32>
    %swap3A_37 = vector.shape_cast %swap3A_36 : vector<1x32x768xf32> to vector<32x768xf32>
    %swap3A_38 = vector.shape_cast %add3A_33 : vector<32x768xf32> to vector<1x32x768xf32>
    tpu.vector_store %arg6[%swap3A, %swap3A_34, %swap3A_35], %swap3A_38 {strides = array<i32>} : memref<1x32x768xf32, #tpu.memory_space<vmem>>, vector<1x32x768xf32>,
    return
  }
  func.func @transform_0(%arg0: i32) -> (i32, i32, i32) {
    %c0_i32 = arith.constant 0 : i32
    %c0_i32_0 = arith.constant 0 : i32
    %c0_i32_1 = arith.constant 0 : i32
    return %arg0, %c0_i32, %c0_i32_0 : i32, i32, i32
  }
  func.func @transform_1(%arg0: i32) -> (i32, i32, i32) {
    %c0_i32 = arith.constant 0 : i32
    %c0_i32_0 = arith.constant 0 : i32
    %c0_i32_1 = arith.constant 0 : i32
    return %arg0, %c0_i32, %c0_i32_0 : i32, i32, i32
  }
  func.func @transform_2(%arg0: i32) -> (i32, i32, i32) {
    %c0_i32 = arith.constant 0 : i32
    %c0_i32_0 = arith.constant 0 : i32
    %c0_i32_1 = arith.constant 0 : i32
    return %arg0, %c0_i32, %c0_i32_0 : i32, i32, i32
  }
  func.func @transform_3(%arg0: i32) -> (i32, i32) {
    %c0_i32 = arith.constant 0 : i32
    %c1_i32 = arith.constant 1 : i32
    %c0_i32_0 = arith.constant 0 : i32
    return %c0_i32, %c1_i32 : i32, i32
  }
  func.func @transform_4(%arg0: i32) -> (i32, i32) {
    %c0_i32 = arith.constant 0 : i32
    %c0_i32_0 = arith.constant 0 : i32
    %c0_i32_1 = arith.constant 0 : i32
    return %c0_i32, %c0_i32_0 : i32, i32
  }
  func.func @transform_5(%arg0: i32) -> (i32, i32, i32) {
    %c0_i32 = arith.constant 0 : i32
    %c0_i32_0 = arith.constant 0 : i32
    %c0_i32_1 = arith.constant 0 : i32
    return %arg0, %c0_i32, %c0_i32_0 : i32, i32, i32
  }
}

module attributes {stable_mosaic.version = 14 : i64} {
  func.func @body(%arg0: i32, %arg1: memref<256x768xf32, #tpu.memory_space<vmem>>, %arg2: memref<768x768xf32, #tpu.memory_space<vmem>>, %arg3: memref<256x768xf32, #tpu.memory_space<vmem>>, %arg4: memref<256x768xf32, #tpu.memory_space<vmem>>) attributes {dimension_semantics = [#tpu.dimension_semantics<arbitrary>], iteration_bounds = array<i64: 1>, scalar_prefetch = 0 : i64, scratch_operands = 0 : i64, tpu.core_type = #tpu.core_type<tc>, window_params = [{pipeline_mode = #tpu.pipeline_mode<synchronous>, transform_indices = @transform_0, window_bounds = array<i64: 256, 768>}, {transform_indices = @transform_1, window_bounds = array<i64: 768, 768>}, {pipeline_mode = #tpu.pipeline_mode<synchronous>, transform_indices = @transform_2, window_bounds = array<i64: 256, 768>}, {pipeline_mode = #tpu.pipeline_mode<synchronous>, transform_indices = @transform_3, window_bounds = array<i64: 256, 768>}]} {
    %get3A = arith.constant 0 : index
    %get3A_0 = arith.constant 0 : index
    %get3A_1 = vector.load %arg1[%get3A, %get3A_0] : memref<256x768xf32, #tpu.memory_space<vmem>>, vector<256x768xf32>
    %get3A_2 = arith.constant 0 : index
    %get3A_3 = arith.constant 0 : index
    %get3A_4 = vector.load %arg2[%get3A_2, %get3A_3] : memref<768x768xf32, #tpu.memory_space<vmem>>, vector<768x768xf32>
    %dot_general3A = arith.constant dense<0.000000e+00> : vector<256x768xf32>
    %dot_general3A_5 = tpu.matmul %get3A_1, %get3A_4, %dot_general3A {dimension_numbers = #tpu.dot_dimension_numbers<[1], [1], [0], [0], [0, 0, 1, 0], [], []>, transpose_lhs_hint = false} : vector<256x768xf32>, vector<768x768xf32>, vector<256x768xf32> -> vector<256x768xf32>
    %get3A_6 = arith.constant 0 : index
    %get3A_7 = arith.constant 0 : index
    %get3A_8 = vector.load %arg3[%get3A_6, %get3A_7] : memref<256x768xf32, #tpu.memory_space<vmem>>, vector<256x768xf32>
    %add3A = arith.addf %dot_general3A_5, %get3A_8 : vector<256x768xf32>
    %swap3A = arith.constant 0 : index
    %swap3A_9 = arith.constant 0 : index
    %swap3A_10 = vector.load %arg4[%swap3A, %swap3A_9] : memref<256x768xf32, #tpu.memory_space<vmem>>, vector<256x768xf32>
    tpu.vector_store %arg4[%swap3A, %swap3A_9], %add3A {strides = array<i32>} : memref<256x768xf32, #tpu.memory_space<vmem>>, vector<256x768xf32>,
    return
  }
  func.func @transform_0(%arg0: i32) -> (i32, i32) {
    %c0_i32 = arith.constant 0 : i32
    %c0_i32_0 = arith.constant 0 : i32
    %c0_i32_1 = arith.constant 0 : i32
    return %c0_i32, %c0_i32_0 : i32, i32
  }
  func.func @transform_1(%arg0: i32) -> (i32, i32) {
    %c0_i32 = arith.constant 0 : i32
    %c0_i32_0 = arith.constant 0 : i32
    %c0_i32_1 = arith.constant 0 : i32
    return %c0_i32, %c0_i32_0 : i32, i32
  }
  func.func @transform_2(%arg0: i32) -> (i32, i32) {
    %c0_i32 = arith.constant 0 : i32
    %c0_i32_0 = arith.constant 0 : i32
    %c0_i32_1 = arith.constant 0 : i32
    return %c0_i32, %c0_i32_0 : i32, i32
  }
  func.func @transform_3(%arg0: i32) -> (i32, i32) {
    %c0_i32 = arith.constant 0 : i32
    %c0_i32_0 = arith.constant 0 : i32
    %c0_i32_1 = arith.constant 0 : i32
    return %c0_i32, %c0_i32_0 : i32, i32
  }
}

</mosaic_0001>

<sc_bundles>
// kernel: kernel.5.cloned.1.call-start
scs
__scs_entry_jumppad:
0x0: {  	(pc) =	sbr.rel $0x88, $3  }
0x1: {  	(tag) =	ssettag $0x0;
	lr =	simm.s32 $0x1  }
0x2: {  	[smem:$0x3F9D] =	sst lr;
	_ =	strace $0xD0000000  }
0x3: {  	_ = 	snop  }
0x4: {  	_ = 	snop  }
0x5: {  	_ = 	snop  }
0x6: {  	_ = 	snop  }
0x7: {  	_ = 	snop  }
__scs_overlays_trampoline_lowered:
0x8: {  	[smem:$0x3FAC] =	sst s0  }
0x9: {  	[smem:$0x3FAD] =	sst s1  }
0xa: {  	[smem:$0x3FAE] =	sst s2  }
0xb: {  	[smem:$0x3FAF] =	sst s3  }
0xc: {  	[smem:$0x3FB0] =	sst s4  }
0xd: {  	[smem:$0x3FB1] =	sst s5  }
0xe: {  	[smem:$0x3FB2] =	sst s6  }
0xf: {  	[smem:$0x3FB3] =	sst s7  }
0x10: {  	[smem:$0x3FB4] =	sst s8  }
0x11: {  	[smem:$0x3FB5] =	sst s9;
	s0 =	simm.s32 @!p0 $0x0  }
0x12: {  	s1 =	sld [smem:$0x3F9B];
	s0 =	simm.s32 @p0 $0x1  }
0x13: {  	[smem:$0x3FB6] =	sst s0;
	s0 =	simm.s32 @!p1 $0x0  }
0x14: {  	s2 =	sld [smem:$0x3F9A];
	s0 =	simm.s32 @p1 $0x1  }
0x15: {  	[smem:$0x3FB7] =	sst s0;
	s0 =	simm.s32 @!p2 $0x0  }
0x16: {  	s3 =	sld [smem:$0x3FDB];
	s0 =	simm.s32 @p2 $0x1  }
0x17: {  	s4 =	simm.s32 $0x1BF5;
	[smem:$0x3FB9] =	sst s0  }
0x18: {  	s0 =	sld [smem:$0x3F9C];
	_ =	swait.ge [sflag:s4], $0x0  }
0x19: {  	s7 =	sld [smem:$0x3F9D]  }
0x1a: {  	s8 =	sadd.s32 $0xFFFFE003, lr  }
0x1b: {  	s9 =	sadd.s32 $0xFFFFFEF7, lr;
	s5 =	simm.s32 $0xFFFFFFFF;
	p2 =	slt.u32 s8, $0xFFFFF086  }
0x1c: {  	p1 =	slt.u32 s9, $0xF7A;
	s5 =	simm.s32 @!p2 $0x0  }
0x1d: {  	s5 =	simm.s32 @p1 $0x1;
	p0 =	seq.s32 s7, s2  }
0x1e: {  	s7 =	smul.u32 @!p0 $0xF7A, s2;
	p2 =	seq.s32 @!p0 s5, $0x0  }
0x1f: {  	s9 =	smul.u32 $0xF7A, s1;
	s8 =	simm.s32 @!p0 $0x1BF5;
	p2 =	por !p2, p0  }
0x20: {  	[sflag:s8] =	ssyncset.s32 @!p0 $0xFFFFF086;
	s6 =	sadd.s32 @!p0 s3, s7;
	s7 =	simm.s32 @!p0 $0x108  }
0x21: {  	s3 =	sadd.s32 s3, s9;
	s6 =	sadd.s32 @!p0 $0x88, s6;
	s7 =	simm.s32 @p2 $0x1082  }
0x22: {  	[simem:s7], [sflag:s8] =	dma.local @!p0 [hbm:s6], $0xF7A  }
0x23: {  	s9 =	sor.u32 $0xD0000000, s2;
	s6 =	simm.s32 $0x108;
	_ =	swait.ge @!p0 [sflag:s8], $0x0  }
0x24: {  	s3 =	sadd.s32 $0x88, s3;
	s6 =	simm.s32 @!p1 $0x1082;
	[sflag:s4] =	ssyncset.s32 $0xFFFFF086  }
0x25: {  	[simem:s6], [sflag:s4] =	dma.local [hbm:s3], $0xF7A  }
0x26: {  	[smem:$0x3F9D] =	sst s1;
	(tag) =	ssettag s2;
	_ =	strace s9  }
0x27: {  	s1 =	sld [smem:$0x3FAD]  }
0x28: {  	s2 =	sld [smem:$0x3FAE]  }
0x29: {  	s4 =	sld [smem:$0x3FB0]  }
0x2a: {  	p0 =	seq.s32 s5, $0x0;
	s5 =	sld [smem:$0x3FB1]  }
0x2b: {  	s6 =	sld [smem:$0x3FB2]  }
0x2c: {  	s7 =	sld [smem:$0x3FB3]  }
0x2d: {  	s3 =	simm.s32 $0x108;
	s8 =	sld [smem:$0x3FB4]  }
0x2e: {  	s3 =	simm.s32 @!p0 $0x1082;
	s9 =	sld [smem:$0x3FB5]  }
0x2f: {  	lr =	sadd.s32 s0, s3;
	s0 =	sld [smem:$0x3FAC]  }
0x30: {  	s3 =	sld [smem:$0x3FAF]  }
0x31: {  	[smem:$0x3FB8] =	sst s10  }
0x32: {  	s10 =	sld [smem:$0x3FB6];
	_ =	sdelay $0x3  }
0x33: {  	p0 =	seq.s32 s10, $0x1;
	s10 =	sld [smem:$0x3FB8];
	_ =	sdelay $0x3  }
0x34: {  	[smem:$0x3FB8] =	sst s10  }
0x35: {  	s10 =	sld [smem:$0x3FB7];
	_ =	sdelay $0x3  }
0x36: {  	p1 =	seq.s32 s10, $0x1;
	s10 =	sld [smem:$0x3FB8];
	_ =	sdelay $0x3  }
0x37: {  	[smem:$0x3FB8] =	sst s10  }
0x38: {  	s10 =	sld [smem:$0x3FB9]  }
0x39: {  	_ = 	snop;
	(pc) =	sbr.ind lr, $3  }
0x3a: {  	_ = 	snop  }
0x3b: {  	_ = 	snop  }
0x3c: {  	p2 =	seq.s32 s10, $0x1;
	s10 =	sld [smem:$0x3FB8]  }
0x3d: {  	_ =	shalt  }
0x3e: {  	_ =	shalt  }
0x3f: {  	_ =	shalt  }
0x40: {  	_ =	shalt  }
0x41: {  	_ =	shalt  }
0x42: {  	_ =	shalt  }
0x43: {  	_ =	shalt  }
0x44: {  	_ =	shalt  }
0x45: {  	_ =	shalt  }
0x46: {  	_ =	shalt  }
0x47: {  	_ =	shalt  }
0x48: {  	_ =	shalt  }
0x49: {  	_ =	shalt  }
0x4a: {  	_ =	shalt  }
0x4b: {  	_ =	shalt  }
0x4c: {  	_ =	shalt  }
0x4d: {  	_ =	shalt  }
0x4e: {  	_ =	shalt  }
0x4f: {  	_ =	shalt  }
0x50: {  	_ =	shalt  }
0x51: {  	_ =	shalt  }
0x52: {  	_ =	shalt  }
0x53: {  	_ =	shalt  }
0x54: {  	_ =	shalt  }
0x55: {  	_ =	shalt  }
0x56: {  	_ =	shalt  }
0x57: {  	_ =	shalt  }
0x58: {  	_ =	shalt  }
0x59: {  	_ =	shalt  }
0x5a: {  	_ =	shalt  }
0x5b: {  	_ =	shalt  }
0x5c: {  	_ =	shalt  }
0x5d: {  	_ =	shalt  }
0x5e: {  	_ =	shalt  }
0x5f: {  	_ =	shalt  }
0x60: {  	_ =	shalt  }
0x61: {  	_ =	shalt  }
0x62: {  	_ =	shalt  }
0x63: {  	_ =	shalt  }
0x64: {  	_ =	shalt  }
0x65: {  	_ =	shalt  }
0x66: {  	_ =	shalt  }
0x67: {  	_ =	shalt  }
0x68: {  	_ =	shalt  }
0x69: {  	_ =	shalt  }
0x6a: {  	_ =	shalt  }
0x6b: {  	_ =	shalt  }
0x6c: {  	_ =	shalt  }
0x6d: {  	_ =	shalt  }
0x6e: {  	_ =	shalt  }
0x6f: {  	_ =	shalt  }
0x70: {  	_ =	shalt  }
0x71: {  	_ =	shalt  }
0x72: {  	_ =	shalt  }
0x73: {  	_ =	shalt  }
0x74: {  	_ =	shalt  }
0x75: {  	_ =	shalt  }
0x76: {  	_ =	shalt  }
0x77: {  	_ =	shalt  }
0x78: {  	_ =	shalt  }
0x79: {  	_ =	shalt  }
0x7a: {  	_ =	shalt  }
0x7b: {  	_ =	shalt  }
0x7c: {  	_ =	shalt  }
0x7d: {  	_ =	shalt  }
0x7e: {  	_ =	shalt  }
0x7f: {  	_ =	shalt  }
0x80: {  	_ =	shalt  }
0x81: {  	_ =	shalt  }
0x82: {  	_ =	shalt  }
0x83: {  	_ =	shalt  }
0x84: {  	_ =	shalt  }
0x85: {  	_ =	shalt  }
0x86: {  	_ =	shalt  }
0x87: {  	_ =	shalt  }
.Lfunc_end0:
.L_simem_size_0:
called_computation_lowered:
.L_overlay_start_0:
0x88: {  	s2 =	sld [smem:$0x3FD9]  }
0x89: {  	s3 =	sld [smem:$0x3FFE];
	_ =	sdelay $0x1  }
0x8a: {  	s1 =	srdreg.scid  }
0x8b: {  	s0 =	sand.u32 $0x1, s1  }
0x8c: {  	s17 =	sshll.u32 s0, $0xA;
	s2 =	sadd.s32 s3, s2  }
0x8d: {  	s2 =	sadd.s32 s2, s17  }
0x8e: {  	[smem:$0x3FC4] =	sst s2  }
0x8f: {  	_ = 	snop  }
0x90: {  	s2 =	sld [smem:$0x3FD0];
	(tm) =	ssettm $0x1  }
0x91: {  	s18 =	sld [smem:$0x3FFB];
	_ =	sdelay $0x3  }
0x92: {  	_ =	strace s18  }
0x93: {  	s3 =	sld [smem:$0x3FFC];
	_ =	sdelay $0x3  }
0x94: {  	_ =	strace s3  }
0x95: {  	s3 =	sld [smem:$0x3FFD];
	_ =	sdelay $0x3  }
0x96: {  	_ =	strace s3  }
0x97: {  	_ =	strace $0x8FFFFFFF  }
0x98: {  	s19 =	sld [smem:$0x3FDB];
	_ =	sdelay $0x1  }
0x99: {  	s4 =	simm.s32 $_scs_section_size  }
0x9a: {  	s5 =	simm.s32 $_size__tile_overlayer_lowered;
	s6 =	simm.s32 $_tile_overlayer_lowered  }
0x9b: {  	s22 =	simm.s32 $0x1BFF;
	s21 =	sshll.u32 s6, $0x1;
	s3 =	sadd.s32 s4, s19  }
0x9c: {  	s7 =	simm.s32 $0x0;
	s20 =	sshll.u32 s5, $0x1;
	s5 =	sadd.s32 s21, s3  }
0x9d: {  	[timem:s7], [sflag:s22] =	dma.local [hbm:s5], s20  }
0x9e: {  	_ =	swait.ge [sflag:s22], s20  }
0x9f: {  	s4 =	ssub.s32 $0x0, s20;
	[sflag:s22] =	ssyncset.done $0x0  }
0xa0: {  	[sflag:s22] =	ssyncadd.s32 s4;
	_ =	sdelay $0x1  }
0xa1: {  	s23 =	simm.s32 $0x1B8B  }
0xa2: {  	_ =	swait.ge [sflag:s23], $0x1  }
0xa3: {  	[sflag:s23] =	ssyncset.done $0x0  }
0xa4: {  	s25 =	simm.s32 $0x1B8E;
	s24 =	sld [smem:$0x3FFE];
	[sflag:s23] =	ssyncadd.s32 $0xFFFFFFFF  }
0xa5: {  	s26 =	simm.s32 $execute0_lowered;
	[smem:$0x3FD2] =	sst s25  }
0xa6: {  	s5 =	sshll.u32 s26, $0x1;
	_ =	strace $0x80000046;
	[dreg:$0x1] =	wrdreg $0xFFFFFFFF  }
0xa7: {  	s28 =	simm.s32 $_size_execute0_lowered;
	s3 =	sadd.s32 s3, s5;
	[dreg:$0x0] =	wrdreg $0x0  }
0xa8: {  	s5 =	sshll.u32 s28, $0x1;
	[dreg:$0x2] =	wrdreg s3  }
0xa9: {  	[dreg:$0x3] =	wrdreg s5  }
0xaa: {  	[dreg:$0x4] =	wrdreg $0xC0  }
0xab: {  	_ =	task [dreg:s7], $0x5FFFF  }
0xac: {  	[dreg:$0x1] =	wrdreg $0xFFFFFFFF  }
0xad: {  	[dreg:$0x0] =	wrdreg $0x60  }
0xae: {  	[dreg:$0x2] =	wrdreg s24  }
0xaf: {  	[dreg:$0x3] =	wrdreg s2  }
0xb0: {  	[dreg:$0x4] =	wrdreg $0x9  }
0xb1: {  	_ =	task.clear_ibuf [dreg:s7], $0x5FFFF;
	_ =	strace $0x90000046  }
0xb2: {  	s29 =	simm.s32 $0x9;
	_ =	strace $0x80000048  }
0xb3: {  	_ =	swait.ge [sflag:s29], $0x1  }
0xb4: {  	[sflag:s29] =	ssyncadd.s32 $0xFFFFFFFF  }
0xb5: {  	_ =	strace $0x90000048  }
0xb6: {  	_ =	sfence  }
0xb7: {  	s30 =	sld [smem:$0x0];
	_ =	sdelay $0x2  }
0xb8: {  	s31 =	sshll.u32 s1, $0xD;
	s1 =	sshrl.u32 s1, $0x2  }
0xb9: {  	s3 =	sand.u32 $0x4000, s31;
	s1 =	sadd.s32 s1, s30  }
0xba: {  	s0 =	sor.u32 s3, s0;
	s1 =	sshll.u32 s1, $0x11  }
0xbb: {  	s0 =	sor.u32 s1, s0  }
0xbc: {  	s0 =	sadd.s32 $0x8F2B, s0  }
0xbd: {  	[sflag:s0] =	ssyncadd.remote.s32 $0x1  }
0xbe: {  	_ =	sfence.sel $0xFFFF  }
0xbf: {  	[dreg:$0x0] =	wrdreg $0xFFFFFFFF;
	(pc) =	sbr.abs _section_cstart, $3  }
0xc0: {  	[dreg:$0x1] =	wrdreg $0xFFFFFFFF  }
0xc1: {  	_ =	task.clear_ibuf [dreg:s7], $0x2FFFF;
	_ =	strace $0x9FFFFFFF  }
0xc2: {  	(tm) =	ssettm $0x7FFFFFFF  }
0xc3: {  	_ =	shalt  }
tec
execute0_lowered:
.L_overlay_start_1:
0x0: {  	(tag) =	ssettag $0x1  }
0x1: {  	s0 =	rddreg [dreg:$0x0]  }
0x2: {  	s2 =	rddreg [dreg:$0x1];
	s1 =	simm.s32 $0x0;
	s3 =	srdreg.scid  }
0x3: {  	s9 =	stileid.u32;
	s15 =	simm.s32 $0x3000;
	s16 =	simm.s32 $0x6000  }
0x4: {  	[smem:$0x7FF] =	sst s1;
	s5 =	sand.u32 $0x1, s3;
	s3 =	sadd.s32 $0x2400, s0  }
0x5: {  	s6 =	sshll.u32 s9, $0x3;
	s8 =	sshrl.u32 s9, $0x2;
	s9 =	sand.u32 $0x3, s9  }
0x6: {  	_ =	strace $0x80000047;
	s4 =	sshll.u32 s5, $0x7;
	s7 =	sshll.u32 s5, $0x2  }
0x7: {  	s10 =	sshll.u32 s9, $0x7;
	s9 =	sshll.u32 s9, $0x3;
	s22 =	ssub.s32 $0x2, s5  }
0x8: {  	s5 =	sadd.s32 $0x62400, s0;
	s6 =	sor.u32 s6, s4;
	s7 =	sor.u32 s8, s7  }
0x9: {  	s25 =	sshrl.u32 s22, $0x1;
	s20 =	sshrl.u32 s6, $0x3;
	s21 =	sshll.u32 s7, $0x9  }
0xa: {  	s7 =	sshll.u32 s7, $0x5;
	s26 =	ssub.s32 s22, s25;
	s29 =	smul.u32 $0x60, s6  }
0xb: {  	s4 =	sor.u32 s10, s21;
	s8 =	sadd.s32 s20, s0;
	s0 =	smax.u32 s26, $0x1  }
0xc: {  	s23 =	sor.u32 s9, s7;
	s30 =	sadd.s32 $0x2000, s8;
	[dreg:$0x9] =	wrdreg s0  }
0xd: {  	s24 =	smul.u32 $0x60, s4;
	s8 =	sadd.s32 $0x2200, s8;
	[dreg:$0x6] =	wrdreg s30  }
0xe: {  	s11 =	smul.u32 $0x60, s23;
	s2 =	sadd.s32 s2, s29;
	[dreg:$0x7] =	wrdreg s8  }
0xf: {  	s31 =	sshll.u32 s6, $0x4;
	[dreg:$0x8] =	wrdreg s2;
	s7 =	sadd.s32 s3, s24  }
0x10: {  	s12 =	sand.u32 $0xE0, s6;
	s28 =	sadd.s32 s5, s11;
	[dreg:$0x3] =	wrdreg s7  }
0x11: {  	s2 =	simm.s32 $0x0;
	s7 =	sadd.s32 $0x600, s7;
	[dreg:$0x5] =	wrdreg s28  }
0x12: {  	s11 =	sand.u32 $0xE00, s31;
	[dreg:$0x4] =	wrdreg s7;
	s7 =	simm.s32 $0x4  }
.LBB2_1:
0x13: {  	[dreg:$0xa] =	wrdreg s2  }
0x14: {  	s0 =	rddreg [dreg:$0x3]  }
0x15: {  	s31 =	rddreg [dreg:$0x4]  }
0x16: {  	[tilespmem:s1], [sflag:$0x1] =	stream.linear.gather [hbm4b:s0+s1], $0x3000, $0x38;
	[tilespmem:$0xC400] =	vst v63  }
0x17: {  	s23 =	simm.s32 $0x9440;
	s24 =	simm.s32 $0x0;
	s25 =	simm.s32 $0x0  }
0x18: {  	[tilespmem:s15], [sflag:$0x2] =	stream.linear.gather [hbm4b:s31+s1], $0x3000, $0x38;
	[tilespmem:$0xC400] =	vst v63  }
.LBB2_2:
0x19: {  	p0 =	sgt.u32 s25, $0x5  }
.Ltmp0:
0x1a: {  	_ = 	snop;
	(pc) =	sbr.rel @p0 .LBB2_6-.Ltmp0, $1  }
0x1b: {  	_ =	sdelay $0x3  }
0x1c: {  	s0 =	sadd.s32 $0x2, s25  }
0x1d: {  	s2 =	smul.u32 $0xAB, s0;
	_ =	sdelay $0x1  }
0x1e: {  	s2 =	sshrl.u32 s2, $0x9  }
0x1f: {  	s2 =	sand.u32 $0x7F, s2  }
0x20: {  	s2 =	smul.u32 $0x3, s2;
	_ =	sdelay $0x1  }
0x21: {  	s6 =	sshll.u32 s0, $0x4;
	s0 =	ssub.s32 s0, s2  }
0x22: {  	s2 =	sand.u32 $0xFF, s0  }
0x23: {  	p0 =	seq.s32 s2, $0x2  }
.Ltmp1:
0x24: {  	_ = 	snop;
	(pc) =	sbr.rel @p0 .LBB2_5-.Ltmp1, $3  }
0x25: {  	s6 =	sadd.s32 s4, s6  }
0x26: {  	s31 =	smul.u32 $0x60, s6;
	_ =	sdelay $0x1  }
0x27: {  	s0 =	sadd.s32 s3, s31  }
.Ltmp2:
0x28: {  	(pc) =	sbr.rel .LBB2_6-.Ltmp2, $4  }
0x29: {  	p0 =	seq.s32 s2, $0x1  }
0x2a: {  	[tilespmem:s15], [sflag:$0x2] =	stream.linear.gather @p0 [hbm4b:s0+s1], $0x3000, $0x38;
	[tilespmem:$0xC400] =	vst v63  }
0x2b: {  	_ = 	snop  }
0x2c: {  	[tilespmem:s1], [sflag:$0x1] =	stream.linear.gather @!p0 [hbm4b:s0+s1], $0x3000, $0x38;
	[tilespmem:$0xC400] =	vst v63  }
.LBB2_5:
0x2d: {  	[tilespmem:s16], [sflag:$0x3] =	stream.linear.gather [hbm4b:s0+s1], $0x3000, $0x38;
	[tilespmem:$0xC400] =	vst v63  }
.LBB2_6:
0x2e: {  	s0 =	smul.u32 $0xAB, s25;
	_ =	sdelay $0x1  }
0x2f: {  	s0 =	sshrl.u32 s0, $0x9  }
0x30: {  	s0 =	sand.u32 $0x7F, s0  }
0x31: {  	s0 =	smul.u32 $0x3, s0;
	_ =	sdelay $0x1  }
0x32: {  	s2 =	smulhi.u32 $0xAAAAAAAB, s25;
	s0 =	ssub.s32 s25, s0  }
0x33: {  	s0 =	sand.u32 $0xFF, s0  }
0x34: {  	s31 =	sshrl.u32 s2, $0x1;
	p0 =	seq.s32 s0, $0x0  }
0x35: {  	p1 =	seq.s32 @!p0 s0, $0x2;
	s0 =	smul.u32 $0xFFFDC000, s31  }
0x36: {  	p1 =	por !p1, p0  }
0x37: {  	s2 =	simm.s32 @!p1 $0x3;
	s0 =	sshra.s32 s0, $0x2  }
0x38: {  	s2 =	simm.s32 @p1 $0x2;
	s6 =	sadd.s32 s0, s24  }
0x39: {  	s2 =	simm.s32 @p0 $0x1;
	v1 =	vmov s6  }
0x3a: {  	_ =	swait.ge [sflag:s2], $0x3000  }
0x3b: {  	[sflag:s2] =	ssyncset.done $0x0  }
0x3c: {  	v2 =	vmov s23;
	s0 =	simm.s32 $0x0;
	[sflag:s2] =	ssyncadd.s32 $0xFFFFD000  }
.LBB2_7:
0x3d: {  	s26 =	sshra.s32 s0, $0x2  }
0x3e: {  	v0 =	vld.idx.msk [tilespmem:v1+s26+$0x1550 ss:$0x1], $0xffff;
	_ =	sdelay $0x4  }
0x3f: {  	[tilespmem:$0x1FE10] =	vst v0;
	v0 =	vld.idx.msk [tilespmem:v1+s26+$0x1560 ss:$0x1], $0xffff;
	_ =	sdelay $0x4  }
0x40: {  	[tilespmem:$0x1FE20] =	vst v0;
	v0 =	vld.idx.msk [tilespmem:v1+s26+$0x1570 ss:$0x1], $0xffff;
	_ =	sdelay $0x4  }
0x41: {  	[tilespmem:$0x1FE30] =	vst v0;
	v0 =	vld.idx.msk [tilespmem:v1+s26+$0x1800 ss:$0x1], $0xffff  }
0x42: {  	v3 =	vld.idx.msk [tilespmem:v1+s26+$0x0 ss:$0x1], $0xffff  }
0x43: {  	v4 =	vld.idx.msk [tilespmem:v1+s26+$0x10 ss:$0x1], $0xffff  }
0x44: {  	v5 =	vld.idx.msk [tilespmem:v1+s26+$0x20 ss:$0x1], $0xffff  }
0x45: {  	v6 =	vld.idx.msk [tilespmem:v1+s26+$0x30 ss:$0x1], $0xffff  }
0x46: {  	[tilespmem:$0x1FE40] =	vst v0;
	v0 =	vld.idx.msk [tilespmem:v1+s26+$0x1810 ss:$0x1], $0xffff  }
0x47: {  	v7 =	vld.idx.msk [tilespmem:v1+s26+$0x40 ss:$0x1], $0xffff  }
0x48: {  	v8 =	vld.idx.msk [tilespmem:v1+s26+$0x50 ss:$0x1], $0xffff  }
0x49: {  	v9 =	vld.idx.msk [tilespmem:v1+s26+$0x60 ss:$0x1], $0xffff  }
0x4a: {  	v10 =	vld.idx.msk [tilespmem:v1+s26+$0x70 ss:$0x1], $0xffff  }
0x4b: {  	[tilespmem:$0x1FE50] =	vst v0;
	v0 =	vld.idx.msk [tilespmem:v1+s26+$0x1820 ss:$0x1], $0xffff  }
0x4c: {  	v11 =	vld.idx.msk [tilespmem:v1+s26+$0x300 ss:$0x1], $0xffff  }
0x4d: {  	v12 =	vld.idx.msk [tilespmem:v1+s26+$0x310 ss:$0x1], $0xffff  }
0x4e: {  	v13 =	vld.idx.msk [tilespmem:v1+s26+$0x320 ss:$0x1], $0xffff  }
0x4f: {  	v14 =	vld.idx.msk [tilespmem:v1+s26+$0x330 ss:$0x1], $0xffff  }
0x50: {  	[tilespmem:$0x1FE60] =	vst v0;
	v0 =	vld.idx.msk [tilespmem:v1+s26+$0x1830 ss:$0x1], $0xffff  }
0x51: {  	v15 =	vld.idx.msk [tilespmem:v1+s26+$0x340 ss:$0x1], $0xffff  }
0x52: {  	v16 =	vld.idx.msk [tilespmem:v1+s26+$0x350 ss:$0x1], $0xffff  }
0x53: {  	v17 =	vld.idx.msk [tilespmem:v1+s26+$0x360 ss:$0x1], $0xffff  }
0x54: {  	v18 =	vld.idx.msk [tilespmem:v1+s26+$0x370 ss:$0x1], $0xffff  }
0x55: {  	[tilespmem:$0x1FE70] =	vst v0;
	v0 =	vld.idx.msk [tilespmem:v1+s26+$0x1840 ss:$0x1], $0xffff  }
0x56: {  	v19 =	vld.idx.msk [tilespmem:v1+s26+$0x600 ss:$0x1], $0xffff  }
0x57: {  	v20 =	vld.idx.msk [tilespmem:v1+s26+$0x610 ss:$0x1], $0xffff  }
0x58: {  	v21 =	vld.idx.msk [tilespmem:v1+s26+$0x620 ss:$0x1], $0xffff  }
0x59: {  	v22 =	vld.idx.msk [tilespmem:v1+s26+$0x630 ss:$0x1], $0xffff  }
0x5a: {  	[tilespmem:$0x1FE80] =	vst v0;
	v0 =	vld.idx.msk [tilespmem:v1+s26+$0x1850 ss:$0x1], $0xffff  }
0x5b: {  	v23 =	vld.idx.msk [tilespmem:v1+s26+$0x640 ss:$0x1], $0xffff  }
0x5c: {  	v24 =	vld.idx.msk [tilespmem:v1+s26+$0x650 ss:$0x1], $0xffff  }
0x5d: {  	v25 =	vld.idx.msk [tilespmem:v1+s26+$0x660 ss:$0x1], $0xffff  }
0x5e: {  	v26 =	vld.idx.msk [tilespmem:v1+s26+$0x670 ss:$0x1], $0xffff  }
0x5f: {  	[tilespmem:$0x1FE90] =	vst v0;
	v0 =	vld.idx.msk [tilespmem:v1+s26+$0x1860 ss:$0x1], $0xffff  }
0x60: {  	v27 =	vld.idx.msk [tilespmem:v1+s26+$0x900 ss:$0x1], $0xffff  }
0x61: {  	v28 =	vld.idx.msk [tilespmem:v1+s26+$0x910 ss:$0x1], $0xffff  }
0x62: {  	v29 =	vld.idx.msk [tilespmem:v1+s26+$0x920 ss:$0x1], $0xffff  }
0x63: {  	v30 =	vld.idx.msk [tilespmem:v1+s26+$0x930 ss:$0x1], $0xffff  }
0x64: {  	[tilespmem:$0x1FEA0] =	vst v0;
	v0 =	vld.idx.msk [tilespmem:v1+s26+$0x1870 ss:$0x1], $0xffff  }
0x65: {  	v31 =	vld.idx.msk [tilespmem:v1+s26+$0x940 ss:$0x1], $0xffff  }
0x66: {  	v32 =	vld.idx.msk [tilespmem:v1+s26+$0x950 ss:$0x1], $0xffff  }
0x67: {  	v33 =	vld.idx.msk [tilespmem:v1+s26+$0x960 ss:$0x1], $0xffff  }
0x68: {  	v34 =	vld.idx.msk [tilespmem:v1+s26+$0x970 ss:$0x1], $0xffff  }
0x69: {  	[tilespmem:$0x1FEB0] =	vst v0;
	v0 =	vld.idx.msk [tilespmem:v1+s26+$0x1B00 ss:$0x1], $0xffff  }
0x6a: {  	v35 =	vld.idx.msk [tilespmem:v1+s26+$0xC00 ss:$0x1], $0xffff  }
0x6b: {  	v36 =	vld.idx.msk [tilespmem:v1+s26+$0xC10 ss:$0x1], $0xffff  }
0x6c: {  	v37 =	vld.idx.msk [tilespmem:v1+s26+$0xC20 ss:$0x1], $0xffff  }
0x6d: {  	v38 =	vld.idx.msk [tilespmem:v1+s26+$0xC30 ss:$0x1], $0xffff  }
0x6e: {  	[tilespmem:$0x1FEC0] =	vst v0;
	v0 =	vld.idx.msk [tilespmem:v1+s26+$0x1B10 ss:$0x1], $0xffff  }
0x6f: {  	v39 =	vld.idx.msk [tilespmem:v1+s26+$0xC40 ss:$0x1], $0xffff  }
0x70: {  	v40 =	vld.idx.msk [tilespmem:v1+s26+$0xC50 ss:$0x1], $0xffff  }
0x71: {  	v41 =	vld.idx.msk [tilespmem:v1+s26+$0xC60 ss:$0x1], $0xffff  }
0x72: {  	v42 =	vld.idx.msk [tilespmem:v1+s26+$0xC70 ss:$0x1], $0xffff  }
0x73: {  	[tilespmem:$0x1FED0] =	vst v0;
	v0 =	vld.idx.msk [tilespmem:v1+s26+$0x1B20 ss:$0x1], $0xffff  }
0x74: {  	v43 =	vld.idx.msk [tilespmem:v1+s26+$0xF00 ss:$0x1], $0xffff  }
0x75: {  	v44 =	vld.idx.msk [tilespmem:v1+s26+$0xF10 ss:$0x1], $0xffff  }
0x76: {  	v45 =	vld.idx.msk [tilespmem:v1+s26+$0xF20 ss:$0x1], $0xffff  }
0x77: {  	v46 =	vld.idx.msk [tilespmem:v1+s26+$0xF30 ss:$0x1], $0xffff  }
0x78: {  	[tilespmem:$0x1FEE0] =	vst v0;
	v0 =	vld.idx.msk [tilespmem:v1+s26+$0x1B30 ss:$0x1], $0xffff  }
0x79: {  	v47 =	vld.idx.msk [tilespmem:v1+s26+$0xF40 ss:$0x1], $0xffff  }
0x7a: {  	v48 =	vld.idx.msk [tilespmem:v1+s26+$0xF50 ss:$0x1], $0xffff  }
0x7b: {  	v49 =	vld.idx.msk [tilespmem:v1+s26+$0xF60 ss:$0x1], $0xffff  }
0x7c: {  	v50 =	vld.idx.msk [tilespmem:v1+s26+$0xF70 ss:$0x1], $0xffff  }
0x7d: {  	[tilespmem:$0x1FEF0] =	vst v0;
	v0 =	vld.idx.msk [tilespmem:v1+s26+$0x1B40 ss:$0x1], $0xffff  }
0x7e: {  	v51 =	vld.idx.msk [tilespmem:v1+s26+$0x1200 ss:$0x1], $0xffff  }
0x7f: {  	v52 =	vld.idx.msk [tilespmem:v1+s26+$0x1210 ss:$0x1], $0xffff  }
0x80: {  	v53 =	vld.idx.msk [tilespmem:v1+s26+$0x1220 ss:$0x1], $0xffff  }
0x81: {  	v54 =	vld.idx.msk [tilespmem:v1+s26+$0x1230 ss:$0x1], $0xffff  }
0x82: {  	[tilespmem:$0x1FF00] =	vst v0;
	v0 =	vld.idx.msk [tilespmem:v1+s26+$0x1B50 ss:$0x1], $0xffff  }
0x83: {  	v55 =	vld.idx.msk [tilespmem:v1+s26+$0x1240 ss:$0x1], $0xffff  }
0x84: {  	v56 =	vld.idx.msk [tilespmem:v1+s26+$0x1250 ss:$0x1], $0xffff  }
0x85: {  	v57 =	vld.idx.msk [tilespmem:v1+s26+$0x1260 ss:$0x1], $0xffff  }
0x86: {  	v58 =	vld.idx.msk [tilespmem:v1+s26+$0x1270 ss:$0x1], $0xffff  }
0x87: {  	[tilespmem:$0x1FF10] =	vst v0;
	v0 =	vld.idx.msk [tilespmem:v1+s26+$0x1B60 ss:$0x1], $0xffff  }
0x88: {  	v59 =	vld.idx.msk [tilespmem:v1+s26+$0x1500 ss:$0x1], $0xffff  }
0x89: {  	v60 =	vld.idx.msk [tilespmem:v1+s26+$0x1510 ss:$0x1], $0xffff  }
0x8a: {  	v61 =	vld.idx.msk [tilespmem:v1+s26+$0x1520 ss:$0x1], $0xffff  }
0x8b: {  	v62 =	vld.idx.msk [tilespmem:v1+s26+$0x1530 ss:$0x1], $0xffff  }
0x8c: {  	[tilespmem:$0x1FF20] =	vst v0;
	v0 =	vld.idx.msk [tilespmem:v1+s26+$0x1B70 ss:$0x1], $0xffff  }
0x8d: {  	v63 =	vld.idx.msk [tilespmem:v1+s26+$0x1540 ss:$0x1], $0xffff  }
0x8e: {  	v3 =	vmax.f32 v3, v11;
	v11 =	vld.idx.msk [tilespmem:v1+s26+$0x2140 ss:$0x1], $0xffff  }
0x8f: {  	v4 =	vmax.f32 v4, v12;
	v12 =	vld.idx.msk [tilespmem:v1+s26+$0x2150 ss:$0x1], $0xffff  }
0x90: {  	v5 =	vmax.f32 v5, v13;
	v13 =	vld.idx.msk [tilespmem:v1+s26+$0x2160 ss:$0x1], $0xffff  }
0x91: {  	[tilespmem:$0x1FF30] =	vst v0;
	v0 =	vld.idx.msk [tilespmem:v1+s26+$0x1E00 ss:$0x1], $0xffff  }
0x92: {  	v6 =	vmax.f32 v6, v14;
	v14 =	vld.idx.msk [tilespmem:v1+s26+$0x2170 ss:$0x1], $0xffff  }
0x93: {  	v7 =	vmax.f32 v7, v15;
	v15 =	vld.idx.msk [tilespmem:v1+s26+$0x2400 ss:$0x1], $0xffff  }
0x94: {  	v8 =	vmax.f32 v8, v16;
	v16 =	vld.idx.msk [tilespmem:v1+s26+$0x2410 ss:$0x1], $0xffff  }
0x95: {  	v9 =	vmax.f32 v9, v17;
	v17 =	vld.idx.msk [tilespmem:v1+s26+$0x2420 ss:$0x1], $0xffff  }
0x96: {  	[tilespmem:$0x1FF40] =	vst v0;
	v0 =	vld.idx.msk [tilespmem:v1+s26+$0x1E10 ss:$0x1], $0xffff  }
0x97: {  	v10 =	vmax.f32 v10, v18;
	v18 =	vld.idx.msk [tilespmem:v1+s26+$0x2430 ss:$0x1], $0xffff  }
0x98: {  	v3 =	vmax.f32 v3, v19;
	v19 =	vld.idx.msk [tilespmem:v1+s26+$0x2440 ss:$0x1], $0xffff  }
0x99: {  	v4 =	vmax.f32 v4, v20;
	v20 =	vld.idx.msk [tilespmem:v1+s26+$0x2450 ss:$0x1], $0xffff  }
0x9a: {  	v5 =	vmax.f32 v5, v21;
	v21 =	vld.idx.msk [tilespmem:v1+s26+$0x2460 ss:$0x1], $0xffff  }
0x9b: {  	[tilespmem:$0x1FF50] =	vst v0;
	v0 =	vld.idx.msk [tilespmem:v1+s26+$0x1E20 ss:$0x1], $0xffff  }
0x9c: {  	v6 =	vmax.f32 v6, v22;
	v22 =	vld.idx.msk [tilespmem:v1+s26+$0x2470 ss:$0x1], $0xffff  }
0x9d: {  	v7 =	vmax.f32 v7, v23;
	v23 =	vld.idx.msk [tilespmem:v1+s26+$0x2700 ss:$0x1], $0xffff  }
0x9e: {  	v8 =	vmax.f32 v8, v24;
	v24 =	vld.idx.msk [tilespmem:v1+s26+$0x2710 ss:$0x1], $0xffff  }
0x9f: {  	v9 =	vmax.f32 v9, v25;
	v25 =	vld.idx.msk [tilespmem:v1+s26+$0x2720 ss:$0x1], $0xffff  }
0xa0: {  	[tilespmem:$0x1FF60] =	vst v0;
	v0 =	vld.idx.msk [tilespmem:v1+s26+$0x1E30 ss:$0x1], $0xffff  }
0xa1: {  	v10 =	vmax.f32 v10, v26;
	v26 =	vld.idx.msk [tilespmem:v1+s26+$0x2730 ss:$0x1], $0xffff  }
0xa2: {  	v3 =	vmax.f32 v3, v27;
	v27 =	vld.idx.msk [tilespmem:v1+s26+$0x2740 ss:$0x1], $0xffff  }
0xa3: {  	v4 =	vmax.f32 v4, v28;
	v28 =	vld.idx.msk [tilespmem:v1+s26+$0x2750 ss:$0x1], $0xffff  }
0xa4: {  	v5 =	vmax.f32 v5, v29;
	v29 =	vld.idx.msk [tilespmem:v1+s26+$0x2770 ss:$0x1], $0xffff  }
0xa5: {  	[tilespmem:$0x1FF70] =	vst v0;
	v0 =	vld.idx.msk [tilespmem:v1+s26+$0x1E40 ss:$0x1], $0xffff  }
0xa6: {  	v6 =	vmax.f32 v6, v30;
	v30 =	vld.idx.msk [tilespmem:v1+s26+$0x2A00 ss:$0x1], $0xffff  }
0xa7: {  	v7 =	vmax.f32 v7, v31;
	v31 =	vld.idx.msk [tilespmem:v1+s26+$0x2A10 ss:$0x1], $0xffff  }
0xa8: {  	v8 =	vmax.f32 v8, v32;
	v32 =	vld.idx.msk [tilespmem:v1+s26+$0x2A20 ss:$0x1], $0xffff  }
0xa9: {  	v8 =	vmax.f32 v8, v40;
	v40 =	vld.idx.msk [tilespmem:v1+s26+$0x2A40 ss:$0x1], $0xffff  }
0xaa: {  	v4 =	vmax.f32 v4, v36;
	[tilespmem:$0x1FF80] =	vst v0;
	v0 =	vld.idx.msk [tilespmem:v1+s26+$0x1E50 ss:$0x1], $0xffff  }
0xab: {  	v6 =	vmax.f32 v6, v38;
	v7 =	vmax.f32 v7, v39;
	v4 =	vmax.f32 v4, v44;
	v44 =	vld.idx.msk [tilespmem:v1+s26+$0x2A50 ss:$0x1], $0xffff  }
0xac: {  	v6 =	vmax.f32 v6, v46;
	v7 =	vmax.f32 v7, v47;
	v46 =	vld [tilespmem:$0x1FE20]  }
0xad: {  	v8 =	vmax.f32 v8, v48;
	v7 =	vmax.f32 v7, v55;
	v48 =	vld [tilespmem:$0x1FE40]  }
0xae: {  	v3 =	vmax.f32 v3, v35;
	v7 =	vmax.f32 v7, v63;
	v63 =	vld.idx.msk [tilespmem:v1+s26+$0x2A30 ss:$0x1], $0xffff  }
0xaf: {  	v9 =	vmax.f32 v9, v33;
	v3 =	vmax.f32 v3, v43;
	[tilespmem:$0x1FF90] =	vst v0;
	v0 =	vld.idx.msk [tilespmem:v1+s26+$0x1E60 ss:$0x1], $0xffff  }
0xb0: {  	v9 =	vmax.f32 v9, v41;
	v3 =	vmax.f32 v3, v51;
	v47 =	vld [tilespmem:$0x1FE30]  }
0xb1: {  	v9 =	vmax.f32 v9, v49;
	v3 =	vmax.f32 v3, v59;
	v49 =	vld [tilespmem:$0x1FE50]  }
0xb2: {  	v3 =	vmax.f32 v3, v48;
	v48 =	vld.idx.msk [tilespmem:v1+s26+$0x2A60 ss:$0x1], $0xffff  }
0xb3: {  	v10 =	vmax.f32 v10, v34;
	v4 =	vmax.f32 v4, v52;
	v52 =	vld [tilespmem:$0x1FE80]  }
0xb4: {  	v10 =	vmax.f32 v10, v42;
	[tilespmem:$0x1FFA0] =	vst v0;
	v0 =	vld.idx.msk [tilespmem:v1+s26+$0x1E70 ss:$0x1], $0xffff  }
0xb5: {  	v5 =	vmax.f32 v5, v37;
	v10 =	vmax.f32 v10, v50;
	v50 =	vld [tilespmem:$0x1FE60]  }
0xb6: {  	v5 =	vmax.f32 v5, v45;
	v51 =	vld [tilespmem:$0x1FE70]  }
0xb7: {  	v5 =	vmax.f32 v5, v53;
	v53 =	vld [tilespmem:$0x1FE90]  }
0xb8: {  	v7 =	vmax.f32 v7, v52;
	v52 =	vld.idx.msk [tilespmem:v1+s26+$0x2A70 ss:$0x1], $0xffff  }
0xb9: {  	[tilespmem:$0x1FFB0] =	vst v0;
	v0 =	vld.idx.msk [tilespmem:v1+s26+$0x2100 ss:$0x1], $0xffff  }
0xba: {  	v8 =	vmax.f32 v8, v56;
	v56 =	vld [tilespmem:$0x1FEC0]  }
0xbb: {  	v6 =	vmax.f32 v6, v54;
	v54 =	vld [tilespmem:$0x1FEA0]  }
0xbc: {  	v55 =	vld [tilespmem:$0x1FEB0]  }
0xbd: {  	v9 =	vmax.f32 v9, v57;
	v57 =	vld [tilespmem:$0x1FED0]  }
0xbe: {  	[tilespmem:$0x1FFC0] =	vst v0;
	v0 =	vld.idx.msk [tilespmem:v1+s26+$0x2110 ss:$0x1], $0xffff  }
0xbf: {  	v3 =	vmax.f32 v3, v56;
	v56 =	vld.idx.msk [tilespmem:v1+s26+$0x2D20 ss:$0x1], $0xffff  }
0xc0: {  	v10 =	vmax.f32 v10, v58;
	v58 =	vld [tilespmem:$0x1FEE0]  }
0xc1: {  	v59 =	vld [tilespmem:$0x1FEF0]  }
0xc2: {  	v4 =	vmax.f32 v4, v60;
	v60 =	vld [tilespmem:$0x1FF00]  }
0xc3: {  	[tilespmem:$0x1FFD0] =	vst v0;
	v0 =	vld.idx.msk [tilespmem:v1+s26+$0x2120 ss:$0x1], $0xffff  }
0xc4: {  	v38 =	vld [tilespmem:$0x1FF40]  }
0xc5: {  	v39 =	vld [tilespmem:$0x1FF50]  }
0xc6: {  	v41 =	vld [tilespmem:$0x1FF60]  }
0xc7: {  	v43 =	vld [tilespmem:$0x1FF80]  }
0xc8: {  	[tilespmem:$0x1FFE0] =	vst v0;
	v0 =	vld.idx.msk [tilespmem:v1+s26+$0x2130 ss:$0x1], $0xffff  }
0xc9: {  	v4 =	vmax.f32 v4, v49;
	v49 =	vld [tilespmem:$0x1FFC0]  }
0xca: {  	v5 =	vmax.f32 v5, v61;
	v6 =	vmax.f32 v6, v62;
	v42 =	vld [tilespmem:$0x1FF70]  }
0xcb: {  	v5 =	vmax.f32 v5, v50;
	v6 =	vmax.f32 v6, v51;
	v50 =	vld [tilespmem:$0x1FFD0]  }
0xcc: {  	v4 =	vmax.f32 v4, v57;
	v5 =	vmax.f32 v5, v58;
	v7 =	vmax.f32 v7, v60;
	v51 =	vld [tilespmem:$0x1FFE0]  }
0xcd: {  	v6 =	vmax.f32 v6, v59;
	v3 =	vmax.f32 v3, v38;
	v7 =	vmax.f32 v7, v43;
	[tilespmem:$0x1FFF0] =	vst v0;
	v0 =	vld [tilespmem:$0x1FE10]  }
0xce: {  	v61 =	vld [tilespmem:$0x1FF10];
	v4 =	vmax.f32 v4, v39;
	v7 =	vmax.f32 v7, v11;
	v3 =	vmax.f32 v3, v49  }
0xcf: {  	v62 =	vld [tilespmem:$0x1FF20];
	v5 =	vmax.f32 v5, v41;
	v7 =	vmax.f32 v7, v19;
	v3 =	vmax.f32 v3, v15  }
0xd0: {  	v37 =	vld [tilespmem:$0x1FF30];
	v6 =	vmax.f32 v6, v42;
	v7 =	vmax.f32 v7, v27;
	v3 =	vmax.f32 v3, v23  }
0xd1: {  	v45 =	vld [tilespmem:$0x1FF90];
	v3 =	vmax.f32 v3, v30;
	v4 =	vmax.f32 v4, v50;
	v5 =	vmax.f32 v5, v51  }
0xd2: {  	v5 =	vmax.f32 v5, v17;
	v0 =	vmax.f32 v8, v0;
	v8 =	vmax.f32 v9, v46;
	v46 =	vld [tilespmem:$0x1FFA0]  }
0xd3: {  	v4 =	vmax.f32 v4, v16;
	v5 =	vmax.f32 v5, v25;
	v9 =	vmax.f32 v10, v47;
	v47 =	vld [tilespmem:$0x1FFB0]  }
0xd4: {  	v4 =	vmax.f32 v4, v24;
	v5 =	vmax.f32 v5, v32;
	v0 =	vmax.f32 v0, v53;
	v53 =	vld [tilespmem:$0x1FFF0]  }
0xd5: {  	v4 =	vmax.f32 v4, v31;
	v5 =	vmax.f32 v5, v56;
	v8 =	vmax.f32 v8, v54;
	v54 =	vld.idx.msk [tilespmem:v1+s26+$0x2D00 ss:$0x1], $0xffff  }
0xd6: {  	v9 =	vmax.f32 v9, v55;
	v55 =	vld.idx.msk [tilespmem:v1+s26+$0x2D10 ss:$0x1], $0xffff;
	v0 =	vmax.f32 v0, v61;
	v8 =	vmax.f32 v8, v62  }
0xd7: {  	v57 =	vld.idx.msk [tilespmem:v1+s26+$0x2D30 ss:$0x1], $0xffff;
	v9 =	vmax.f32 v9, v37;
	v62 =	vmax.f32 v7, v40;
	v0 =	vmax.f32 v0, v45  }
0xd8: {  	v58 =	vld.idx.msk [tilespmem:v1+s26+$0x2D40 ss:$0x1], $0xffff;
	v0 =	vmax.f32 v0, v12;
	v8 =	vmax.f32 v8, v46;
	v9 =	vmax.f32 v9, v47  }
0xd9: {  	v10 =	vld.idx.msk [tilespmem:v1+s26+$0x2760 ss:$0x1], $0xffff;
	v0 =	vmax.f32 v0, v20;
	v6 =	vmax.f32 v6, v53;
	v8 =	vmax.f32 v8, v13  }
0xda: {  	v59 =	vld.idx.msk [tilespmem:v1+s26+$0x2D50 ss:$0x1], $0xffff;
	v9 =	vmax.f32 v9, v14;
	v0 =	vmax.f32 v0, v28;
	v3 =	vmax.f32 v3, v54  }
0xdb: {  	v60 =	vld.idx.msk [tilespmem:v1+s26+$0x2D60 ss:$0x1], $0xffff;
	v4 =	vmax.f32 v4, v55;
	v6 =	vmax.f32 v6, v18;
	v8 =	vmax.f32 v8, v21  }
0xdc: {  	v61 =	vld.idx.msk [tilespmem:v1+s26+$0x2D70 ss:$0x1], $0xffff;
	v9 =	vmax.f32 v9, v22;
	[tilespmem:v2+s26+$0xFFFFFFC0 ss:$0x1] =	vst.idx.msk $0xffff, v3;
	v6 =	vmax.f32 v6, v26  }
0xdd: {  	v0 =	vmax.f32 v0, v44;
	[tilespmem:v2+s26+$0xFFFFFFD0 ss:$0x1] =	vst.idx.msk $0xffff, v4;
	v3 =	vmax.f32 v6, v63  }
0xde: {  	p0 =	sne.s32 s0, $0xA00;
	v8 =	vmax.f32 v8, v10;
	[tilespmem:v2+s26+$0xFFFFFFE0 ss:$0x1] =	vst.idx.msk $0xffff, v5;
	v3 =	vmax.f32 v3, v57  }
.Ltmp3:
0xdf: {  	v9 =	vmax.f32 v9, v29;
	v4 =	vmax.f32 v62, v58;
	[tilespmem:v2+s26+$0xFFFFFFF0 ss:$0x1] =	vst.idx.msk $0xffff, v3;
	(pc) =	sbr.rel @p0 .LBB2_7-.Ltmp3, $4  }
0xe0: {  	v0 =	vmax.f32 v0, v59;
	v3 =	vmax.f32 v8, v48;
	[tilespmem:v2+s26+$0x0 ss:$0x1] =	vst.idx.msk $0xffff, v4  }
0xe1: {  	v63 =	vmax.f32 v9, v52;
	v3 =	vmax.f32 v3, v60;
	[tilespmem:v2+s26+$0x10 ss:$0x1] =	vst.idx.msk $0xffff, v0  }
0xe2: {  	v0 =	vmax.f32 v63, v61;
	[tilespmem:v2+s26+$0x20 ss:$0x1] =	vst.idx.msk $0xffff, v3  }
0xe3: {  	s0 =	sadd.s32 $0x200, s0;
	[tilespmem:v2+s26+$0x30 ss:$0x1] =	vst.idx.msk $0xffff, v0  }
0xe4: {  	s25 =	sadd.s32 $0x1, s25  }
0xe5: {  	p0 =	sne.s32 s25, $0x8  }
.Ltmp4:
0xe6: {  	_ = 	snop;
	(pc) =	sbr.rel @p0 .LBB2_2-.Ltmp4, $2  }
0xe7: {  	_ =	sdelay $0x2  }
0xe8: {  	s24 =	sadd.s32 $0x3000, s24;
	s23 =	sadd.s32 $0x300, s23  }
0xe9: {  	s23 =	simm.s32 $0x0;
	s0 =	rddreg [dreg:$0x5];
	s2 =	simm.s32 $0x9400  }
0xea: {  	[hbm4b:s0+s23] =	stream.linear.scatter [tilespmem:s2], [sflag:$0x4], $0x1800, $0x38;
	[tilespmem:$0xC400] =	vst v63  }
0xeb: {  	_ =	swait.ge [sflag:s7], $0x1800  }
0xec: {  	[sflag:s7] =	ssyncset.done $0x0  }
0xed: {  	[sflag:s7] =	ssyncadd.s32 $0xFFFFE800  }
0xee: {  	[bflag:$0x0] =	sbarrier.arrive $0xFFFF  }
0xef: {  	s29 =	simm.s32 $0x9300;
	s28 =	rddreg [dreg:$0x6]  }
0xf0: {  	[tilespmem:s29], [sflag:$0x4] =	stream.linear.gather [hbm4b:s28+s23], $0x8, $0x38;
	[tilespmem:$0xC400] =	vst v63  }
0xf1: {  	_ =	swait.ge [sflag:s7], $0x8  }
0xf2: {  	[sflag:s7] =	ssyncset.done $0x0  }
0xf3: {  	s31 =	simm.s32 $0x9380;
	s30 =	rddreg [dreg:$0x7];
	[sflag:s7] =	ssyncadd.s32 $0xFFFFFFF8  }
0xf4: {  	[tilespmem:s31], [sflag:$0x4] =	stream.linear.gather [hbm4b:s30+s23], $0x8, $0x38;
	[tilespmem:$0xC400] =	vst v63  }
0xf5: {  	_ =	swait.ge [sflag:s7], $0x8  }
0xf6: {  	[sflag:s7] =	ssyncset.done $0x0  }
0xf7: {  	s24 =	simm.s32 $0x0;
	s25 =	simm.s32 $0x0;
	[sflag:s7] =	ssyncadd.s32 $0xFFFFFFF8  }
.LBB2_10:
0xf8: {  	v0 =	vld [tilespmem:s25+$0x9300]  }
0xf9: {  	v1 =	vld [tilespmem:s25+$0x9380];
	_ =	sdelay $0x3  }
0xfa: {  	(v2sf) =	vpush v0, $0x0  }
0xfb: {  	(v2sf) =	vpush v1, $0x0;
	_ =	sdelay $0xd  }
0xfc: {  	s26 =	spop (v2sf)  }
0xfd: {  	s0 =	sadd.s32 $0xF, s26;
	s17 =	spop (v2sf)  }
0xfe: {  	s7 =	simm.s32 $0x1;
	s2 =	sshra.s32 s0, $0x1F;
	s6 =	sadd.s32 $0x1, s17  }
0xff: {  	p0 =	slt.u32 s17, $0x7FFFFFFF;
	p1 =	slt.s32 s0, $0x1;
	s2 =	sshrl.u32 s2, $0x1C  }
0x100: {  	s8 =	sshra.s32 s6, $0x1F;
	s7 =	simm.s32 @!p0 $0x0;
	s9 =	sand.u32 $0xF, s6  }
0x101: {  	s2 =	sadd.s32 s2, s0;
	s0 =	sand.u32 $0xF, s0;
	s7 =	sadd.s32 s7, s8  }
0x102: {  	p3 =	sne.s32 s9, $0x0;
	s18 =	sshrl.u32 s8, $0x1C;
	p5 =	sne.s32 s0, $0x0  }
0x103: {  	p2 =	sne.s32 s7, $0x1;
	s14 =	sshra.s32 s2, $0x4;
	s2 =	simm.s32 $0x1  }
0x104: {  	s6 =	sadd.s32 s18, s6;
	p0 =	por !p1, !p5;
	p6 =	por !p3, !p2  }
0x105: {  	s7 =	simm.s32 $0x1;
	p0 =	por !p0, !p0;
	p1 =	por !p6, !p6  }
0x106: {  	s6 =	sshra.s32 s6, $0x4;
	s2 =	simm.s32 @!p0 $0x0;
	s7 =	simm.s32 @!p1 $0x0  }
0x107: {  	s30 =	smov.u32 s26;
	s29 =	ssub.s32 s14, s2;
	s7 =	ssub.s32 s6, s7  }
0x108: {  	p0 =	slt.s32 s26, $0x1F0;
	p1 =	sgt.s32 s7, s29;
	s0 =	smov.u32 s29  }
0x109: {  	s30 =	simm.s32 @!p0 $0x1F0;
	s0 =	smov.u32 @p1 s7  }
0x10a: {  	s19 =	sadd.s32 s11, s30;
	s0 =	sshll.u32 s0, $0x4  }
0x10b: {  	s2 =	smul.u32 $0x300, s19;
	p0 =	slt.s32 s0, $0x1F0;
	s31 =	smov.u32 s0  }
0x10c: {  	s31 =	simm.s32 @!p0 $0x1F0  }
0x10d: {  	s2 =	sshrl.u32 s2, $0x3;
	s20 =	sadd.s32 s11, s31  }
0x10e: {  	s2 =	sadd.s32 s3, s2;
	s6 =	smul.u32 $0x300, s20  }
0x10f: {  	[tilespmem:s23], [sflag:$0x1] =	stream.linear.gather [hbm4b:s2+s23], $0x3000, $0x38;
	[tilespmem:$0xC400] =	vst v63  }
0x110: {  	s21 =	sshrl.u32 s6, $0x3  }
0x111: {  	s2 =	sadd.s32 s3, s21  }
0x112: {  	v63 =	vimm.f32 $-3.000000010e+38;
	[tilespmem:s15], [sflag:$0x2] =	stream.linear.gather [hbm4b:s2+s23], $0x3000, $0x38;
	[tilespmem:$0xC400] =	vst v63  }
0x113: {  	[tilespmem:$0x9000] =	vst v63  }
0x114: {  	[tilespmem:$0x9010] =	vst v63  }
0x115: {  	[tilespmem:$0x9020] =	vst v63  }
0x116: {  	[tilespmem:$0x9030] =	vst v63  }
0x117: {  	[tilespmem:$0x9040] =	vst v63  }
0x118: {  	[tilespmem:$0x9050] =	vst v63  }
0x119: {  	[tilespmem:$0x9060] =	vst v63  }
0x11a: {  	[tilespmem:$0x9070] =	vst v63  }
0x11b: {  	[tilespmem:$0x9080] =	vst v63  }
0x11c: {  	[tilespmem:$0x9090] =	vst v63  }
0x11d: {  	[tilespmem:$0x90A0] =	vst v63  }
0x11e: {  	[tilespmem:$0x90B0] =	vst v63  }
0x11f: {  	[tilespmem:$0x90C0] =	vst v63  }
0x120: {  	[tilespmem:$0x90D0] =	vst v63  }
0x121: {  	[tilespmem:$0x90E0] =	vst v63  }
0x122: {  	[tilespmem:$0x90F0] =	vst v63  }
0x123: {  	[tilespmem:$0x9100] =	vst v63  }
0x124: {  	[tilespmem:$0x9110] =	vst v63  }
0x125: {  	[tilespmem:$0x9120] =	vst v63  }
0x126: {  	[tilespmem:$0x9130] =	vst v63  }
0x127: {  	[tilespmem:$0x9140] =	vst v63  }
0x128: {  	[tilespmem:$0x9150] =	vst v63  }
0x129: {  	[tilespmem:$0x9160] =	vst v63  }
0x12a: {  	[tilespmem:$0x9170] =	vst v63  }
0x12b: {  	[tilespmem:$0x9180] =	vst v63  }
0x12c: {  	[tilespmem:$0x9190] =	vst v63  }
0x12d: {  	[tilespmem:$0x91A0] =	vst v63  }
0x12e: {  	[tilespmem:$0x91B0] =	vst v63  }
0x12f: {  	[tilespmem:$0x91C0] =	vst v63  }
0x130: {  	[tilespmem:$0x91D0] =	vst v63  }
0x131: {  	[tilespmem:$0x91E0] =	vst v63  }
0x132: {  	[tilespmem:$0x91F0] =	vst v63  }
0x133: {  	[tilespmem:$0x9200] =	vst v63  }
0x134: {  	[tilespmem:$0x9210] =	vst v63  }
0x135: {  	[tilespmem:$0x9220] =	vst v63  }
0x136: {  	[tilespmem:$0x9230] =	vst v63  }
0x137: {  	[tilespmem:$0x9240] =	vst v63  }
0x138: {  	[tilespmem:$0x9250] =	vst v63  }
0x139: {  	[tilespmem:$0x9260] =	vst v63  }
0x13a: {  	[tilespmem:$0x9270] =	vst v63  }
0x13b: {  	[tilespmem:$0x9280] =	vst v63  }
0x13c: {  	[tilespmem:$0x9290] =	vst v63  }
0x13d: {  	s2 =	ssub.s32 s7, s29;
	[tilespmem:$0x92A0] =	vst v63  }
.Ltmp5:
0x13e: {  	s28 =	smov.u32 s17;
	p0 =	sgt.s32 s2, $0x0;
	[tilespmem:$0x92B0] =	vst v63;
	(pc) =	sbr.rel .LBB2_11-.Ltmp5, $4  }
0x13f: {  	s8 =	simm.s32 $0x0;
	s22 =	sshll.u32 s29, $0x4;
	[tilespmem:$0x92C0] =	vst v63;
	s2 =	simm.s32 @!p0 $0x0  }
0x140: {  	s19 =	sadd.s32 $0xFFFFFFE0, s29;
	s6 =	sadd.s32 $0xFFFFFFFF, s22;
	[tilespmem:$0x92D0] =	vst v63;
	s2 =	sadd.s32 $0xF, s2  }
0x141: {  	s20 =	sadd.s32 $0xFFFFFFFF, s7;
	[tilespmem:$0x92E0] =	vst v63;
	p0 =	slt.s32 s6, s17;
	s2 =	sshrl.u32 s2, $0x4  }
0x142: {  	s7 =	simm.s32 $0x40;
	[tilespmem:$0x92F0] =	vst v63;
	s28 =	smov.u32 @p0 s6;
	s21 =	sadd.s32 $0x1, s2  }
.LBB2_24:
0x143: {  	p0 =	sne.s32 s8, s21  }
.Ltmp6:
0x144: {  	_ = 	snop;
	(pc) =	sbr.rel @!p0 .LBB2_25-.Ltmp6, $3  }
0x145: {  	_ =	sdelay $0x1  }
0x146: {  	s6 =	sadd.s32 $0x1, s8  }
0x147: {  	s7 =	sadd.s32 $0x3000, s7;
	s8 =	smov.u32 s6  }
.LBB2_11:
0x148: {  	p0 =	sge.u32 s8, s2  }
.Ltmp7:
0x149: {  	_ = 	snop;
	(pc) =	sbr.rel @p0 .LBB2_15-.Ltmp7, $2  }
0x14a: {  	_ =	sdelay $0x2  }
0x14b: {  	s6 =	sshll.u32 s8, $0x4  }
0x14c: {  	s9 =	sadd.s32 $0x2, s8  }
0x14d: {  	s13 =	smulhi.u32 $0xAAAAAAAB, s9  }
0x14e: {  	s10 =	sadd.s32 s29, s6  }
0x14f: {  	p0 =	slt.s32 s10, $0x10;
	s13 =	sshrl.u32 s13, $0x1  }
0x150: {  	s10 =	simm.s32 @!p0 $0x10;
	s13 =	smul.u32 $0x3, s13  }
0x151: {  	s10 =	sadd.s32 s12, s10  }
0x152: {  	s14 =	smul.u32 $0x300, s10;
	s10 =	ssub.s32 s9, s13  }
0x153: {  	p0 =	seq.s32 s10, $0x2  }
.Ltmp8:
0x154: {  	_ = 	snop;
	(pc) =	sbr.rel @p0 .LBB2_14-.Ltmp8, $3  }
0x155: {  	_ =	sdelay $0x1  }
0x156: {  	s22 =	sshrl.u32 s14, $0x3  }
0x157: {  	s9 =	sadd.s32 s5, s22  }
.Ltmp9:
0x158: {  	(pc) =	sbr.rel .LBB2_15-.Ltmp9, $4  }
0x159: {  	p0 =	seq.s32 s10, $0x1  }
0x15a: {  	[tilespmem:s15], [sflag:$0x2] =	stream.linear.gather @p0 [hbm4b:s9+s1], $0x3000, $0x38;
	[tilespmem:$0xC400] =	vst v63  }
0x15b: {  	_ = 	snop  }
0x15c: {  	[tilespmem:s1], [sflag:$0x1] =	stream.linear.gather @!p0 [hbm4b:s9+s1], $0x3000, $0x38;
	[tilespmem:$0xC400] =	vst v63  }
.LBB2_14:
0x15d: {  	[tilespmem:s16], [sflag:$0x3] =	stream.linear.gather [hbm4b:s9+s1], $0x3000, $0x38;
	[tilespmem:$0xC400] =	vst v63  }
.LBB2_15:
0x15e: {  	s9 =	smulhi.u32 $0xAAAAAAAB, s8;
	_ =	sdelay $0x1  }
0x15f: {  	s9 =	sshrl.u32 s9, $0x1  }
0x160: {  	s6 =	sadd.s32 s6, s19;
	s10 =	smul.u32 $0x3, s9  }
0x161: {  	p3 =	seq.s32 s8, $0x1;
	p1 =	slt.s32 s6, $0x10;
	s13 =	smov.u32 s6  }
0x162: {  	s6 =	smov.u32 @p3 s0;
	s13 =	simm.s32 @!p1 $0x10;
	s10 =	ssub.s32 s8, s10  }
0x163: {  	p1 =	seq.s32 s8, $0x0;
	s13 =	smov.u32 @p3 s31;
	p0 =	seq.s32 s10, $0x0  }
0x164: {  	s6 =	smov.u32 @p1 s26;
	s13 =	smov.u32 @p1 s30;
	p2 =	seq.s32 @!p0 s10, $0x2  }
0x165: {  	s18 =	smul.u32 $0xC00, s6;
	s10 =	smov.u32 s20;
	p2 =	por !p2, p0  }
0x166: {  	s22 =	smul.u32 $0xC00, s13;
	s10 =	smov.u32 @p3 s17;
	s14 =	simm.s32 @!p2 $0x3  }
0x167: {  	s9 =	smul.u32 $0x24000, s9;
	s10 =	smov.u32 @p1 s28;
	s14 =	simm.s32 @p2 $0x2  }
0x168: {  	s18 =	ssub.s32 s18, s22;
	s10 =	ssub.s32 s10, s13;
	s14 =	simm.s32 @p0 $0x1  }
.Ltmp10:
0x169: {  	p0 =	slt.s32 s10, $0xF;
	_ =	swait.ge [sflag:s14], $0x3000;
	(pc) =	sbr.rel .LBB2_16-.Ltmp10, $4  }
0x16a: {  	s18 =	ssub.s32 s18, s9;
	s10 =	simm.s32 @!p0 $0xF;
	[sflag:s14] =	ssyncset.done $0x0  }
0x16b: {  	s18 =	sshra.s32 s18, $0x2;
	s22 =	sadd.s32 s10, s13;
	[sflag:s14] =	ssyncadd.s32 $0xFFFFD000  }
0x16c: {  	s14 =	ssub.s32 s22, s6;
	s22 =	ssub.s32 s6, s13;
	s6 =	sadd.s32 s18, s7  }
0x16d: {  	s13 =	simm.s32 $0x0;
	s9 =	sadd.s32 $0x1, s14;
	p0 =	sgt.s32 s22, s10  }
.LBB2_18:
0x16e: {  	s10 =	smov.u32 s6;
	v13 =	vmovc v7;
	v15 =	vmov v8;
	v16 =	vmov v5;
	v17 =	vmov v6  }
.LBB2_22:
0x16f: {  	v0 =	vld [tilespmem:s10+$0xFFFFFFD0]  }
0x170: {  	v18 =	vld [tilespmem:s10+$0xFFFFFFE0]  }
0x171: {  	v19 =	vld [tilespmem:s10+$0xFFFFFFF0]  }
0x172: {  	v20 =	vld [tilespmem:s10+$0x0]  }
0x173: {  	v21 =	vld [tilespmem:s10+$0x10]  }
0x174: {  	v22 =	vld [tilespmem:s10+$0x20]  }
0x175: {  	v10 =	vmax.f32 @p1 v13, v10;
	v63 =	vld [tilespmem:s10+$0xFFFFFFC0]  }
0x176: {  	v11 =	vmax.f32 @p1 v15, v11;
	v12 =	vmax.f32 @p1 v16, v12;
	v14 =	vmax.f32 @p1 v17, v14  }
0x177: {  	v1 =	vmax.f32 v1, v9;
	v8 =	vpsel p1, v11, v8;
	v5 =	vpsel p1, v12, v5  }
0x178: {  	v6 =	vpsel p1, v14, v6;
	v2 =	vmax.f32 v2, v0;
	v3 =	vmax.f32 v3, v18  }
0x179: {  	v4 =	vmax.f32 v4, v19;
	v0 =	vpsel p1, v10, v7;
	v8 =	vmax.f32 v8, v21  }
0x17a: {  	v5 =	vmax.f32 v5, v22;
	v6 =	vmax.f32 v6, v63;
	v7 =	vmax.f32 v0, v20  }
.LBB2_23:
0x17b: {  	[tilespmem:s14+$0x9000] =	vst v6  }
0x17c: {  	[tilespmem:s14+$0x9010] =	vst v2;
	s13 =	sadd.s32 $0x1, s13  }
0x17d: {  	[tilespmem:s14+$0x9020] =	vst v3;
	p1 =	sne.s32 s13, $0x6  }
.Ltmp11:
0x17e: {  	[tilespmem:s14+$0x9030] =	vst v4;
	(pc) =	sbr.rel @!p1 .LBB2_24-.Ltmp11, $4  }
0x17f: {  	[tilespmem:s14+$0x9040] =	vst v7  }
0x180: {  	[tilespmem:s14+$0x9050] =	vst v8  }
0x181: {  	[tilespmem:s14+$0x9060] =	vst v5  }
0x182: {  	[tilespmem:s14+$0x9070] =	vst v1;
	s6 =	sadd.s32 $0x80, s6  }
.LBB2_16:
0x183: {  	s10 =	sshll.u32 s13, $0x7  }
0x184: {  	s14 =	sand.u32 $0x3FFFFF80, s10  }
0x185: {  	v6 =	vld [tilespmem:s14+$0x9000]  }
0x186: {  	v7 =	vld [tilespmem:s14+$0x9040]  }
0x187: {  	v8 =	vld [tilespmem:s14+$0x9050]  }
.Ltmp12:
0x188: {  	v5 =	vld [tilespmem:s14+$0x9060];
	(pc) =	sbr.rel @p0 .LBB2_23-.Ltmp12, $4  }
0x189: {  	v2 =	vld [tilespmem:s14+$0x9010]  }
0x18a: {  	v3 =	vld [tilespmem:s14+$0x9020]  }
0x18b: {  	v4 =	vld [tilespmem:s14+$0x9030]  }
0x18c: {  	v1 =	vld [tilespmem:s14+$0x9070]  }
0x18d: {  	p2 =	sne.s32 s9, $0x1  }
.Ltmp13:
0x18e: {  	_ = 	snop;
	(pc) =	sbr.rel @!p2 .LBB2_18-.Ltmp13, $2  }
0x18f: {  	_ =	sdelay $0x2  }
0x190: {  	v9 =	vld [tilespmem:s6+$0x30];
	s18 =	sadd.s32 $0xFFFFFFFF, s9;
	p1 =	por $0x0, $0x0  }
0x191: {  	v0 =	vld [tilespmem:s6+$0xFFFFFFD0]  }
0x192: {  	v13 =	vld [tilespmem:s6+$0xFFFFFFE0]  }
0x193: {  	v15 =	vld [tilespmem:s6+$0xFFFFFFF0];
	p2 =	sne.s32 s18, $0x1  }
.Ltmp14:
0x194: {  	v10 =	vld [tilespmem:s6+$0x0];
	(pc) =	sbr.rel @!p2 .LBB2_20-.Ltmp14, $4  }
0x195: {  	v11 =	vld [tilespmem:s6+$0x10]  }
0x196: {  	v12 =	vld [tilespmem:s6+$0x20]  }
0x197: {  	v14 =	vld [tilespmem:s6+$0xFFFFFFC0];
	s10 =	sadd.s32 $0x300, s6;
	v16 =	vmov v5;
	v1 =	vmax.f32 v1, v9;
	v2 =	vmax.f32 v2, v0  }
0x198: {  	s18 =	sadd.s32 $0xFFFFFFFF, s18;
	p1 =	por $0x1, $0x1;
	v17 =	vmovc v6;
	v9 =	vld [tilespmem:s10+$0x30];
	v3 =	vmax.f32 v3, v13;
	v4 =	vmax.f32 v4, v15;
	v13 =	vmovc v7;
	v15 =	vmov v8  }
.LBB2_21:
0x199: {  	p2 =	sne.s32 s18, $0x1;
	v0 =	vld [tilespmem:s10+$0xFFFFFFD0];
	v13 =	vmax.f32 v13, v10  }
0x19a: {  	v15 =	vmax.f32 v15, v11;
	v18 =	vld [tilespmem:s10+$0xFFFFFFE0]  }
0x19b: {  	v16 =	vmax.f32 v16, v12;
	v19 =	vld [tilespmem:s10+$0xFFFFFFF0]  }
.Ltmp15:
0x19c: {  	v17 =	vmax.f32 v17, v14;
	v10 =	vld [tilespmem:s10+$0x0];
	(pc) =	sbr.rel @p2 .LBB2_21-.Ltmp15, $4  }
0x19d: {  	v1 =	vmax.f32 v1, v9;
	v11 =	vld [tilespmem:s10+$0x10]  }
0x19e: {  	v2 =	vmax.f32 v2, v0;
	v12 =	vld [tilespmem:s10+$0x20]  }
0x19f: {  	v14 =	vld [tilespmem:s10+$0xFFFFFFC0];
	v3 =	vmax.f32 v3, v18;
	s10 =	sadd.s32 $0x300, s10  }
0x1a0: {  	s18 =	sadd.s32 $0xFFFFFFFF, s18;
	v9 =	vld [tilespmem:s10+$0x30];
	v4 =	vmax.f32 v4, v19  }
.Ltmp16:
0x1a1: {  	_ = 	snop;
	(pc) =	sbr.rel .LBB2_22-.Ltmp16, $1  }
0x1a2: {  	_ =	sdelay $0x3  }
.LBB2_20:
.Ltmp17:
0x1a3: {  	(pc) =	sbr.rel .LBB2_22-.Ltmp17, $2  }
0x1a4: {  	_ =	sdelay $0x2  }
0x1a5: {  	v13 =	vmovc v7;
	v15 =	vmov v8;
	v16 =	vmov v5;
	v17 =	vmov v6  }
.LBB2_25:
0x1a6: {  	s0 =	simm.s32 $0x9000  }
0x1a7: {  	v1 =	vld [tilespmem:s0+$0x0]  }
0x1a8: {  	s2 =	simm.s32 $0x0;
	s6 =	sadd.s32 $0x0, s24  }
0x1a9: {  	s6 =	sand.u32 $0x3F80, s6;
	s7 =	sand.u32 $0x70, s2  }
0x1aa: {  	s2 =	simm.s32 $0x10;
	s6 =	sor.u32 s7, s6  }
.LBB2_26:
0x1ab: {  	p0 =	sne.s32 s2, $0x2F0  }
0x1ac: {  	[tilespmem:s6+$0xAC00] =	vst v1;
	s0 =	sadd.s32 $0x10, s0;
	s6 =	smov.u32 s2;
	s2 =	sadd.s32 $0x10, s2  }
.Ltmp18:
0x1ad: {  	v1 =	vld [tilespmem:s0+$0x0];
	(pc) =	sbr.rel @p0 .LBB2_26-.Ltmp18, $4  }
0x1ae: {  	_ = 	snop  }
0x1af: {  	s7 =	sadd.s32 s6, s24  }
0x1b0: {  	s6 =	sand.u32 $0x70, s6;
	s7 =	sand.u32 $0x3F80, s7  }
0x1b1: {  	s6 =	sor.u32 s6, s7  }
0x1b2: {  	s25 =	sadd.s32 $0x1, s25  }
0x1b3: {  	p0 =	sne.s32 s25, $0x8  }
.Ltmp19:
0x1b4: {  	_ = 	snop;
	(pc) =	sbr.rel @p0 .LBB2_10-.Ltmp19, $2  }
0x1b5: {  	_ =	sdelay $0x2  }
0x1b6: {  	[tilespmem:s6+$0xAC00] =	vst v1;
	s24 =	sadd.s32 $0x300, s24  }
0x1b7: {  	s0 =	rddreg [dreg:$0x8];
	s2 =	simm.s32 $0xAC00;
	s7 =	simm.s32 $0x4  }
0x1b8: {  	[hbm4b:s0+s1] =	stream.linear.scatter [tilespmem:s2], [sflag:$0x4], $0x1800, $0x38;
	[tilespmem:$0xC400] =	vst v63  }
0x1b9: {  	_ =	swait.ge [sflag:s7], $0x1800  }
0x1ba: {  	s30 =	rddreg [dreg:$0xa]  }
0x1bb: {  	s31 =	rddreg [dreg:$0x9];
	s2 =	sadd.s32 $0x1, s30  }
0x1bc: {  	p0 =	sne.s32 s2, s31  }
.Ltmp20:
0x1bd: {  	_ = 	snop;
	(pc) =	sbr.rel @p0 .LBB2_1-.Ltmp20, $3  }
0x1be: {  	_ =	sdelay $0x1  }
0x1bf: {  	[sflag:s7] =	ssyncset.done $0x0  }
0x1c0: {  	[sflag:s7] =	ssyncadd.s32 $0xFFFFE800  }
0x1c1: {  	_ =	sfence.sel $0x180000  }
0x1c2: {  	[bflag:$0x0] =	sbarrier.arrive $0xFFFF  }
0x1c3: {  	_ =	strace $0x90000047  }
0x1c4: {  	s0 =	stileid.u32;
	[bflag:$0x2] =	sbarrier.arrive $0xFFFF  }
0x1c5: {  	p0 =	sne.s32 s0, $0x0;
	s0 =	rddreg [dreg:$0x2]  }
0x1c6: {  	s0 =	sadd.s32 @!p0 $0x100000, s0  }
0x1c7: {  	[sflag:s0] =	ssyncadd.tile.s32 @!p0 $0x1;
	_ =	shalt  }
.Lfunc_end2:
_tile_overlayer_lowered:
.L_overlay_start_2:
0x1c8: {  	(tag) =	ssettag $0x2  }
0x1c9: {  	s0 =	rddreg [dreg:$0x0];
	s2 =	stileid.u32  }
0x1ca: {  	s1 =	rddreg [dreg:$0x1];
	p0 =	sne.s32 s2, $0x0  }
0x1cb: {  	s3 =	rddreg [dreg:$0x2];
	[bflag:$0x3] =	sbarrier.arrive $0xFFFF;
	s2 =	simm.s32 @!p0 $0x1C04  }
0x1cc: {  	[timem:s3], [sflag:s2] =	dma.local @!p0 [hbm:s0], s1  }
0x1cd: {  	s0 =	simm.s32 @!p0 $0x4  }
0x1ce: {  	_ =	swait.ge @!p0 [sflag:s0], s1  }
0x1cf: {  	s1 =	ssub.s32 @!p0 $0x0, s1;
	[sflag:s0] =	ssyncset.done @!p0 $0x0  }
0x1d0: {  	[sflag:s0] =	ssyncadd.s32 @!p0 s1  }
0x1d1: {  	[bflag:$0x3] =	sbarrier.arrive $0xFFFF  }
0x1d2: {  	_ =	shalt  }

</sc_bundles>
